<compile_context>
chip_gen: v7x
topology: tpu7x:2x2x1
jax: 0.10.2.dev20260603
libtpu: 0.0.44.dev20260713+nightly
codegen_flags: <defaults>
</compile_context>

<pallas_src>
import functools

import jax
import jax.numpy as jnp
import numpy as np
from jax import lax
from jax.experimental import pallas as pl
from jax.experimental.pallas import tpu as pltpu
from jax.experimental.pallas import tpu_sc as plsc

EPS = 1e-5
L = 16

B = 16
N = 2048
NFEAT = 64
NP1, NS1 = 32, 8
NP2, NS2 = 16, 8
R2 = 1.0
D1 = 128
D2 = 1152


def _lane_iota():
    return lax.iota(jnp.int32, L)


def _splat_i32(x):
    return jnp.full((L,), x, jnp.int32)


def _splat_f32(x):
    return jnp.full((L,), x, jnp.float32)


def _fps(xv, yv, zv, distv, fpsv, npts, npoint, uf):
    nchunk = npts // L
    lane = _lane_iota()

    def init_chunk(j, _):
        for u in range(uf):
            distv[pl.ds((j * uf + u) * L, L)] = _splat_f32(1e10)
        return 0

    lax.fori_loop(0, nchunk // uf, init_chunk, 0)

    def step(s, far):
        plsc.store_scatter(fpsv, [_splat_i32(s)], _splat_i32(far),
                           mask=lane == 0)
        farv = _splat_i32(far)
        cx = plsc.load_gather(xv, [farv])
        cy = plsc.load_gather(yv, [farv])
        cz = plsc.load_gather(zv, [farv])

        def chunk(jj, carry):
            bmax, bchunk = carry
            for u in range(uf):
                j = jj * uf + u
                sl = pl.ds(j * L, L)
                xs = xv[sl]
                ys = yv[sl]
                zs = zv[sl]
                dd = ((xs - cx) * (xs - cx) + (ys - cy) * (ys - cy)) \
                    + (zs - cz) * (zs - cz)
                dmin = jnp.minimum(distv[sl], dd)
                distv[sl] = dmin
                upd = dmin > bmax
                bmax = jnp.where(upd, dmin, bmax)
                bchunk = jnp.where(upd, _splat_i32(j), bchunk)
            return bmax, bchunk

        bmax, bchunk = lax.fori_loop(
            0, nchunk // uf, chunk,
            (_splat_f32(-jnp.inf), _splat_i32(0)))
        m = jnp.max(bmax)
        cand = jnp.where(bmax == m, bchunk * L + lane, _splat_i32(npts))
        return jnp.min(cand)

    lax.fori_loop(0, npoint, step, jnp.int32(0))


def _fps_split(xv, yv, zv, distv, fpsv, mshare, mloc, h, sid, npts, npoint,
               uf):
    half = npts // 2
    nchunk = half // L
    lane = _lane_iota()

    def init_chunk(j, _):
        for u in range(uf):
            distv[pl.ds((j * uf + u) * L, L)] = _splat_f32(1e10)
        return 0

    lax.fori_loop(0, nchunk // uf, init_chunk, 0)

    def step(s, far):
        plsc.store_scatter(fpsv, [_splat_i32(s)], _splat_i32(far),
                           mask=lane == 0)
        farv = _splat_i32(far)
        cx = plsc.load_gather(xv, [farv])
        cy = plsc.load_gather(yv, [farv])
        cz = plsc.load_gather(zv, [farv])

        def chunk(jj, carry):
            bmax, bchunk = carry
            for u in range(uf):
                j = jj * uf + u
                xs = xv[pl.ds(h * half + j * L, L)]
                ys = yv[pl.ds(h * half + j * L, L)]
                zs = zv[pl.ds(h * half + j * L, L)]
                dd = ((xs - cx) * (xs - cx) + (ys - cy) * (ys - cy)) \
                    + (zs - cz) * (zs - cz)
                dmin = jnp.minimum(distv[pl.ds(j * L, L)], dd)
                distv[pl.ds(j * L, L)] = dmin
                upd = dmin > bmax
                bmax = jnp.where(upd, dmin, bmax)
                bchunk = jnp.where(upd, _splat_i32(j), bchunk)
            return bmax, bchunk

        bmax, bchunk = lax.fori_loop(
            0, nchunk // uf, chunk,
            (_splat_f32(-jnp.inf), _splat_i32(0)))
        m = jnp.max(bmax)
        cand = jnp.where(bmax == m, h * half + bchunk * L + lane,
                         _splat_i32(npts))
        gi = jnp.min(cand)

        p = s % 2
        mloc[...] = jnp.where(lane == 0, jnp.full((L,), m),
                              jnp.where(lane == 1,
                                        jnp.full((L,), gi.astype(jnp.float32)),
                                        _splat_f32(0.0)))
        pltpu.sync_copy(mloc, mshare.at[pl.ds((p * L + sid) * L, L)])
        plsc.subcore_barrier()
        pltpu.sync_copy(mshare.at[pl.ds((p * L + (sid ^ 1)) * L, L)], mloc)
        other = mloc[...]
        m2 = other[0]
        g2 = other[1].astype(jnp.int32)
        far2 = jnp.where(m2 > m, g2,
                         jnp.where(m2 == m, jnp.minimum(gi, g2), gi))
        return far2

    lax.fori_loop(0, npoint, step, jnp.int32(0))


def _ball_query(xv, yv, zv, cxs, cys, czs, cbuf, glistv, npts, s_base,
                n_cent, row_base):
    nchunk = npts // L
    lane = _lane_iota()

    def one(t, _):
        sv = _splat_i32(s_base + t)
        cx = plsc.load_gather(cxs, [sv])
        cy = plsc.load_gather(cys, [sv])
        cz = plsc.load_gather(czs, [sv])

        def chunk(j, c):
            sl = pl.ds(j * L, L)
            xs = xv[sl]
            ys = yv[sl]
            zs = zv[sl]
            dd = ((xs - cx) * (xs - cx) + (ys - cy) * (ys - cy)) \
                + (zs - cz) * (zs - cz)
            mask = jnp.logical_not(dd > R2)
            gi = j * L + lane
            cs = jnp.minimum(c, NS1)
            plsc.store_compressed(cbuf.at[pl.ds(cs, L)], gi, mask=mask)
            cnt = plsc.all_reduce_population_count(mask)[0]
            return c + cnt

        c = lax.fori_loop(0, nchunk, chunk, jnp.int32(0))
        row = cbuf[pl.ds(0, L)]
        first = plsc.load_gather(cbuf, [_splat_i32(0)])
        fixed = jnp.where(lane < jnp.minimum(c, NS1), row, first)
        plsc.store_scatter(glistv, [t * NS1 + lane],
                           fixed + _splat_i32(row_base), mask=lane < NS1)
        return 0

    lax.fori_loop(0, n_cent, one, 0)


def _sc_stage1(xyz, table1):
    mesh = plsc.VectorSubcoreMesh(core_axis_name="c", subcore_axis_name="s",
                                  num_cores=2, num_subcores=16)
    n_rows1 = B * NP1 * NS1

    @functools.partial(
        pl.kernel,
        out_type=(
            jax.ShapeDtypeStruct((n_rows1, D1), jnp.float32),
            jax.ShapeDtypeStruct((B * 3 * NP1,), jnp.float32),
            jax.ShapeDtypeStruct((B * NP2 * NS2,), jnp.int32),
            jax.ShapeDtypeStruct((B * 3 * NP2,), jnp.float32),
        ),
        mesh=mesh,
        scratch_types=[
            pltpu.VMEM((N,), jnp.float32),
            pltpu.VMEM((N,), jnp.float32),
            pltpu.VMEM((N,), jnp.float32),
            pltpu.VMEM((N,), jnp.float32),
            pltpu.VMEM((NP1,), jnp.int32),
            pltpu.VMEM((NP1,), jnp.float32),
            pltpu.VMEM((NP1,), jnp.float32),
            pltpu.VMEM((NP1,), jnp.float32),
            pltpu.VMEM((NS1 + L,), jnp.int32),
            pltpu.VMEM((L * NS1,), jnp.int32),
            pltpu.VMEM((L * NS1, D1), jnp.float32),
            pltpu.VMEM((NP2,), jnp.int32),
            pltpu.VMEM((NP2,), jnp.float32),
            pltpu.VMEM((NP2,), jnp.float32),
            pltpu.VMEM((NP2,), jnp.float32),
            pltpu.VMEM_SHARED((2 * L * L,), jnp.float32),
            pltpu.VMEM((L,), jnp.float32),
            pltpu.SemaphoreType.DMA,
        ],
        compiler_params=pltpu.CompilerParams(needs_layout_passes=False),
    )
    def k(xyz_hbm, table_hbm, x1_hbm, cent1_hbm, glist2_hbm, cent2_hbm,
          xv, yv, zv, distv, fpsv, cxs, cys, czs, cbuf,
          glistv, rows, fps2v, cx2s, cy2s, cz2s, mshare, mloc, sem):
        sid = lax.axis_index("s")
        wid = lax.axis_index("c") * 16 + sid
        b = wid // 2
        h = wid % 2
        lane = _lane_iota()

        pltpu.sync_copy(xyz_hbm.at[pl.ds(b * 3 * N, N)], xv)
        pltpu.sync_copy(xyz_hbm.at[pl.ds(b * 3 * N + N, N)], yv)
        pltpu.sync_copy(xyz_hbm.at[pl.ds(b * 3 * N + 2 * N, N)], zv)

        _fps_split(xv, yv, zv, distv, fpsv, mshare, mloc, h, sid, N, NP1,
                   uf=4)

        for kk in range(NP1 // L):
            sl = pl.ds(kk * L, L)
            idxk = fpsv[sl]
            cxs[sl] = plsc.load_gather(xv, [idxk])
            cys[sl] = plsc.load_gather(yv, [idxk])
            czs[sl] = plsc.load_gather(zv, [idxk])

        _ball_query(xv, yv, zv, cxs, cys, czs, cbuf, glistv, N,
                    h * L, L, b * N)

        pltpu.async_copy(table_hbm.at[glistv], rows, sem).wait()

        def subcols(g, _):
            p16 = g * L + lane
            sidx = h * L + jnp.right_shift(p16, 3)
            for ci, cs in ((0, cxs), (1, cys), (2, czs)):
                civ = _splat_i32(ci)
                col = plsc.load_gather(rows, [p16, civ])
                cg = plsc.load_gather(cs, [sidx])
                plsc.store_scatter(rows, [p16, civ], col - cg)
            return 0

        lax.fori_loop(0, (L * NS1) // L, subcols, 0)

        pltpu.sync_copy(rows, x1_hbm.at[pl.ds(b * NP1 * NS1 + h * L * NS1,
                                              L * NS1)])

        @pl.when(h == 0)
        def _():
            pltpu.sync_copy(cxs, cent1_hbm.at[pl.ds(b * 3 * NP1, NP1)])
            pltpu.sync_copy(cys, cent1_hbm.at[pl.ds(b * 3 * NP1 + NP1, NP1)])
            pltpu.sync_copy(czs, cent1_hbm.at[pl.ds(b * 3 * NP1 + 2 * NP1,
                                                    NP1)])

            _fps(cxs, cys, czs, distv, fps2v, NP1, NP2, uf=2)
            idx2 = fps2v[pl.ds(0, L)]
            cx2s[pl.ds(0, L)] = plsc.load_gather(cxs, [idx2])
            cy2s[pl.ds(0, L)] = plsc.load_gather(cys, [idx2])
            cz2s[pl.ds(0, L)] = plsc.load_gather(czs, [idx2])

            _ball_query(cxs, cys, czs, cx2s, cy2s, cz2s, cbuf, glistv,
                        NP1, 0, NP2, b * NP1)
            pltpu.sync_copy(glistv,
                            glist2_hbm.at[pl.ds(b * NP2 * NS2, NP2 * NS2)])
            pltpu.sync_copy(cx2s, cent2_hbm.at[pl.ds(b * 3 * NP2, NP2)])
            pltpu.sync_copy(cy2s, cent2_hbm.at[pl.ds(b * 3 * NP2 + NP2, NP2)])
            pltpu.sync_copy(cz2s, cent2_hbm.at[pl.ds(b * 3 * NP2 + 2 * NP2,
                                                     NP2)])

    x1, cent1, glist2, cent2 = k(xyz.reshape(-1), table1)
    return (x1, cent1.reshape(B, 3, NP1), glist2.reshape(B, NP2 * NS2),
            cent2.reshape(B, 3, NP2))


def _sc_gather2(table2, glist2, cent2):
    mesh = plsc.VectorSubcoreMesh(core_axis_name="c", subcore_axis_name="s",
                                  num_cores=2, num_subcores=16)
    n_rows2 = B * NP2 * NS2
    half = (NP2 * NS2) // 2

    @functools.partial(
        pl.kernel,
        out_type=jax.ShapeDtypeStruct((n_rows2, D2), jnp.float32),
        mesh=mesh,
        scratch_types=[
            pltpu.VMEM((half,), jnp.int32),
            pltpu.VMEM((half, D2), jnp.float32),
            pltpu.VMEM((NP2,), jnp.float32),
            pltpu.VMEM((NP2,), jnp.float32),
            pltpu.VMEM((NP2,), jnp.float32),
            pltpu.SemaphoreType.DMA,
        ],
        compiler_params=pltpu.CompilerParams(needs_layout_passes=False),
    )
    def k(table_hbm, glist_hbm, cent_hbm, x2_hbm, idxv, rows, cx2, cy2, cz2,
          sem):
        wid = lax.axis_index("s") * 2 + lax.axis_index("c")
        b = wid // 2
        h = wid % 2
        lane = _lane_iota()

        pltpu.sync_copy(glist_hbm.at[pl.ds(b * NP2 * NS2 + h * half, half)],
                        idxv)
        pltpu.sync_copy(cent_hbm.at[pl.ds(b * 3 * NP2, NP2)], cx2)
        pltpu.sync_copy(cent_hbm.at[pl.ds(b * 3 * NP2 + NP2, NP2)], cy2)
        pltpu.sync_copy(cent_hbm.at[pl.ds(b * 3 * NP2 + 2 * NP2, NP2)], cz2)
        pltpu.async_copy(table_hbm.at[idxv], rows, sem).wait()

        def subcols(g, _):
            p16 = g * L + lane
            sidx = jnp.right_shift(h * half + p16, 3)
            for ci, cs in ((0, cx2), (1, cy2), (2, cz2)):
                civ = _splat_i32(ci)
                col = plsc.load_gather(rows, [p16, civ])
                cg = plsc.load_gather(cs, [sidx])
                plsc.store_scatter(rows, [p16, civ], col - cg)
            return 0

        lax.fori_loop(0, half // L, subcols, 0)
        pltpu.sync_copy(rows, x2_hbm.at[pl.ds(b * NP2 * NS2 + h * half,
                                              half)])

    return k(table2, glist2.reshape(-1), cent2.reshape(-1))


def _mlp_pool_kernel(x_ref, w1_ref, b1_ref, w2_ref, b2_ref, w3_ref, b3_ref,
                     out_ref, *, pool):
    x = x_ref[...]
    h = jnp.maximum(
        jnp.dot(x, w1_ref[...], preferred_element_type=jnp.float32)
        + b1_ref[...], 0.0)
    h = jnp.maximum(
        jnp.dot(h, w2_ref[...], preferred_element_type=jnp.float32)
        + b2_ref[...], 0.0)
    h = jnp.maximum(
        jnp.dot(h, w3_ref[...], preferred_element_type=jnp.float32)
        + b3_ref[...], 0.0)
    npts, c = h.shape
    out_ref[...] = jnp.max(h.reshape(npts // pool, pool, c), axis=1)


def _mlp_pool(x, ws, bs, pool, block):
    p, cin = x.shape
    grid = p // block
    c1, c2, c3 = ws[0].shape[1], ws[1].shape[1], ws[2].shape[1]
    return pl.pallas_call(
        functools.partial(_mlp_pool_kernel, pool=pool),
        grid=(grid,),
        in_specs=[
            pl.BlockSpec((block, cin), lambda i: (i, 0)),
            pl.BlockSpec((cin, c1), lambda i: (0, 0)),
            pl.BlockSpec((1, c1), lambda i: (0, 0)),
            pl.BlockSpec((c1, c2), lambda i: (0, 0)),
            pl.BlockSpec((1, c2), lambda i: (0, 0)),
            pl.BlockSpec((c2, c3), lambda i: (0, 0)),
            pl.BlockSpec((1, c3), lambda i: (0, 0)),
        ],
        out_specs=pl.BlockSpec((block // pool, c3), lambda i: (i, 0)),
        out_shape=jax.ShapeDtypeStruct((p // pool, c3), jnp.float32),
    )(x, ws[0], bs[0], ws[1], bs[1], ws[2], bs[2])


def _mlp3_head_kernel(x_ref, w1_ref, b1_ref, w2_ref, b2_ref, w3_ref, b3_ref,
                      f1w_ref, f1b_ref, f2w_ref, f2b_ref, f3w_ref, f3b_ref,
                      out_ref):
    x = x_ref[...]
    h = jnp.maximum(
        jnp.dot(x, w1_ref[...], preferred_element_type=jnp.float32)
        + b1_ref[...], 0.0)
    h = jnp.maximum(
        jnp.dot(h, w2_ref[...], preferred_element_type=jnp.float32)
        + b2_ref[...], 0.0)
    h = jnp.maximum(
        jnp.dot(h, w3_ref[...], preferred_element_type=jnp.float32)
        + b3_ref[...], 0.0)
    npts, c = h.shape
    g = jnp.max(h.reshape(B, npts // B, c), axis=1)
    y = jnp.maximum(
        jnp.dot(g, f1w_ref[...], preferred_element_type=jnp.float32)
        + f1b_ref[...], 0.0)
    y = jnp.maximum(
        jnp.dot(y, f2w_ref[...], preferred_element_type=jnp.float32)
        + f2b_ref[...], 0.0)
    logit = jnp.dot(y, f3w_ref[...], preferred_element_type=jnp.float32) \
        + f3b_ref[...]
    out_ref[...] = 1.0 / (1.0 + jnp.exp(-logit))


def _fold_bn(lyr):
    s = lyr['gamma'] / jnp.sqrt(1.0 + EPS)
    w = lyr['W'].T * s[None, :]
    bb = lyr['b'] * s + lyr['beta']
    return w, bb.reshape(1, -1)


def _pad_rows(w, rows):
    return jnp.pad(w, ((0, rows - w.shape[0]), (0, 0)))


def kernel(xyz, feat, params):
    xyz = xyz.astype(jnp.float32)
    feat = feat.astype(jnp.float32)

    xyz_t = jnp.transpose(xyz, (0, 2, 1))
    feat_t = jnp.transpose(feat, (0, 2, 1))
    table1 = jnp.concatenate(
        [xyz_t, feat_t, jnp.zeros((B, N, D1 - 3 - NFEAT), jnp.float32)],
        axis=-1).reshape(B * N, D1)

    x1, cent1, glist2, cent2 = _sc_stage1(xyz, table1)

    sa1 = [_fold_bn(l) for l in params['sa1']]
    sa2 = [_fold_bn(l) for l in params['sa2']]
    sa3 = [_fold_bn(l) for l in params['sa3']]
    w1a = _pad_rows(sa1[0][0], D1)
    w2a = _pad_rows(sa2[0][0], D2)
    w3a = _pad_rows(sa3[0][0], D2)

    l1 = _mlp_pool(x1, [w1a, sa1[1][0], sa1[2][0]],
                   [sa1[0][1], sa1[1][1], sa1[2][1]], pool=NS1, block=512)

    cent1_rows = jnp.transpose(cent1, (0, 2, 1)).reshape(B * NP1, 3)
    table2 = jnp.concatenate(
        [cent1_rows, l1, jnp.zeros((B * NP1, D2 - 3 - 1024), jnp.float32)],
        axis=-1)

    x2 = _sc_gather2(table2, glist2, cent2)

    l2 = _mlp_pool(x2, [w2a, sa2[1][0], sa2[2][0]],
                   [sa2[0][1], sa2[1][1], sa2[2][1]], pool=NS2, block=512)

    cent2_rows = jnp.transpose(cent2, (0, 2, 1)).reshape(B * NP2, 3)
    x3 = jnp.concatenate(
        [cent2_rows, l2, jnp.zeros((B * NP2, D2 - 3 - 1024), jnp.float32)],
        axis=-1)

    sbn = 1.0 / jnp.sqrt(1.0 + EPS)
    f1w = params['fc1W'].T * (params['bn1g'] * sbn)[None, :]
    f1b = (params['fc1b'] * params['bn1g'] * sbn
           + params['bn1b']).reshape(1, -1)
    f2w = params['fc2W'].T * (params['bn2g'] * sbn)[None, :]
    f2b = (params['fc2b'] * params['bn2g'] * sbn
           + params['bn2b']).reshape(1, -1)
    f3w = params['fc3W'].T
    f3b = params['fc3b'].reshape(1, -1)

    out = pl.pallas_call(
        _mlp3_head_kernel,
        out_shape=jax.ShapeDtypeStruct((B, 1), jnp.float32),
    )(x3, w3a, sa3[0][1], sa3[1][0], sa3[1][1], sa3[2][0], sa3[2][1],
      f1w, f1b, f2w, f2b, f3w, f3b)
    return out

# --- scband reference (transcript-rebuilt; emitter-appended) ---
"""Pipeline reference for scband-point-net2-cls-ssg-42030549958919 (READ-ONLY COPY).

The authoritative reference and input builder live on the scoring server;
editing this copy changes nothing except your own understanding.
"""

import jax, jax.numpy as jnp
import numpy as np

EPS = 1e-5

def square_distance(src, dst):
    return jnp.sum((src[:, :, None, :] - dst[:, None, :, :]) ** 2, axis=-1)

def index_points(points, idx):
    B = points.shape[0]
    batch = jnp.arange(B).reshape((B,) + (1,) * (idx.ndim - 1))
    return points[batch, idx]

def farthest_point_sample(xyz, npoint):
    B, N, _ = xyz.shape
    def body(carry, _):
        distance, farthest = carry
        centroid = xyz[jnp.arange(B), farthest]
        dist = jnp.sum((xyz - centroid[:, None, :]) ** 2, axis=-1)
        distance = jnp.minimum(distance, dist)
        nxt = jnp.argmax(distance, axis=-1).astype(jnp.int32)
        return (distance, nxt), farthest
    init = (jnp.full((B, N), 1e10, dtype=xyz.dtype), jnp.zeros((B,), dtype=jnp.int32))
    _, idxs = jax.lax.scan(body, init, None, length=npoint)
    return jnp.transpose(idxs, (1, 0))

def query_ball_point(radius, nsample, xyz, new_xyz):
    B, N, _ = xyz.shape
    S = new_xyz.shape[1]
    sqrdists = square_distance(new_xyz, xyz)
    group_idx = jnp.broadcast_to(jnp.arange(N, dtype=jnp.int32), (B, S, N))
    group_idx = jnp.where(sqrdists > radius ** 2, N, group_idx)
    group_idx = jnp.sort(group_idx, axis=-1)[:, :, :nsample]
    group_first = jnp.broadcast_to(group_idx[:, :, :1], group_idx.shape)
    return jnp.where(group_idx == N, group_first, group_idx)

def sample_and_group(npoint, radius, nsample, xyz, points):
    fps_idx = farthest_point_sample(xyz, npoint)
    new_xyz = index_points(xyz, fps_idx)
    idx = query_ball_point(radius, nsample, xyz, new_xyz)
    grouped_xyz = index_points(xyz, idx)
    grouped_xyz_norm = grouped_xyz - new_xyz[:, :, None, :]
    if points is not None:
        grouped_points = index_points(points, idx)
        new_points = jnp.concatenate([grouped_xyz_norm, grouped_points], axis=-1)
    else:
        new_points = grouped_xyz_norm
    return new_xyz, new_points

def sample_and_group_all(xyz, points):
    B, N, _ = xyz.shape
    new_xyz = jnp.zeros((B, 1, 3), dtype=xyz.dtype)
    grouped_xyz = xyz[:, None, :, :]
    if points is not None:
        new_points = jnp.concatenate([grouped_xyz, points[:, None, :, :]], axis=-1)
    else:
        new_points = grouped_xyz
    return new_xyz, new_points

def set_abstraction(xyz, points, npoint, radius, nsample, group_all, layers):
    xyz = jnp.transpose(xyz, (0, 2, 1))
    if points is not None:
        points = jnp.transpose(points, (0, 2, 1))
    if group_all:
        new_xyz, new_points = sample_and_group_all(xyz, points)
    else:
        new_xyz, new_points = sample_and_group(npoint, radius, nsample, xyz, points)
    new_points = jnp.transpose(new_points, (0, 3, 2, 1))
    for lyr in layers:
        new_points = jnp.einsum('oc,bcns->bons', lyr['W'], new_points) + lyr['b'][None, :, None, None]
        new_points = new_points / jnp.sqrt(1.0 + EPS) * lyr['gamma'][None, :, None, None] + lyr['beta'][None, :, None, None]
        new_points = jax.nn.relu(new_points)
    new_points = jnp.max(new_points, axis=2)
    new_xyz = jnp.transpose(new_xyz, (0, 2, 1))
    return new_xyz, new_points

def _sa_params(key, chans):
    layers = []
    for i in range(len(chans) - 1):
        key, k1 = jax.random.split(key)
        layers.append({
            'W': jax.random.normal(k1, (chans[i + 1], chans[i]), dtype=jnp.float32) * 0.02,
            'b': jnp.zeros((chans[i + 1],), jnp.float32),
            'gamma': jnp.ones((chans[i + 1],), jnp.float32),
            'beta': jnp.zeros((chans[i + 1],), jnp.float32),
        })
    return layers

def setup_inputs(seed: int = 0):
    key = jax.random.key(seed)
    ks = jax.random.split(key, 10)
    nfeats = 64
    B, N = 16, 2048
    xyz = jax.random.normal(ks[0], (B, 3, N), dtype=jnp.float32)
    feat = jax.random.normal(ks[1], (B, nfeats, N), dtype=jnp.float32)
    params = {
        'sa1': _sa_params(ks[2], [nfeats + 3, 256, 512, 1024]),
        'sa2': _sa_params(ks[3], [1024 + 3, 256, 512, 1024]),
        'sa3': _sa_params(ks[4], [1024 + 3, 256, 512, 1024]),
        'fc1W': jax.random.normal(ks[5], (512, 1024), dtype=jnp.float32) * 0.02,
        'fc1b': jnp.zeros((512,), jnp.float32),
        'bn1g': jnp.ones((512,), jnp.float32),
        'bn1b': jnp.zeros((512,), jnp.float32),
        'fc2W': jax.random.normal(ks[6], (256, 512), dtype=jnp.float32) * 0.02,
        'fc2b': jnp.zeros((256,), jnp.float32),
        'bn2g': jnp.ones((256,), jnp.float32),
        'bn2b': jnp.zeros((256,), jnp.float32),
        'fc3W': jax.random.normal(ks[7], (1, 256), dtype=jnp.float32) * 0.02,
        'fc3b': jnp.zeros((1,), jnp.float32),
    }
    return {'xyz': xyz, 'feat': feat, 'params': params}

def _forward(xyz, feat, params):
    B = xyz.shape[0]
    l1_xyz, l1_points = set_abstraction(xyz, feat, 32, 1.0, 8, False, params['sa1'])
    l2_xyz, l2_points = set_abstraction(l1_xyz, l1_points, 16, 1.0, 8, False, params['sa2'])
    l3_xyz, l3_points = set_abstraction(l2_xyz, l2_points, None, None, None, True, params['sa3'])
    x = l3_points.reshape(B, 1024)
    x = x @ params['fc1W'].T + params['fc1b']
    x = x / jnp.sqrt(1.0 + EPS) * params['bn1g'] + params['bn1b']
    x = jax.nn.relu(x)
    x = x @ params['fc2W'].T + params['fc2b']
    x = x / jnp.sqrt(1.0 + EPS) * params['bn2g'] + params['bn2b']
    x = jax.nn.relu(x)
    x = x @ params['fc3W'].T + params['fc3b']
    return jax.nn.sigmoid(x)

def reference(xyz, feat, params):
    return _forward(xyz, feat, params)

if __name__ == "__main__":
    import jax
    _d = setup_inputs()
    print(jax.jit(kernel)(*tuple(_d.values())))

</pallas_src>

<mosaic_0001>
#map = affine_map<(d0, d1) -> (0, 0)>
#map1 = affine_map<(d0, d1) -> (0)>
module attributes {stable_mosaic.version = 14 : i64} {
  func.func @k(%arg0: i32, %arg1: i32, %arg2: memref<512x1152xf32, #tpu.memory_space<hbm>>, %arg3: memref<2048xi32, #tpu.memory_space<hbm>>, %arg4: memref<768xf32, #tpu.memory_space<hbm>>, %arg5: memref<2048x1152xf32, #tpu.memory_space<hbm>>, %arg6: memref<64xi32, #tpu.memory_space<vmem>>, %arg7: memref<64x1152xf32, #tpu.memory_space<vmem>>, %arg8: memref<16xf32, #tpu.memory_space<vmem>>, %arg9: memref<16xf32, #tpu.memory_space<vmem>>, %arg10: memref<16xf32, #tpu.memory_space<vmem>>, %arg11: memref<!tpu.dma_semaphore, #tpu.memory_space<semaphore_mem>>) attributes {dimension_semantics = [#tpu.dimension_semantics<core_parallel>, #tpu.dimension_semantics<subcore_parallel>], iteration_bounds = array<i64: 2, 16>, scalar_prefetch = 0 : i64, scratch_operands = 6 : i64, tpu.core_type = #tpu.core_type<sc_vector_subcore>, window_params = [{transform_indices = #map}, {transform_indices = #map1}, {transform_indices = #map1}, {transform_indices = #map}]} {
    %mul3A = arith.constant 2 : i32
    %mul3A_0 = arith.muli %arg1, %mul3A : i32
    %add3A = arith.addi %mul3A_0, %arg0 : i32
    %jit3A = arith.constant 2 : i32
    %div3A = arith.divsi %add3A, %jit3A : i32
    %sign3A = arith.constant 0 : i32
    %sign3A_1 = arith.cmpi sgt, %add3A, %sign3A : i32
    %sign3A_2 = arith.extui %sign3A_1 : i1 to i32
    %sign3A_3 = arith.constant 0 : i32
    %sign3A_4 = arith.cmpi slt, %add3A, %sign3A_3 : i32
    %sign3A_5 = arith.extui %sign3A_4 : i1 to i32
    %sign3A_6 = arith.subi %sign3A_2, %sign3A_5 : i32
    %sign3A_7 = arith.constant 0 : i32
    %sign3A_8 = arith.cmpi sgt, %jit3A, %sign3A_7 : i32
    %sign3A_9 = arith.extui %sign3A_8 : i1 to i32
    %sign3A_10 = arith.constant 0 : i32
    %sign3A_11 = arith.cmpi slt, %jit3A, %sign3A_10 : i32
    %sign3A_12 = arith.extui %sign3A_11 : i1 to i32
    %sign3A_13 = arith.subi %sign3A_9, %sign3A_12 : i32
    %ne3A = arith.cmpi ne, %sign3A_6, %sign3A_13 : i32
    %rem3A = arith.remsi %add3A, %jit3A : i32
    %ne3A_14 = arith.constant 0 : i32
    %ne3A_15 = arith.cmpi ne, %rem3A, %ne3A_14 : i32
    %and3A = arith.andi %ne3A, %ne3A_15 : i1
    %sub3A = arith.constant 1 : i32
    %sub3A_16 = arith.subi %div3A, %sub3A : i32
    %select_n3A = arith.select %and3A, %sub3A_16, %div3A : i32
    %jit3A_17 = arith.constant 2 : i32
    %eq3A = arith.constant 0 : i32
    %eq3A_18 = arith.cmpi eq, %jit3A_17, %eq3A : i32
    %jit3A_19 = arith.constant 1 : i32
    %select_n3A_20 = arith.select %eq3A_18, %jit3A_19, %jit3A_17 : i32
    %rem3A_21 = arith.remsi %add3A, %select_n3A_20 : i32
    %ne3A_22 = arith.constant 0 : i32
    %ne3A_23 = arith.cmpi ne, %rem3A_21, %ne3A_22 : i32
    %lt3A = arith.constant 0 : i32
    %lt3A_24 = arith.cmpi slt, %rem3A_21, %lt3A : i32
    %lt3A_25 = arith.constant 0 : i32
    %lt3A_26 = arith.cmpi slt, %select_n3A_20, %lt3A_25 : i32
    %ne3A_27 = arith.xori %lt3A_24, %lt3A_26 : i1
    %and3A_28 = arith.andi %ne3A_27, %ne3A_23 : i1
    %add3A_29 = arith.addi %rem3A_21, %select_n3A_20 : i32
    %select_n3A_30 = arith.select %and3A_28, %add3A_29, %rem3A_21 : i32
    %iota3A = tpu.iota {dimensions = array<i32: 0>} : vector<16xi32>
    %mul3A_31 = arith.constant 16 : i32
    %mul3A_32 = arith.muli %select_n3A, %mul3A_31 : i32
    %mul3A_33 = arith.constant 8 : i32
    %mul3A_34 = arith.muli %mul3A_32, %mul3A_33 : i32
    %mul3A_35 = arith.constant 64 : i32
    %mul3A_36 = arith.muli %select_n3A_30, %mul3A_35 : i32
    %add3A_37 = arith.addi %mul3A_34, %mul3A_36 : i32
    "tpu.region"() ({
      %run_scoped3A = tpu.sem_alloc : memref<!tpu.dma_semaphore, #tpu.memory_space<semaphore_mem>>
      %dma_start3A_71 = tpu.memref_slice %arg3[%add3A_37] : memref<2048xi32, #tpu.memory_space<hbm>> -> memref<64xi32, #tpu.memory_space<hbm>>
      %dma_start3A_72 = tpu.memref_slice %arg3[%add3A_37] : memref<2048xi32, #tpu.memory_space<hbm>> -> memref<64xi32, #tpu.memory_space<hbm>>
      tpu.enqueue_dma source(%dma_start3A_72 : memref<64xi32, #tpu.memory_space<hbm>>) target(%arg6 : memref<64xi32, #tpu.memory_space<vmem>>) target_semaphore(%run_scoped3A : memref<!tpu.dma_semaphore, #tpu.memory_space<semaphore_mem>>)
      %dma_wait3A_73 = tpu.memref_slice %arg3[%add3A_37] : memref<2048xi32, #tpu.memory_space<hbm>> -> memref<64xi32, #tpu.memory_space<hbm>>
      %dma_wait3A_74 = tpu.memref_slice %arg3[%add3A_37] : memref<2048xi32, #tpu.memory_space<hbm>> -> memref<64xi32, #tpu.memory_space<hbm>>
      tpu.wait_dma2 semaphore(%run_scoped3A : memref<!tpu.dma_semaphore, #tpu.memory_space<semaphore_mem>>) src(%dma_wait3A_74 : memref<64xi32, #tpu.memory_space<hbm>>) dst(%arg6 : memref<64xi32, #tpu.memory_space<vmem>>)
      tpu.yield
    }) : () -> ()
    %mul3A_38 = arith.constant 3 : i32
    %mul3A_39 = arith.muli %select_n3A, %mul3A_38 : i32
    %mul3A_40 = arith.constant 16 : i32
    %mul3A_41 = arith.muli %mul3A_39, %mul3A_40 : i32
    "tpu.region"() ({
      %run_scoped3A = tpu.sem_alloc : memref<!tpu.dma_semaphore, #tpu.memory_space<semaphore_mem>>
      %dma_start3A_71 = tpu.memref_slice %arg4[%mul3A_41] : memref<768xf32, #tpu.memory_space<hbm>> -> memref<16xf32, #tpu.memory_space<hbm>>
      %dma_start3A_72 = tpu.memref_slice %arg4[%mul3A_41] : memref<768xf32, #tpu.memory_space<hbm>> -> memref<16xf32, #tpu.memory_space<hbm>>
      tpu.enqueue_dma source(%dma_start3A_72 : memref<16xf32, #tpu.memory_space<hbm>>) target(%arg8 : memref<16xf32, #tpu.memory_space<vmem>>) target_semaphore(%run_scoped3A : memref<!tpu.dma_semaphore, #tpu.memory_space<semaphore_mem>>)
      %dma_wait3A_73 = tpu.memref_slice %arg4[%mul3A_41] : memref<768xf32, #tpu.memory_space<hbm>> -> memref<16xf32, #tpu.memory_space<hbm>>
      %dma_wait3A_74 = tpu.memref_slice %arg4[%mul3A_41] : memref<768xf32, #tpu.memory_space<hbm>> -> memref<16xf32, #tpu.memory_space<hbm>>
      tpu.wait_dma2 semaphore(%run_scoped3A : memref<!tpu.dma_semaphore, #tpu.memory_space<semaphore_mem>>) src(%dma_wait3A_74 : memref<16xf32, #tpu.memory_space<hbm>>) dst(%arg8 : memref<16xf32, #tpu.memory_space<vmem>>)
      tpu.yield
    }) : () -> ()
    %mul3A_42 = arith.constant 3 : i32
    %mul3A_43 = arith.muli %select_n3A, %mul3A_42 : i32
    %mul3A_44 = arith.constant 16 : i32
    %mul3A_45 = arith.muli %mul3A_43, %mul3A_44 : i32
    %add3A_46 = arith.constant 16 : i32
    %add3A_47 = arith.addi %mul3A_45, %add3A_46 : i32
    "tpu.region"() ({
      %run_scoped3A = tpu.sem_alloc : memref<!tpu.dma_semaphore, #tpu.memory_space<semaphore_mem>>
      %dma_start3A_71 = tpu.memref_slice %arg4[%add3A_47] : memref<768xf32, #tpu.memory_space<hbm>> -> memref<16xf32, #tpu.memory_space<hbm>>
      %dma_start3A_72 = tpu.memref_slice %arg4[%add3A_47] : memref<768xf32, #tpu.memory_space<hbm>> -> memref<16xf32, #tpu.memory_space<hbm>>
      tpu.enqueue_dma source(%dma_start3A_72 : memref<16xf32, #tpu.memory_space<hbm>>) target(%arg9 : memref<16xf32, #tpu.memory_space<vmem>>) target_semaphore(%run_scoped3A : memref<!tpu.dma_semaphore, #tpu.memory_space<semaphore_mem>>)
      %dma_wait3A_73 = tpu.memref_slice %arg4[%add3A_47] : memref<768xf32, #tpu.memory_space<hbm>> -> memref<16xf32, #tpu.memory_space<hbm>>
      %dma_wait3A_74 = tpu.memref_slice %arg4[%add3A_47] : memref<768xf32, #tpu.memory_space<hbm>> -> memref<16xf32, #tpu.memory_space<hbm>>
      tpu.wait_dma2 semaphore(%run_scoped3A : memref<!tpu.dma_semaphore, #tpu.memory_space<semaphore_mem>>) src(%dma_wait3A_74 : memref<16xf32, #tpu.memory_space<hbm>>) dst(%arg9 : memref<16xf32, #tpu.memory_space<vmem>>)
      tpu.yield
    }) : () -> ()
    %mul3A_48 = arith.constant 3 : i32
    %mul3A_49 = arith.muli %select_n3A, %mul3A_48 : i32
    %mul3A_50 = arith.constant 16 : i32
    %mul3A_51 = arith.muli %mul3A_49, %mul3A_50 : i32
    %add3A_52 = arith.constant 32 : i32
    %add3A_53 = arith.addi %mul3A_51, %add3A_52 : i32
    "tpu.region"() ({
      %run_scoped3A = tpu.sem_alloc : memref<!tpu.dma_semaphore, #tpu.memory_space<semaphore_mem>>
      %dma_start3A_71 = tpu.memref_slice %arg4[%add3A_53] : memref<768xf32, #tpu.memory_space<hbm>> -> memref<16xf32, #tpu.memory_space<hbm>>
      %dma_start3A_72 = tpu.memref_slice %arg4[%add3A_53] : memref<768xf32, #tpu.memory_space<hbm>> -> memref<16xf32, #tpu.memory_space<hbm>>
      tpu.enqueue_dma source(%dma_start3A_72 : memref<16xf32, #tpu.memory_space<hbm>>) target(%arg10 : memref<16xf32, #tpu.memory_space<vmem>>) target_semaphore(%run_scoped3A : memref<!tpu.dma_semaphore, #tpu.memory_space<semaphore_mem>>)
      %dma_wait3A_73 = tpu.memref_slice %arg4[%add3A_53] : memref<768xf32, #tpu.memory_space<hbm>> -> memref<16xf32, #tpu.memory_space<hbm>>
      %dma_wait3A_74 = tpu.memref_slice %arg4[%add3A_53] : memref<768xf32, #tpu.memory_space<hbm>> -> memref<16xf32, #tpu.memory_space<hbm>>
      tpu.wait_dma2 semaphore(%run_scoped3A : memref<!tpu.dma_semaphore, #tpu.memory_space<semaphore_mem>>) src(%dma_wait3A_74 : memref<16xf32, #tpu.memory_space<hbm>>) dst(%arg10 : memref<16xf32, #tpu.memory_space<vmem>>)
      tpu.yield
    }) : () -> ()
    %dma_start3A = arith.constant 0 : i32
    %dma_start3A_54 = arith.constant 0 : i32
    %dma_start3A_55 = tpu.memref_slice %arg2[%dma_start3A, %dma_start3A_54] : memref<512x1152xf32, #tpu.memory_space<hbm>> -> memref<512x1152xf32, #tpu.memory_space<hbm>>
    tpu.enqueue_indirect_dma source(%dma_start3A_55 : memref<512x1152xf32, #tpu.memory_space<hbm>>) target(%arg7 : memref<64x1152xf32, #tpu.memory_space<vmem>>) offsets(%arg6 : memref<64xi32, #tpu.memory_space<vmem>>) semaphore(%arg11 : memref<!tpu.dma_semaphore, #tpu.memory_space<semaphore_mem>>)
    %dma_wait3A = arith.constant 0 : i32
    %dma_wait3A_56 = arith.constant 0 : i32
    %dma_wait3A_57 = tpu.memref_slice %arg2[%dma_wait3A, %dma_wait3A_56] : memref<512x1152xf32, #tpu.memory_space<hbm>> -> memref<512x1152xf32, #tpu.memory_space<hbm>>
    tpu.wait_indirect_dma semaphore(%arg11 : memref<!tpu.dma_semaphore, #tpu.memory_space<semaphore_mem>>) src(%dma_wait3A_57 : memref<512x1152xf32, #tpu.memory_space<hbm>>) dst(%arg7 : memref<64x1152xf32, #tpu.memory_space<vmem>>)
    %scan3A = arith.constant 0 : i32
    %scan3A_58 = arith.constant 0 : i32
    %scan3A_59 = arith.constant 4 : i32
    %scan3A_60 = arith.addi %scan3A_58, %scan3A_59 : i32
    %scan3A_61 = arith.constant 1 : i32
    %scan3A_62 = scf.for %scan3A_71 = %scan3A_58 to %scan3A_60 step %scan3A_61 iter_args(%scan3A_72 = %scan3A) -> (i32)  : i32 {
      %mul3A_73 = arith.constant 16 : i32
      %mul3A_74 = arith.muli %scan3A_71, %mul3A_73 : i32
      %add3A_75 = vector.broadcast %mul3A_74 : i32 to vector<16xi32>
      %add3A_76 = arith.addi %add3A_75, %iota3A : vector<16xi32>
      %mul3A_77 = arith.constant 64 : i32
      %mul3A_78 = arith.muli %select_n3A_30, %mul3A_77 : i32
      %add3A_79 = vector.broadcast %mul3A_78 : i32 to vector<16xi32>
      %add3A_80 = arith.addi %add3A_79, %add3A_76 : vector<16xi32>
      %shift_right_arithmetic3A = arith.constant 3 : i32
      %shift_right_arithmetic3A_81 = vector.broadcast %shift_right_arithmetic3A : i32 to vector<16xi32>
      %shift_right_arithmetic3A_82 = arith.shrsi %add3A_80, %shift_right_arithmetic3A_81 : vector<16xi32>
      %broadcast_in_dim3A = arith.constant 0 : i32
      %broadcast_in_dim3A_83 = vector.broadcast %broadcast_in_dim3A : i32 to vector<16xi32>
      %gather3A = tpu.vector_load_idx %arg7[%add3A_76, %broadcast_in_dim3A_83] : memref<64x1152xf32, #tpu.memory_space<vmem>>[vector<16xi32>, vector<16xi32>], vector<16xf32>,
      %gather3A_84 = tpu.vector_load_idx %arg8[%shift_right_arithmetic3A_82] : memref<16xf32, #tpu.memory_space<vmem>>[vector<16xi32>], vector<16xf32>,
      %sub3A_85 = arith.subf %gather3A, %gather3A_84 : vector<16xf32>
      tpu.vector_store_idx %arg7[%add3A_76, %broadcast_in_dim3A_83], %sub3A_85 : memref<64x1152xf32, #tpu.memory_space<vmem>>[vector<16xi32>, vector<16xi32>], vector<16xf32>,
      %broadcast_in_dim3A_86 = arith.constant 1 : i32
      %broadcast_in_dim3A_87 = vector.broadcast %broadcast_in_dim3A_86 : i32 to vector<16xi32>
      %gather3A_88 = tpu.vector_load_idx %arg7[%add3A_76, %broadcast_in_dim3A_87] : memref<64x1152xf32, #tpu.memory_space<vmem>>[vector<16xi32>, vector<16xi32>], vector<16xf32>,
      %gather3A_89 = tpu.vector_load_idx %arg9[%shift_right_arithmetic3A_82] : memref<16xf32, #tpu.memory_space<vmem>>[vector<16xi32>], vector<16xf32>,
      %sub3A_90 = arith.subf %gather3A_88, %gather3A_89 : vector<16xf32>
      tpu.vector_store_idx %arg7[%add3A_76, %broadcast_in_dim3A_87], %sub3A_90 : memref<64x1152xf32, #tpu.memory_space<vmem>>[vector<16xi32>, vector<16xi32>], vector<16xf32>,
      %broadcast_in_dim3A_91 = arith.constant 2 : i32
      %broadcast_in_dim3A_92 = vector.broadcast %broadcast_in_dim3A_91 : i32 to vector<16xi32>
      %gather3A_93 = tpu.vector_load_idx %arg7[%add3A_76, %broadcast_in_dim3A_92] : memref<64x1152xf32, #tpu.memory_space<vmem>>[vector<16xi32>, vector<16xi32>], vector<16xf32>,
      %gather3A_94 = tpu.vector_load_idx %arg10[%shift_right_arithmetic3A_82] : memref<16xf32, #tpu.memory_space<vmem>>[vector<16xi32>], vector<16xf32>,
      %sub3A_95 = arith.subf %gather3A_93, %gather3A_94 : vector<16xf32>
      tpu.vector_store_idx %arg7[%add3A_76, %broadcast_in_dim3A_92], %sub3A_95 : memref<64x1152xf32, #tpu.memory_space<vmem>>[vector<16xi32>, vector<16xi32>], vector<16xf32>,
      %scan3A_96 = arith.constant 0 : i32
      scf.yield %scan3A_96 : i32
    }
    %scan3A_63 = arith.constant 4 : i32
    %mul3A_64 = arith.constant 16 : i32
    %mul3A_65 = arith.muli %select_n3A, %mul3A_64 : i32
    %mul3A_66 = arith.constant 8 : i32
    %mul3A_67 = arith.muli %mul3A_65, %mul3A_66 : i32
    %mul3A_68 = arith.constant 64 : i32
    %mul3A_69 = arith.muli %select_n3A_30, %mul3A_68 : i32
    %add3A_70 = arith.addi %mul3A_67, %mul3A_69 : i32
    "tpu.region"() ({
      %run_scoped3A = tpu.sem_alloc : memref<!tpu.dma_semaphore, #tpu.memory_space<semaphore_mem>>
      %dma_start3A_71 = arith.constant 0 : i32
      %dma_start3A_72 = tpu.memref_slice %arg5[%add3A_70, %dma_start3A_71] : memref<2048x1152xf32, #tpu.memory_space<hbm>> -> memref<64x1152xf32, #tpu.memory_space<hbm>>
      %dma_start3A_73 = arith.constant 0 : i32
      %dma_start3A_74 = tpu.memref_slice %arg5[%add3A_70, %dma_start3A_73] : memref<2048x1152xf32, #tpu.memory_space<hbm>> -> memref<64x1152xf32, #tpu.memory_space<hbm>>
      tpu.enqueue_dma source(%arg7 : memref<64x1152xf32, #tpu.memory_space<vmem>>) target(%dma_start3A_74 : memref<64x1152xf32, #tpu.memory_space<hbm>>) target_semaphore(%run_scoped3A : memref<!tpu.dma_semaphore, #tpu.memory_space<semaphore_mem>>)
      %dma_wait3A_75 = arith.constant 0 : i32
      %dma_wait3A_76 = tpu.memref_slice %arg5[%add3A_70, %dma_wait3A_75] : memref<2048x1152xf32, #tpu.memory_space<hbm>> -> memref<64x1152xf32, #tpu.memory_space<hbm>>
      %dma_wait3A_77 = arith.constant 0 : i32
      %dma_wait3A_78 = tpu.memref_slice %arg5[%add3A_70, %dma_wait3A_77] : memref<2048x1152xf32, #tpu.memory_space<hbm>> -> memref<64x1152xf32, #tpu.memory_space<hbm>>
      tpu.wait_dma2 semaphore(%run_scoped3A : memref<!tpu.dma_semaphore, #tpu.memory_space<semaphore_mem>>) src(%arg7 : memref<64x1152xf32, #tpu.memory_space<vmem>>) dst(%dma_wait3A_78 : memref<64x1152xf32, #tpu.memory_space<hbm>>)
      tpu.yield
    }) : () -> ()
    return
  }
}

#map = affine_map<(d0, d1) -> (0)>
#map1 = affine_map<(d0, d1) -> (0, 0)>
module attributes {stable_mosaic.version = 14 : i64} {
  func.func @k(%arg0: i32, %arg1: i32, %arg2: memref<98304xf32, #tpu.memory_space<hbm>>, %arg3: memref<32768x128xf32, #tpu.memory_space<hbm>>, %arg4: memref<4096x128xf32, #tpu.memory_space<hbm>>, %arg5: memref<1536xf32, #tpu.memory_space<hbm>>, %arg6: memref<2048xi32, #tpu.memory_space<hbm>>, %arg7: memref<768xf32, #tpu.memory_space<hbm>>, %arg8: memref<2048xf32, #tpu.memory_space<vmem>>, %arg9: memref<2048xf32, #tpu.memory_space<vmem>>, %arg10: memref<2048xf32, #tpu.memory_space<vmem>>, %arg11: memref<2048xf32, #tpu.memory_space<vmem>>, %arg12: memref<32xi32, #tpu.memory_space<vmem>>, %arg13: memref<32xf32, #tpu.memory_space<vmem>>, %arg14: memref<32xf32, #tpu.memory_space<vmem>>, %arg15: memref<32xf32, #tpu.memory_space<vmem>>, %arg16: memref<24xi32, #tpu.memory_space<vmem>>, %arg17: memref<128xi32, #tpu.memory_space<vmem>>, %arg18: memref<128x128xf32, #tpu.memory_space<vmem>>, %arg19: memref<16xi32, #tpu.memory_space<vmem>>, %arg20: memref<16xf32, #tpu.memory_space<vmem>>, %arg21: memref<16xf32, #tpu.memory_space<vmem>>, %arg22: memref<16xf32, #tpu.memory_space<vmem>>, %arg23: memref<512xf32, #tpu.memory_space<vmem_shared>>, %arg24: memref<16xf32, #tpu.memory_space<vmem>>, %arg25: memref<!tpu.dma_semaphore, #tpu.memory_space<semaphore_mem>>) attributes {dimension_semantics = [#tpu.dimension_semantics<core_parallel>, #tpu.dimension_semantics<subcore_parallel>], iteration_bounds = array<i64: 2, 16>, scalar_prefetch = 0 : i64, scratch_operands = 18 : i64, tpu.core_type = #tpu.core_type<sc_vector_subcore>, window_params = [{transform_indices = #map}, {transform_indices = #map1}, {transform_indices = #map1}, {transform_indices = #map}, {transform_indices = #map}, {transform_indices = #map}]} {
    %mul3A = arith.constant 16 : i32
    %mul3A_0 = arith.muli %arg0, %mul3A : i32
    %add3A = arith.addi %mul3A_0, %arg1 : i32
    %jit3A = arith.constant 2 : i32
    %div3A = arith.divsi %add3A, %jit3A : i32
    %sign3A = arith.constant 0 : i32
    %sign3A_1 = arith.cmpi sgt, %add3A, %sign3A : i32
    %sign3A_2 = arith.extui %sign3A_1 : i1 to i32
    %sign3A_3 = arith.constant 0 : i32
    %sign3A_4 = arith.cmpi slt, %add3A, %sign3A_3 : i32
    %sign3A_5 = arith.extui %sign3A_4 : i1 to i32
    %sign3A_6 = arith.subi %sign3A_2, %sign3A_5 : i32
    %sign3A_7 = arith.constant 0 : i32
    %sign3A_8 = arith.cmpi sgt, %jit3A, %sign3A_7 : i32
    %sign3A_9 = arith.extui %sign3A_8 : i1 to i32
    %sign3A_10 = arith.constant 0 : i32
    %sign3A_11 = arith.cmpi slt, %jit3A, %sign3A_10 : i32
    %sign3A_12 = arith.extui %sign3A_11 : i1 to i32
    %sign3A_13 = arith.subi %sign3A_9, %sign3A_12 : i32
    %ne3A = arith.cmpi ne, %sign3A_6, %sign3A_13 : i32
    %rem3A = arith.remsi %add3A, %jit3A : i32
    %ne3A_14 = arith.constant 0 : i32
    %ne3A_15 = arith.cmpi ne, %rem3A, %ne3A_14 : i32
    %and3A = arith.andi %ne3A, %ne3A_15 : i1
    %sub3A = arith.constant 1 : i32
    %sub3A_16 = arith.subi %div3A, %sub3A : i32
    %select_n3A = arith.select %and3A, %sub3A_16, %div3A : i32
    %jit3A_17 = arith.constant 2 : i32
    %eq3A = arith.constant 0 : i32
    %eq3A_18 = arith.cmpi eq, %jit3A_17, %eq3A : i32
    %jit3A_19 = arith.constant 1 : i32
    %select_n3A_20 = arith.select %eq3A_18, %jit3A_19, %jit3A_17 : i32
    %rem3A_21 = arith.remsi %add3A, %select_n3A_20 : i32
    %ne3A_22 = arith.constant 0 : i32
    %ne3A_23 = arith.cmpi ne, %rem3A_21, %ne3A_22 : i32
    %lt3A = arith.constant 0 : i32
    %lt3A_24 = arith.cmpi slt, %rem3A_21, %lt3A : i32
    %lt3A_25 = arith.constant 0 : i32
    %lt3A_26 = arith.cmpi slt, %select_n3A_20, %lt3A_25 : i32
    %ne3A_27 = arith.xori %lt3A_24, %lt3A_26 : i1
    %and3A_28 = arith.andi %ne3A_27, %ne3A_23 : i1
    %add3A_29 = arith.addi %rem3A_21, %select_n3A_20 : i32
    %select_n3A_30 = arith.select %and3A_28, %add3A_29, %rem3A_21 : i32
    %iota3A = tpu.iota {dimensions = array<i32: 0>} : vector<16xi32>
    %mul3A_31 = arith.constant 3 : i32
    %mul3A_32 = arith.muli %select_n3A, %mul3A_31 : i32
    %mul3A_33 = arith.constant 2048 : i32
    %mul3A_34 = arith.muli %mul3A_32, %mul3A_33 : i32
    "tpu.region"() ({
      %run_scoped3A = tpu.sem_alloc : memref<!tpu.dma_semaphore, #tpu.memory_space<semaphore_mem>>
      %dma_start3A_115 = tpu.memref_slice %arg2[%mul3A_34] : memref<98304xf32, #tpu.memory_space<hbm>> -> memref<2048xf32, #tpu.memory_space<hbm>>
      %dma_start3A_116 = tpu.memref_slice %arg2[%mul3A_34] : memref<98304xf32, #tpu.memory_space<hbm>> -> memref<2048xf32, #tpu.memory_space<hbm>>
      tpu.enqueue_dma source(%dma_start3A_116 : memref<2048xf32, #tpu.memory_space<hbm>>) target(%arg8 : memref<2048xf32, #tpu.memory_space<vmem>>) target_semaphore(%run_scoped3A : memref<!tpu.dma_semaphore, #tpu.memory_space<semaphore_mem>>)
      %dma_wait3A_117 = tpu.memref_slice %arg2[%mul3A_34] : memref<98304xf32, #tpu.memory_space<hbm>> -> memref<2048xf32, #tpu.memory_space<hbm>>
      %dma_wait3A_118 = tpu.memref_slice %arg2[%mul3A_34] : memref<98304xf32, #tpu.memory_space<hbm>> -> memref<2048xf32, #tpu.memory_space<hbm>>
      tpu.wait_dma2 semaphore(%run_scoped3A : memref<!tpu.dma_semaphore, #tpu.memory_space<semaphore_mem>>) src(%dma_wait3A_118 : memref<2048xf32, #tpu.memory_space<hbm>>) dst(%arg8 : memref<2048xf32, #tpu.memory_space<vmem>>)
      tpu.yield
    }) : () -> ()
    %mul3A_35 = arith.constant 3 : i32
    %mul3A_36 = arith.muli %select_n3A, %mul3A_35 : i32
    %mul3A_37 = arith.constant 2048 : i32
    %mul3A_38 = arith.muli %mul3A_36, %mul3A_37 : i32
    %add3A_39 = arith.constant 2048 : i32
    %add3A_40 = arith.addi %mul3A_38, %add3A_39 : i32
    "tpu.region"() ({
      %run_scoped3A = tpu.sem_alloc : memref<!tpu.dma_semaphore, #tpu.memory_space<semaphore_mem>>
      %dma_start3A_115 = tpu.memref_slice %arg2[%add3A_40] : memref<98304xf32, #tpu.memory_space<hbm>> -> memref<2048xf32, #tpu.memory_space<hbm>>
      %dma_start3A_116 = tpu.memref_slice %arg2[%add3A_40] : memref<98304xf32, #tpu.memory_space<hbm>> -> memref<2048xf32, #tpu.memory_space<hbm>>
      tpu.enqueue_dma source(%dma_start3A_116 : memref<2048xf32, #tpu.memory_space<hbm>>) target(%arg9 : memref<2048xf32, #tpu.memory_space<vmem>>) target_semaphore(%run_scoped3A : memref<!tpu.dma_semaphore, #tpu.memory_space<semaphore_mem>>)
      %dma_wait3A_117 = tpu.memref_slice %arg2[%add3A_40] : memref<98304xf32, #tpu.memory_space<hbm>> -> memref<2048xf32, #tpu.memory_space<hbm>>
      %dma_wait3A_118 = tpu.memref_slice %arg2[%add3A_40] : memref<98304xf32, #tpu.memory_space<hbm>> -> memref<2048xf32, #tpu.memory_space<hbm>>
      tpu.wait_dma2 semaphore(%run_scoped3A : memref<!tpu.dma_semaphore, #tpu.memory_space<semaphore_mem>>) src(%dma_wait3A_118 : memref<2048xf32, #tpu.memory_space<hbm>>) dst(%arg9 : memref<2048xf32, #tpu.memory_space<vmem>>)
      tpu.yield
    }) : () -> ()
    %mul3A_41 = arith.constant 3 : i32
    %mul3A_42 = arith.muli %select_n3A, %mul3A_41 : i32
    %mul3A_43 = arith.constant 2048 : i32
    %mul3A_44 = arith.muli %mul3A_42, %mul3A_43 : i32
    %add3A_45 = arith.constant 4096 : i32
    %add3A_46 = arith.addi %mul3A_44, %add3A_45 : i32
    "tpu.region"() ({
      %run_scoped3A = tpu.sem_alloc : memref<!tpu.dma_semaphore, #tpu.memory_space<semaphore_mem>>
      %dma_start3A_115 = tpu.memref_slice %arg2[%add3A_46] : memref<98304xf32, #tpu.memory_space<hbm>> -> memref<2048xf32, #tpu.memory_space<hbm>>
      %dma_start3A_116 = tpu.memref_slice %arg2[%add3A_46] : memref<98304xf32, #tpu.memory_space<hbm>> -> memref<2048xf32, #tpu.memory_space<hbm>>
      tpu.enqueue_dma source(%dma_start3A_116 : memref<2048xf32, #tpu.memory_space<hbm>>) target(%arg10 : memref<2048xf32, #tpu.memory_space<vmem>>) target_semaphore(%run_scoped3A : memref<!tpu.dma_semaphore, #tpu.memory_space<semaphore_mem>>)
      %dma_wait3A_117 = tpu.memref_slice %arg2[%add3A_46] : memref<98304xf32, #tpu.memory_space<hbm>> -> memref<2048xf32, #tpu.memory_space<hbm>>
      %dma_wait3A_118 = tpu.memref_slice %arg2[%add3A_46] : memref<98304xf32, #tpu.memory_space<hbm>> -> memref<2048xf32, #tpu.memory_space<hbm>>
      tpu.wait_dma2 semaphore(%run_scoped3A : memref<!tpu.dma_semaphore, #tpu.memory_space<semaphore_mem>>) src(%dma_wait3A_118 : memref<2048xf32, #tpu.memory_space<hbm>>) dst(%arg10 : memref<2048xf32, #tpu.memory_space<vmem>>)
      tpu.yield
    }) : () -> ()
    %iota3A_47 = tpu.iota {dimensions = array<i32: 0>} : vector<16xi32>
    %scan3A = arith.constant 0 : i32
    %scan3A_48 = arith.constant 0 : i32
    %scan3A_49 = arith.constant 16 : i32
    %scan3A_50 = arith.addi %scan3A_48, %scan3A_49 : i32
    %scan3A_51 = arith.constant 1 : i32
    %scan3A_52 = scf.for %scan3A_115 = %scan3A_48 to %scan3A_50 step %scan3A_51 iter_args(%scan3A_116 = %scan3A) -> (i32)  : i32 {
      %broadcast_in_dim3A = arith.constant 1.000000e+10 : f32
      %broadcast_in_dim3A_117 = vector.broadcast %broadcast_in_dim3A : f32 to vector<16xf32>
      %mul3A_118 = arith.constant 4 : i32
      %mul3A_119 = arith.muli %scan3A_115, %mul3A_118 : i32
      %add3A_120 = arith.constant 0 : i32
      %add3A_121 = arith.addi %mul3A_119, %add3A_120 : i32
      %mul3A_122 = arith.constant 16 : i32
      %mul3A_123 = arith.muli %add3A_121, %mul3A_122 : i32
      %swap3A_124 = arith.index_cast %mul3A_123 : i32 to index
      %swap3A_125 = tpu.vector_load %arg11[%swap3A_124] {strides = array<i32>} : memref<2048xf32, #tpu.memory_space<vmem>>, vector<16xf32>,
      tpu.vector_store %arg11[%swap3A_124], %broadcast_in_dim3A_117 {strides = array<i32>} : memref<2048xf32, #tpu.memory_space<vmem>>, vector<16xf32>,
      %broadcast_in_dim3A_126 = arith.constant 1.000000e+10 : f32
      %broadcast_in_dim3A_127 = vector.broadcast %broadcast_in_dim3A_126 : f32 to vector<16xf32>
      %mul3A_128 = arith.constant 4 : i32
      %mul3A_129 = arith.muli %scan3A_115, %mul3A_128 : i32
      %add3A_130 = arith.constant 1 : i32
      %add3A_131 = arith.addi %mul3A_129, %add3A_130 : i32
      %mul3A_132 = arith.constant 16 : i32
      %mul3A_133 = arith.muli %add3A_131, %mul3A_132 : i32
      %swap3A_134 = arith.index_cast %mul3A_133 : i32 to index
      %swap3A_135 = tpu.vector_load %arg11[%swap3A_134] {strides = array<i32>} : memref<2048xf32, #tpu.memory_space<vmem>>, vector<16xf32>,
      tpu.vector_store %arg11[%swap3A_134], %broadcast_in_dim3A_127 {strides = array<i32>} : memref<2048xf32, #tpu.memory_space<vmem>>, vector<16xf32>,
      %broadcast_in_dim3A_136 = arith.constant 1.000000e+10 : f32
      %broadcast_in_dim3A_137 = vector.broadcast %broadcast_in_dim3A_136 : f32 to vector<16xf32>
      %mul3A_138 = arith.constant 4 : i32
      %mul3A_139 = arith.muli %scan3A_115, %mul3A_138 : i32
      %add3A_140 = arith.constant 2 : i32
      %add3A_141 = arith.addi %mul3A_139, %add3A_140 : i32
      %mul3A_142 = arith.constant 16 : i32
      %mul3A_143 = arith.muli %add3A_141, %mul3A_142 : i32
      %swap3A_144 = arith.index_cast %mul3A_143 : i32 to index
      %swap3A_145 = tpu.vector_load %arg11[%swap3A_144] {strides = array<i32>} : memref<2048xf32, #tpu.memory_space<vmem>>, vector<16xf32>,
      tpu.vector_store %arg11[%swap3A_144], %broadcast_in_dim3A_137 {strides = array<i32>} : memref<2048xf32, #tpu.memory_space<vmem>>, vector<16xf32>,
      %broadcast_in_dim3A_146 = arith.constant 1.000000e+10 : f32
      %broadcast_in_dim3A_147 = vector.broadcast %broadcast_in_dim3A_146 : f32 to vector<16xf32>
      %mul3A_148 = arith.constant 4 : i32
      %mul3A_149 = arith.muli %scan3A_115, %mul3A_148 : i32
      %add3A_150 = arith.constant 3 : i32
      %add3A_151 = arith.addi %mul3A_149, %add3A_150 : i32
      %mul3A_152 = arith.constant 16 : i32
      %mul3A_153 = arith.muli %add3A_151, %mul3A_152 : i32
      %swap3A_154 = arith.index_cast %mul3A_153 : i32 to index
      %swap3A_155 = tpu.vector_load %arg11[%swap3A_154] {strides = array<i32>} : memref<2048xf32, #tpu.memory_space<vmem>>, vector<16xf32>,
      tpu.vector_store %arg11[%swap3A_154], %broadcast_in_dim3A_147 {strides = array<i32>} : memref<2048xf32, #tpu.memory_space<vmem>>, vector<16xf32>,
      %scan3A_156 = arith.constant 0 : i32
      scf.yield %scan3A_156 : i32
    }
    %scan3A_53 = arith.constant 16 : i32
    %scan3A_54 = arith.constant 0 : i32
    %scan3A_55 = arith.constant 0 : i32
    %scan3A_56 = arith.constant 32 : i32
    %scan3A_57 = arith.addi %scan3A_55, %scan3A_56 : i32
    %scan3A_58 = arith.constant 1 : i32
    %scan3A_59 = scf.for %scan3A_115 = %scan3A_55 to %scan3A_57 step %scan3A_58 iter_args(%scan3A_116 = %scan3A_54) -> (i32)  : i32 {
      %broadcast_in_dim3A = vector.broadcast %scan3A_115 : i32 to vector<16xi32>
      %broadcast_in_dim3A_117 = vector.broadcast %scan3A_116 : i32 to vector<16xi32>
      %eq3A_118 = arith.constant 0 : i32
      %eq3A_119 = vector.broadcast %eq3A_118 : i32 to vector<16xi32>
      %eq3A_120 = arith.cmpi eq, %iota3A_47, %eq3A_119 : vector<16xi32>
      tpu.vector_store_idx %arg12[%broadcast_in_dim3A], %broadcast_in_dim3A_117 masked %eq3A_120 : memref<32xi32, #tpu.memory_space<vmem>>[vector<16xi32>], vector<16xi32>, vector<16xi1>
      %broadcast_in_dim3A_121 = vector.broadcast %scan3A_116 : i32 to vector<16xi32>
      %gather3A_122 = tpu.vector_load_idx %arg8[%broadcast_in_dim3A_121] : memref<2048xf32, #tpu.memory_space<vmem>>[vector<16xi32>], vector<16xf32>,
      %gather3A_123 = tpu.vector_load_idx %arg9[%broadcast_in_dim3A_121] : memref<2048xf32, #tpu.memory_space<vmem>>[vector<16xi32>], vector<16xf32>,
      %gather3A_124 = tpu.vector_load_idx %arg10[%broadcast_in_dim3A_121] : memref<2048xf32, #tpu.memory_space<vmem>>[vector<16xi32>], vector<16xf32>,
      %broadcast_in_dim3A_125 = arith.constant 0xFF800000 : f32
      %broadcast_in_dim3A_126 = vector.broadcast %broadcast_in_dim3A_125 : f32 to vector<16xf32>
      %broadcast_in_dim3A_127 = arith.constant 0 : i32
      %broadcast_in_dim3A_128 = vector.broadcast %broadcast_in_dim3A_127 : i32 to vector<16xi32>
      %scan3A_129 = arith.constant 0 : i32
      %scan3A_130 = arith.constant 16 : i32
      %scan3A_131 = arith.addi %scan3A_129, %scan3A_130 : i32
      %scan3A_132 = arith.constant 1 : i32
      %scan3A_133:2 = scf.for %scan3A_208 = %scan3A_129 to %scan3A_131 step %scan3A_132 iter_args(%scan3A_209 = %broadcast_in_dim3A_126, %scan3A_210 = %broadcast_in_dim3A_128) -> (vector<16xf32>, vector<16xi32>)  : i32 {
        %mul3A_211 = arith.constant 4 : i32
        %mul3A_212 = arith.muli %scan3A_208, %mul3A_211 : i32
        %add3A_213 = arith.constant 0 : i32
        %add3A_214 = arith.addi %mul3A_212, %add3A_213 : i32
        %mul3A_215 = arith.constant 1024 : i32
        %mul3A_216 = arith.muli %select_n3A_30, %mul3A_215 : i32
        %mul3A_217 = arith.constant 16 : i32
        %mul3A_218 = arith.muli %add3A_214, %mul3A_217 : i32
        %add3A_219 = arith.addi %mul3A_216, %mul3A_218 : i32
        %get3A_220 = arith.index_cast %add3A_219 : i32 to index
        %get3A_221 = tpu.vector_load %arg8[%get3A_220] {strides = array<i32>} : memref<2048xf32, #tpu.memory_space<vmem>>, vector<16xf32>,
        %mul3A_222 = arith.constant 1024 : i32
        %mul3A_223 = arith.muli %select_n3A_30, %mul3A_222 : i32
        %mul3A_224 = arith.constant 16 : i32
        %mul3A_225 = arith.muli %add3A_214, %mul3A_224 : i32
        %add3A_226 = arith.addi %mul3A_223, %mul3A_225 : i32
        %get3A_227 = arith.index_cast %add3A_226 : i32 to index
        %get3A_228 = tpu.vector_load %arg9[%get3A_227] {strides = array<i32>} : memref<2048xf32, #tpu.memory_space<vmem>>, vector<16xf32>,
        %mul3A_229 = arith.constant 1024 : i32
        %mul3A_230 = arith.muli %select_n3A_30, %mul3A_229 : i32
        %mul3A_231 = arith.constant 16 : i32
        %mul3A_232 = arith.muli %add3A_214, %mul3A_231 : i32
        %add3A_233 = arith.addi %mul3A_230, %mul3A_232 : i32
        %get3A_234 = arith.index_cast %add3A_233 : i32 to index
        %get3A_235 = tpu.vector_load %arg10[%get3A_234] {strides = array<i32>} : memref<2048xf32, #tpu.memory_space<vmem>>, vector<16xf32>,
        %sub3A_236 = arith.subf %get3A_221, %gather3A_122 : vector<16xf32>
        %sub3A_237 = arith.subf %get3A_221, %gather3A_122 : vector<16xf32>
        %mul3A_238 = arith.mulf %sub3A_236, %sub3A_237 : vector<16xf32>
        %sub3A_239 = arith.subf %get3A_228, %gather3A_123 : vector<16xf32>
        %sub3A_240 = arith.subf %get3A_228, %gather3A_123 : vector<16xf32>
        %mul3A_241 = arith.mulf %sub3A_239, %sub3A_240 : vector<16xf32>
        %add3A_242 = arith.addf %mul3A_238, %mul3A_241 : vector<16xf32>
        %sub3A_243 = arith.subf %get3A_235, %gather3A_124 : vector<16xf32>
        %sub3A_244 = arith.subf %get3A_235, %gather3A_124 : vector<16xf32>
        %mul3A_245 = arith.mulf %sub3A_243, %sub3A_244 : vector<16xf32>
        %add3A_246 = arith.addf %add3A_242, %mul3A_245 : vector<16xf32>
        %mul3A_247 = arith.constant 16 : i32
        %mul3A_248 = arith.muli %add3A_214, %mul3A_247 : i32
        %get3A_249 = arith.index_cast %mul3A_248 : i32 to index
        %get3A_250 = tpu.vector_load %arg11[%get3A_249] {strides = array<i32>} : memref<2048xf32, #tpu.memory_space<vmem>>, vector<16xf32>,
        %min3A_251 = arith.minimumf %get3A_250, %add3A_246 : vector<16xf32>
        %mul3A_252 = arith.constant 16 : i32
        %mul3A_253 = arith.muli %add3A_214, %mul3A_252 : i32
        %swap3A_254 = arith.index_cast %mul3A_253 : i32 to index
        %swap3A_255 = tpu.vector_load %arg11[%swap3A_254] {strides = array<i32>} : memref<2048xf32, #tpu.memory_space<vmem>>, vector<16xf32>,
        tpu.vector_store %arg11[%swap3A_254], %min3A_251 {strides = array<i32>} : memref<2048xf32, #tpu.memory_space<vmem>>, vector<16xf32>,
        %gt3A_256 = arith.cmpf ogt, %min3A_251, %scan3A_209 : vector<16xf32>
        %select_n3A_257 = arith.select %gt3A_256, %min3A_251, %scan3A_209 : vector<16xi1>, vector<16xf32>
        %broadcast_in_dim3A_258 = vector.broadcast %add3A_214 : i32 to vector<16xi32>
        %select_n3A_259 = arith.select %gt3A_256, %broadcast_in_dim3A_258, %scan3A_210 : vector<16xi1>, vector<16xi32>
        %mul3A_260 = arith.constant 4 : i32
        %mul3A_261 = arith.muli %scan3A_208, %mul3A_260 : i32
        %add3A_262 = arith.constant 1 : i32
        %add3A_263 = arith.addi %mul3A_261, %add3A_262 : i32
        %mul3A_264 = arith.constant 1024 : i32
        %mul3A_265 = arith.muli %select_n3A_30, %mul3A_264 : i32
        %mul3A_266 = arith.constant 16 : i32
        %mul3A_267 = arith.muli %add3A_263, %mul3A_266 : i32
        %add3A_268 = arith.addi %mul3A_265, %mul3A_267 : i32
        %get3A_269 = arith.index_cast %add3A_268 : i32 to index
        %get3A_270 = tpu.vector_load %arg8[%get3A_269] {strides = array<i32>} : memref<2048xf32, #tpu.memory_space<vmem>>, vector<16xf32>,
        %mul3A_271 = arith.constant 1024 : i32
        %mul3A_272 = arith.muli %select_n3A_30, %mul3A_271 : i32
        %mul3A_273 = arith.constant 16 : i32
        %mul3A_274 = arith.muli %add3A_263, %mul3A_273 : i32
        %add3A_275 = arith.addi %mul3A_272, %mul3A_274 : i32
        %get3A_276 = arith.index_cast %add3A_275 : i32 to index
        %get3A_277 = tpu.vector_load %arg9[%get3A_276] {strides = array<i32>} : memref<2048xf32, #tpu.memory_space<vmem>>, vector<16xf32>,
        %mul3A_278 = arith.constant 1024 : i32
        %mul3A_279 = arith.muli %select_n3A_30, %mul3A_278 : i32
        %mul3A_280 = arith.constant 16 : i32
        %mul3A_281 = arith.muli %add3A_263, %mul3A_280 : i32
        %add3A_282 = arith.addi %mul3A_279, %mul3A_281 : i32
        %get3A_283 = arith.index_cast %add3A_282 : i32 to index
        %get3A_284 = tpu.vector_load %arg10[%get3A_283] {strides = array<i32>} : memref<2048xf32, #tpu.memory_space<vmem>>, vector<16xf32>,
        %sub3A_285 = arith.subf %get3A_270, %gather3A_122 : vector<16xf32>
        %sub3A_286 = arith.subf %get3A_270, %gather3A_122 : vector<16xf32>
        %mul3A_287 = arith.mulf %sub3A_285, %sub3A_286 : vector<16xf32>
        %sub3A_288 = arith.subf %get3A_277, %gather3A_123 : vector<16xf32>
        %sub3A_289 = arith.subf %get3A_277, %gather3A_123 : vector<16xf32>
        %mul3A_290 = arith.mulf %sub3A_288, %sub3A_289 : vector<16xf32>
        %add3A_291 = arith.addf %mul3A_287, %mul3A_290 : vector<16xf32>
        %sub3A_292 = arith.subf %get3A_284, %gather3A_124 : vector<16xf32>
        %sub3A_293 = arith.subf %get3A_284, %gather3A_124 : vector<16xf32>
        %mul3A_294 = arith.mulf %sub3A_292, %sub3A_293 : vector<16xf32>
        %add3A_295 = arith.addf %add3A_291, %mul3A_294 : vector<16xf32>
        %mul3A_296 = arith.constant 16 : i32
        %mul3A_297 = arith.muli %add3A_263, %mul3A_296 : i32
        %get3A_298 = arith.index_cast %mul3A_297 : i32 to index
        %get3A_299 = tpu.vector_load %arg11[%get3A_298] {strides = array<i32>} : memref<2048xf32, #tpu.memory_space<vmem>>, vector<16xf32>,
        %min3A_300 = arith.minimumf %get3A_299, %add3A_295 : vector<16xf32>
        %mul3A_301 = arith.constant 16 : i32
        %mul3A_302 = arith.muli %add3A_263, %mul3A_301 : i32
        %swap3A_303 = arith.index_cast %mul3A_302 : i32 to index
        %swap3A_304 = tpu.vector_load %arg11[%swap3A_303] {strides = array<i32>} : memref<2048xf32, #tpu.memory_space<vmem>>, vector<16xf32>,
        tpu.vector_store %arg11[%swap3A_303], %min3A_300 {strides = array<i32>} : memref<2048xf32, #tpu.memory_space<vmem>>, vector<16xf32>,
        %gt3A_305 = arith.cmpf ogt, %min3A_300, %select_n3A_257 : vector<16xf32>
        %select_n3A_306 = arith.select %gt3A_305, %min3A_300, %select_n3A_257 : vector<16xi1>, vector<16xf32>
        %broadcast_in_dim3A_307 = vector.broadcast %add3A_263 : i32 to vector<16xi32>
        %select_n3A_308 = arith.select %gt3A_305, %broadcast_in_dim3A_307, %select_n3A_259 : vector<16xi1>, vector<16xi32>
        %mul3A_309 = arith.constant 4 : i32
        %mul3A_310 = arith.muli %scan3A_208, %mul3A_309 : i32
        %add3A_311 = arith.constant 2 : i32
        %add3A_312 = arith.addi %mul3A_310, %add3A_311 : i32
        %mul3A_313 = arith.constant 1024 : i32
        %mul3A_314 = arith.muli %select_n3A_30, %mul3A_313 : i32
        %mul3A_315 = arith.constant 16 : i32
        %mul3A_316 = arith.muli %add3A_312, %mul3A_315 : i32
        %add3A_317 = arith.addi %mul3A_314, %mul3A_316 : i32
        %get3A_318 = arith.index_cast %add3A_317 : i32 to index
        %get3A_319 = tpu.vector_load %arg8[%get3A_318] {strides = array<i32>} : memref<2048xf32, #tpu.memory_space<vmem>>, vector<16xf32>,
        %mul3A_320 = arith.constant 1024 : i32
        %mul3A_321 = arith.muli %select_n3A_30, %mul3A_320 : i32
        %mul3A_322 = arith.constant 16 : i32
        %mul3A_323 = arith.muli %add3A_312, %mul3A_322 : i32
        %add3A_324 = arith.addi %mul3A_321, %mul3A_323 : i32
        %get3A_325 = arith.index_cast %add3A_324 : i32 to index
        %get3A_326 = tpu.vector_load %arg9[%get3A_325] {strides = array<i32>} : memref<2048xf32, #tpu.memory_space<vmem>>, vector<16xf32>,
        %mul3A_327 = arith.constant 1024 : i32
        %mul3A_328 = arith.muli %select_n3A_30, %mul3A_327 : i32
        %mul3A_329 = arith.constant 16 : i32
        %mul3A_330 = arith.muli %add3A_312, %mul3A_329 : i32
        %add3A_331 = arith.addi %mul3A_328, %mul3A_330 : i32
        %get3A_332 = arith.index_cast %add3A_331 : i32 to index
        %get3A_333 = tpu.vector_load %arg10[%get3A_332] {strides = array<i32>} : memref<2048xf32, #tpu.memory_space<vmem>>, vector<16xf32>,
        %sub3A_334 = arith.subf %get3A_319, %gather3A_122 : vector<16xf32>
        %sub3A_335 = arith.subf %get3A_319, %gather3A_122 : vector<16xf32>
        %mul3A_336 = arith.mulf %sub3A_334, %sub3A_335 : vector<16xf32>
        %sub3A_337 = arith.subf %get3A_326, %gather3A_123 : vector<16xf32>
        %sub3A_338 = arith.subf %get3A_326, %gather3A_123 : vector<16xf32>
        %mul3A_339 = arith.mulf %sub3A_337, %sub3A_338 : vector<16xf32>
        %add3A_340 = arith.addf %mul3A_336, %mul3A_339 : vector<16xf32>
        %sub3A_341 = arith.subf %get3A_333, %gather3A_124 : vector<16xf32>
        %sub3A_342 = arith.subf %get3A_333, %gather3A_124 : vector<16xf32>
        %mul3A_343 = arith.mulf %sub3A_341, %sub3A_342 : vector<16xf32>
        %add3A_344 = arith.addf %add3A_340, %mul3A_343 : vector<16xf32>
        %mul3A_345 = arith.constant 16 : i32
        %mul3A_346 = arith.muli %add3A_312, %mul3A_345 : i32
        %get3A_347 = arith.index_cast %mul3A_346 : i32 to index
        %get3A_348 = tpu.vector_load %arg11[%get3A_347] {strides = array<i32>} : memref<2048xf32, #tpu.memory_space<vmem>>, vector<16xf32>,
        %min3A_349 = arith.minimumf %get3A_348, %add3A_344 : vector<16xf32>
        %mul3A_350 = arith.constant 16 : i32
        %mul3A_351 = arith.muli %add3A_312, %mul3A_350 : i32
        %swap3A_352 = arith.index_cast %mul3A_351 : i32 to index
        %swap3A_353 = tpu.vector_load %arg11[%swap3A_352] {strides = array<i32>} : memref<2048xf32, #tpu.memory_space<vmem>>, vector<16xf32>,
        tpu.vector_store %arg11[%swap3A_352], %min3A_349 {strides = array<i32>} : memref<2048xf32, #tpu.memory_space<vmem>>, vector<16xf32>,
        %gt3A_354 = arith.cmpf ogt, %min3A_349, %select_n3A_306 : vector<16xf32>
        %select_n3A_355 = arith.select %gt3A_354, %min3A_349, %select_n3A_306 : vector<16xi1>, vector<16xf32>
        %broadcast_in_dim3A_356 = vector.broadcast %add3A_312 : i32 to vector<16xi32>
        %select_n3A_357 = arith.select %gt3A_354, %broadcast_in_dim3A_356, %select_n3A_308 : vector<16xi1>, vector<16xi32>
        %mul3A_358 = arith.constant 4 : i32
        %mul3A_359 = arith.muli %scan3A_208, %mul3A_358 : i32
        %add3A_360 = arith.constant 3 : i32
        %add3A_361 = arith.addi %mul3A_359, %add3A_360 : i32
        %mul3A_362 = arith.constant 1024 : i32
        %mul3A_363 = arith.muli %select_n3A_30, %mul3A_362 : i32
        %mul3A_364 = arith.constant 16 : i32
        %mul3A_365 = arith.muli %add3A_361, %mul3A_364 : i32
        %add3A_366 = arith.addi %mul3A_363, %mul3A_365 : i32
        %get3A_367 = arith.index_cast %add3A_366 : i32 to index
        %get3A_368 = tpu.vector_load %arg8[%get3A_367] {strides = array<i32>} : memref<2048xf32, #tpu.memory_space<vmem>>, vector<16xf32>,
        %mul3A_369 = arith.constant 1024 : i32
        %mul3A_370 = arith.muli %select_n3A_30, %mul3A_369 : i32
        %mul3A_371 = arith.constant 16 : i32
        %mul3A_372 = arith.muli %add3A_361, %mul3A_371 : i32
        %add3A_373 = arith.addi %mul3A_370, %mul3A_372 : i32
        %get3A_374 = arith.index_cast %add3A_373 : i32 to index
        %get3A_375 = tpu.vector_load %arg9[%get3A_374] {strides = array<i32>} : memref<2048xf32, #tpu.memory_space<vmem>>, vector<16xf32>,
        %mul3A_376 = arith.constant 1024 : i32
        %mul3A_377 = arith.muli %select_n3A_30, %mul3A_376 : i32
        %mul3A_378 = arith.constant 16 : i32
        %mul3A_379 = arith.muli %add3A_361, %mul3A_378 : i32
        %add3A_380 = arith.addi %mul3A_377, %mul3A_379 : i32
        %get3A_381 = arith.index_cast %add3A_380 : i32 to index
        %get3A_382 = tpu.vector_load %arg10[%get3A_381] {strides = array<i32>} : memref<2048xf32, #tpu.memory_space<vmem>>, vector<16xf32>,
        %sub3A_383 = arith.subf %get3A_368, %gather3A_122 : vector<16xf32>
        %sub3A_384 = arith.subf %get3A_368, %gather3A_122 : vector<16xf32>
        %mul3A_385 = arith.mulf %sub3A_383, %sub3A_384 : vector<16xf32>
        %sub3A_386 = arith.subf %get3A_375, %gather3A_123 : vector<16xf32>
        %sub3A_387 = arith.subf %get3A_375, %gather3A_123 : vector<16xf32>
        %mul3A_388 = arith.mulf %sub3A_386, %sub3A_387 : vector<16xf32>
        %add3A_389 = arith.addf %mul3A_385, %mul3A_388 : vector<16xf32>
        %sub3A_390 = arith.subf %get3A_382, %gather3A_124 : vector<16xf32>
        %sub3A_391 = arith.subf %get3A_382, %gather3A_124 : vector<16xf32>
        %mul3A_392 = arith.mulf %sub3A_390, %sub3A_391 : vector<16xf32>
        %add3A_393 = arith.addf %add3A_389, %mul3A_392 : vector<16xf32>
        %mul3A_394 = arith.constant 16 : i32
        %mul3A_395 = arith.muli %add3A_361, %mul3A_394 : i32
        %get3A_396 = arith.index_cast %mul3A_395 : i32 to index
        %get3A_397 = tpu.vector_load %arg11[%get3A_396] {strides = array<i32>} : memref<2048xf32, #tpu.memory_space<vmem>>, vector<16xf32>,
        %min3A_398 = arith.minimumf %get3A_397, %add3A_393 : vector<16xf32>
        %mul3A_399 = arith.constant 16 : i32
        %mul3A_400 = arith.muli %add3A_361, %mul3A_399 : i32
        %swap3A_401 = arith.index_cast %mul3A_400 : i32 to index
        %swap3A_402 = tpu.vector_load %arg11[%swap3A_401] {strides = array<i32>} : memref<2048xf32, #tpu.memory_space<vmem>>, vector<16xf32>,
        tpu.vector_store %arg11[%swap3A_401], %min3A_398 {strides = array<i32>} : memref<2048xf32, #tpu.memory_space<vmem>>, vector<16xf32>,
        %gt3A_403 = arith.cmpf ogt, %min3A_398, %select_n3A_355 : vector<16xf32>
        %select_n3A_404 = arith.select %gt3A_403, %min3A_398, %select_n3A_355 : vector<16xi1>, vector<16xf32>
        %broadcast_in_dim3A_405 = vector.broadcast %add3A_361 : i32 to vector<16xi32>
        %select_n3A_406 = arith.select %gt3A_403, %broadcast_in_dim3A_405, %select_n3A_357 : vector<16xi1>, vector<16xi32>
        scf.yield %select_n3A_404, %select_n3A_406 : vector<16xf32>, vector<16xi32>
      }
      %scan3A_134 = arith.constant 16 : i32
      %reduce_max3A = arith.constant true
      %reduce_max3A_135 = vector.broadcast %reduce_max3A : i1 to vector<16xi1>
      %reduce_max3A_136 = tpu.scan <max>, %scan3A_133#0 masked %reduce_max3A_135 : vector<16xf32>, vector<16xi1> -> vector<16xf32>
      %reduce_max3A_137 = vector.extract %reduce_max3A_136[15] : f32 from vector<16xf32>
      %eq3A_138 = vector.broadcast %reduce_max3A_137 : f32 to vector<16xf32>
      %eq3A_139 = arith.cmpf oeq, %scan3A_133#0, %eq3A_138 : vector<16xf32>
      %mul3A_140 = arith.constant 1024 : i32
      %mul3A_141 = arith.muli %select_n3A_30, %mul3A_140 : i32
      %mul3A_142 = arith.constant 16 : i32
      %mul3A_143 = vector.broadcast %mul3A_142 : i32 to vector<16xi32>
      %mul3A_144 = arith.muli %scan3A_133#1, %mul3A_143 : vector<16xi32>
      %add3A_145 = vector.broadcast %mul3A_141 : i32 to vector<16xi32>
      %add3A_146 = arith.addi %add3A_145, %mul3A_144 : vector<16xi32>
      %add3A_147 = arith.addi %add3A_146, %iota3A_47 : vector<16xi32>
      %broadcast_in_dim3A_148 = arith.constant 2048 : i32
      %broadcast_in_dim3A_149 = vector.broadcast %broadcast_in_dim3A_148 : i32 to vector<16xi32>
      %select_n3A_150 = arith.select %eq3A_139, %add3A_147, %broadcast_in_dim3A_149 : vector<16xi1>, vector<16xi32>
      %reduce_min3A = arith.constant true
      %reduce_min3A_151 = vector.broadcast %reduce_min3A : i1 to vector<16xi1>
      %reduce_min3A_152 = arith.constant -2147483648 : i32
      %reduce_min3A_153 = vector.broadcast %reduce_min3A_152 : i32 to vector<16xi32>
      %reduce_min3A_154 = arith.xori %select_n3A_150, %reduce_min3A_153 : vector<16xi32>
      %reduce_min3A_155 = tpu.scan <min>, %reduce_min3A_154 masked %reduce_min3A_151 : vector<16xi32>, vector<16xi1> -> vector<16xi32>
      %reduce_min3A_156 = arith.xori %reduce_min3A_155, %reduce_min3A_153 : vector<16xi32>
      %reduce_min3A_157 = vector.extract %reduce_min3A_156[15] : i32 from vector<16xi32>
      %jit3A_158 = arith.constant 2 : i32
      %eq3A_159 = arith.constant 0 : i32
      %eq3A_160 = arith.cmpi eq, %jit3A_158, %eq3A_159 : i32
      %jit3A_161 = arith.constant 1 : i32
      %select_n3A_162 = arith.select %eq3A_160, %jit3A_161, %jit3A_158 : i32
      %rem3A_163 = arith.remsi %scan3A_115, %select_n3A_162 : i32
      %ne3A_164 = arith.constant 0 : i32
      %ne3A_165 = arith.cmpi ne, %rem3A_163, %ne3A_164 : i32
      %lt3A_166 = arith.constant 0 : i32
      %lt3A_167 = arith.cmpi slt, %rem3A_163, %lt3A_166 : i32
      %lt3A_168 = arith.constant 0 : i32
      %lt3A_169 = arith.cmpi slt, %select_n3A_162, %lt3A_168 : i32
      %ne3A_170 = arith.xori %lt3A_167, %lt3A_169 : i1
      %and3A_171 = arith.andi %ne3A_170, %ne3A_165 : i1
      %add3A_172 = arith.addi %rem3A_163, %select_n3A_162 : i32
      %select_n3A_173 = arith.select %and3A_171, %add3A_172, %rem3A_163 : i32
      %eq3A_174 = arith.constant 0 : i32
      %eq3A_175 = vector.broadcast %eq3A_174 : i32 to vector<16xi32>
      %eq3A_176 = arith.cmpi eq, %iota3A_47, %eq3A_175 : vector<16xi32>
      %broadcast_in_dim3A_177 = vector.broadcast %reduce_max3A_137 : f32 to vector<16xf32>
      %eq3A_178 = arith.constant 1 : i32
      %eq3A_179 = vector.broadcast %eq3A_178 : i32 to vector<16xi32>
      %eq3A_180 = arith.cmpi eq, %iota3A_47, %eq3A_179 : vector<16xi32>
      %convert_element_type3A_181 = arith.sitofp %reduce_min3A_157 : i32 to f32
      %broadcast_in_dim3A_182 = vector.broadcast %convert_element_type3A_181 : f32 to vector<16xf32>
      %broadcast_in_dim3A_183 = arith.constant 0.000000e+00 : f32
      %broadcast_in_dim3A_184 = vector.broadcast %broadcast_in_dim3A_183 : f32 to vector<16xf32>
      %select_n3A_185 = arith.select %eq3A_180, %broadcast_in_dim3A_182, %broadcast_in_dim3A_184 : vector<16xi1>, vector<16xf32>
      %select_n3A_186 = arith.select %eq3A_176, %broadcast_in_dim3A_177, %select_n3A_185 : vector<16xi1>, vector<16xf32>
      %swap3A_187 = arith.constant 0 : index
      %swap3A_188 = tpu.vector_load %arg24[%swap3A_187] {strides = array<i32>} : memref<16xf32, #tpu.memory_space<vmem>>, vector<16xf32>,
      tpu.vector_store %arg24[%swap3A_187], %select_n3A_186 {strides = array<i32>} : memref<16xf32, #tpu.memory_space<vmem>>, vector<16xf32>,
      %mul3A_189 = arith.constant 16 : i32
      %mul3A_190 = arith.muli %select_n3A_173, %mul3A_189 : i32
      %add3A_191 = arith.addi %mul3A_190, %arg1 : i32
      %mul3A_192 = arith.constant 16 : i32
      %mul3A_193 = arith.muli %add3A_191, %mul3A_192 : i32
      "tpu.region"() ({
        %run_scoped3A = tpu.sem_alloc : memref<!tpu.dma_semaphore, #tpu.memory_space<semaphore_mem>>
        %dma_start3A_208 = tpu.memref_slice %arg23[%mul3A_193] : memref<512xf32, #tpu.memory_space<vmem_shared>> -> memref<16xf32, #tpu.memory_space<vmem_shared>>
        %dma_start3A_209 = tpu.memref_slice %arg23[%mul3A_193] : memref<512xf32, #tpu.memory_space<vmem_shared>> -> memref<16xf32, #tpu.memory_space<vmem_shared>>
        tpu.enqueue_dma source(%arg24 : memref<16xf32, #tpu.memory_space<vmem>>) target(%dma_start3A_209 : memref<16xf32, #tpu.memory_space<vmem_shared>>) target_semaphore(%run_scoped3A : memref<!tpu.dma_semaphore, #tpu.memory_space<semaphore_mem>>)
        %dma_wait3A_210 = tpu.memref_slice %arg23[%mul3A_193] : memref<512xf32, #tpu.memory_space<vmem_shared>> -> memref<16xf32, #tpu.memory_space<vmem_shared>>
        %dma_wait3A_211 = tpu.memref_slice %arg23[%mul3A_193] : memref<512xf32, #tpu.memory_space<vmem_shared>> -> memref<16xf32, #tpu.memory_space<vmem_shared>>
        tpu.wait_dma2 semaphore(%run_scoped3A : memref<!tpu.dma_semaphore, #tpu.memory_space<semaphore_mem>>) src(%arg24 : memref<16xf32, #tpu.memory_space<vmem>>) dst(%dma_wait3A_211 : memref<16xf32, #tpu.memory_space<vmem_shared>>)
        tpu.yield
      }) : () -> ()
      %barrier3A = arith.constant 0 : index
      tpu.barrier barrier_id(%barrier3A)
      %mul3A_194 = arith.constant 16 : i32
      %mul3A_195 = arith.muli %select_n3A_173, %mul3A_194 : i32
      %xor3A = arith.constant 1 : i32
      %xor3A_196 = arith.xori %arg1, %xor3A : i32
      %add3A_197 = arith.addi %mul3A_195, %xor3A_196 : i32
      %mul3A_198 = arith.constant 16 : i32
      %mul3A_199 = arith.muli %add3A_197, %mul3A_198 : i32
      "tpu.region"() ({
        %run_scoped3A = tpu.sem_alloc : memref<!tpu.dma_semaphore, #tpu.memory_space<semaphore_mem>>
        %dma_start3A_208 = tpu.memref_slice %arg23[%mul3A_199] : memref<512xf32, #tpu.memory_space<vmem_shared>> -> memref<16xf32, #tpu.memory_space<vmem_shared>>
        %dma_start3A_209 = tpu.memref_slice %arg23[%mul3A_199] : memref<512xf32, #tpu.memory_space<vmem_shared>> -> memref<16xf32, #tpu.memory_space<vmem_shared>>
        tpu.enqueue_dma source(%dma_start3A_209 : memref<16xf32, #tpu.memory_space<vmem_shared>>) target(%arg24 : memref<16xf32, #tpu.memory_space<vmem>>) target_semaphore(%run_scoped3A : memref<!tpu.dma_semaphore, #tpu.memory_space<semaphore_mem>>)
        %dma_wait3A_210 = tpu.memref_slice %arg23[%mul3A_199] : memref<512xf32, #tpu.memory_space<vmem_shared>> -> memref<16xf32, #tpu.memory_space<vmem_shared>>
        %dma_wait3A_211 = tpu.memref_slice %arg23[%mul3A_199] : memref<512xf32, #tpu.memory_space<vmem_shared>> -> memref<16xf32, #tpu.memory_space<vmem_shared>>
        tpu.wait_dma2 semaphore(%run_scoped3A : memref<!tpu.dma_semaphore, #tpu.memory_space<semaphore_mem>>) src(%dma_wait3A_211 : memref<16xf32, #tpu.memory_space<vmem_shared>>) dst(%arg24 : memref<16xf32, #tpu.memory_space<vmem>>)
        tpu.yield
      }) : () -> ()
      %get3A_200 = arith.constant 0 : index
      %get3A_201 = tpu.vector_load %arg24[%get3A_200] {strides = array<i32>} : memref<16xf32, #tpu.memory_space<vmem>>, vector<16xf32>,
      %slice3A = vector.extract_strided_slice %get3A_201 {offsets = [0], sizes = [1], strides = [1]} : vector<16xf32> to vector<1xf32>
      %squeeze3A = vector.extract %slice3A[0] : f32 from vector<1xf32>
      %slice3A_202 = vector.extract_strided_slice %get3A_201 {offsets = [1], sizes = [1], strides = [1]} : vector<16xf32> to vector<1xf32>
      %squeeze3A_203 = vector.extract %slice3A_202[0] : f32 from vector<1xf32>
      %convert_element_type3A_204 = arith.fptosi %squeeze3A_203 : f32 to i32
      %gt3A = arith.cmpf ogt, %squeeze3A, %reduce_max3A_137 : f32
      %eq3A_205 = arith.cmpf oeq, %squeeze3A, %reduce_max3A_137 : f32
      %min3A = arith.minsi %reduce_min3A_157, %convert_element_type3A_204 : i32
      %select_n3A_206 = arith.select %eq3A_205, %min3A, %reduce_min3A_157 : i32
      %select_n3A_207 = arith.select %gt3A, %convert_element_type3A_204, %select_n3A_206 : i32
      scf.yield %select_n3A_207 : i32
    }
    %scan3A_60 = arith.constant 32 : i32
    %get3A = arith.constant 0 : index
    %get3A_61 = tpu.vector_load %arg12[%get3A] {strides = array<i32>} : memref<32xi32, #tpu.memory_space<vmem>>, vector<16xi32>,
    %gather3A = tpu.vector_load_idx %arg8[%get3A_61] : memref<2048xf32, #tpu.memory_space<vmem>>[vector<16xi32>], vector<16xf32>,
    %swap3A = arith.constant 0 : index
    %swap3A_62 = tpu.vector_load %arg13[%swap3A] {strides = array<i32>} : memref<32xf32, #tpu.memory_space<vmem>>, vector<16xf32>,
    tpu.vector_store %arg13[%swap3A], %gather3A {strides = array<i32>} : memref<32xf32, #tpu.memory_space<vmem>>, vector<16xf32>,
    %gather3A_63 = tpu.vector_load_idx %arg9[%get3A_61] : memref<2048xf32, #tpu.memory_space<vmem>>[vector<16xi32>], vector<16xf32>,
    %swap3A_64 = arith.constant 0 : index
    %swap3A_65 = tpu.vector_load %arg14[%swap3A_64] {strides = array<i32>} : memref<32xf32, #tpu.memory_space<vmem>>, vector<16xf32>,
    tpu.vector_store %arg14[%swap3A_64], %gather3A_63 {strides = array<i32>} : memref<32xf32, #tpu.memory_space<vmem>>, vector<16xf32>,
    %gather3A_66 = tpu.vector_load_idx %arg10[%get3A_61] : memref<2048xf32, #tpu.memory_space<vmem>>[vector<16xi32>], vector<16xf32>,
    %swap3A_67 = arith.constant 0 : index
    %swap3A_68 = tpu.vector_load %arg15[%swap3A_67] {strides = array<i32>} : memref<32xf32, #tpu.memory_space<vmem>>, vector<16xf32>,
    tpu.vector_store %arg15[%swap3A_67], %gather3A_66 {strides = array<i32>} : memref<32xf32, #tpu.memory_space<vmem>>, vector<16xf32>,
    %get3A_69 = arith.constant 16 : index
    %get3A_70 = tpu.vector_load %arg12[%get3A_69] {strides = array<i32>} : memref<32xi32, #tpu.memory_space<vmem>>, vector<16xi32>,
    %gather3A_71 = tpu.vector_load_idx %arg8[%get3A_70] : memref<2048xf32, #tpu.memory_space<vmem>>[vector<16xi32>], vector<16xf32>,
    %swap3A_72 = arith.constant 16 : index
    %swap3A_73 = tpu.vector_load %arg13[%swap3A_72] {strides = array<i32>} : memref<32xf32, #tpu.memory_space<vmem>>, vector<16xf32>,
    tpu.vector_store %arg13[%swap3A_72], %gather3A_71 {strides = array<i32>} : memref<32xf32, #tpu.memory_space<vmem>>, vector<16xf32>,
    %gather3A_74 = tpu.vector_load_idx %arg9[%get3A_70] : memref<2048xf32, #tpu.memory_space<vmem>>[vector<16xi32>], vector<16xf32>,
    %swap3A_75 = arith.constant 16 : index
    %swap3A_76 = tpu.vector_load %arg14[%swap3A_75] {strides = array<i32>} : memref<32xf32, #tpu.memory_space<vmem>>, vector<16xf32>,
    tpu.vector_store %arg14[%swap3A_75], %gather3A_74 {strides = array<i32>} : memref<32xf32, #tpu.memory_space<vmem>>, vector<16xf32>,
    %gather3A_77 = tpu.vector_load_idx %arg10[%get3A_70] : memref<2048xf32, #tpu.memory_space<vmem>>[vector<16xi32>], vector<16xf32>,
    %swap3A_78 = arith.constant 16 : index
    %swap3A_79 = tpu.vector_load %arg15[%swap3A_78] {strides = array<i32>} : memref<32xf32, #tpu.memory_space<vmem>>, vector<16xf32>,
    tpu.vector_store %arg15[%swap3A_78], %gather3A_77 {strides = array<i32>} : memref<32xf32, #tpu.memory_space<vmem>>, vector<16xf32>,
    %mul3A_80 = arith.constant 16 : i32
    %mul3A_81 = arith.muli %select_n3A_30, %mul3A_80 : i32
    %mul3A_82 = arith.constant 2048 : i32
    %mul3A_83 = arith.muli %select_n3A, %mul3A_82 : i32
    %iota3A_84 = tpu.iota {dimensions = array<i32: 0>} : vector<16xi32>
    %scan3A_85 = arith.constant 0 : i32
    %scan3A_86 = arith.constant 0 : i32
    %scan3A_87 = arith.constant 16 : i32
    %scan3A_88 = arith.addi %scan3A_86, %scan3A_87 : i32
    %scan3A_89 = arith.constant 1 : i32
    %scan3A_90 = scf.for %scan3A_115 = %scan3A_86 to %scan3A_88 step %scan3A_89 iter_args(%scan3A_116 = %scan3A_85) -> (i32)  : i32 {
      %add3A_117 = arith.addi %mul3A_81, %scan3A_115 : i32
      %broadcast_in_dim3A = vector.broadcast %add3A_117 : i32 to vector<16xi32>
      %gather3A_118 = tpu.vector_load_idx %arg13[%broadcast_in_dim3A] : memref<32xf32, #tpu.memory_space<vmem>>[vector<16xi32>], vector<16xf32>,
      %gather3A_119 = tpu.vector_load_idx %arg14[%broadcast_in_dim3A] : memref<32xf32, #tpu.memory_space<vmem>>[vector<16xi32>], vector<16xf32>,
      %gather3A_120 = tpu.vector_load_idx %arg15[%broadcast_in_dim3A] : memref<32xf32, #tpu.memory_space<vmem>>[vector<16xi32>], vector<16xf32>,
      %scan3A_121 = arith.constant 0 : i32
      %scan3A_122 = arith.constant 0 : i32
      %scan3A_123 = arith.constant 128 : i32
      %scan3A_124 = arith.addi %scan3A_122, %scan3A_123 : i32
      %scan3A_125 = arith.constant 1 : i32
      %scan3A_126 = scf.for %scan3A_147 = %scan3A_122 to %scan3A_124 step %scan3A_125 iter_args(%scan3A_148 = %scan3A_121) -> (i32)  : i32 {
        %mul3A_149 = arith.constant 16 : i32
        %mul3A_150 = arith.muli %scan3A_147, %mul3A_149 : i32
        %get3A_151 = arith.index_cast %mul3A_150 : i32 to index
        %get3A_152 = tpu.vector_load %arg8[%get3A_151] {strides = array<i32>} : memref<2048xf32, #tpu.memory_space<vmem>>, vector<16xf32>,
        %get3A_153 = arith.index_cast %mul3A_150 : i32 to index
        %get3A_154 = tpu.vector_load %arg9[%get3A_153] {strides = array<i32>} : memref<2048xf32, #tpu.memory_space<vmem>>, vector<16xf32>,
        %get3A_155 = arith.index_cast %mul3A_150 : i32 to index
        %get3A_156 = tpu.vector_load %arg10[%get3A_155] {strides = array<i32>} : memref<2048xf32, #tpu.memory_space<vmem>>, vector<16xf32>,
        %sub3A_157 = arith.subf %get3A_152, %gather3A_118 : vector<16xf32>
        %sub3A_158 = arith.subf %get3A_152, %gather3A_118 : vector<16xf32>
        %mul3A_159 = arith.mulf %sub3A_157, %sub3A_158 : vector<16xf32>
        %sub3A_160 = arith.subf %get3A_154, %gather3A_119 : vector<16xf32>
        %sub3A_161 = arith.subf %get3A_154, %gather3A_119 : vector<16xf32>
        %mul3A_162 = arith.mulf %sub3A_160, %sub3A_161 : vector<16xf32>
        %add3A_163 = arith.addf %mul3A_159, %mul3A_162 : vector<16xf32>
        %sub3A_164 = arith.subf %get3A_156, %gather3A_120 : vector<16xf32>
        %sub3A_165 = arith.subf %get3A_156, %gather3A_120 : vector<16xf32>
        %mul3A_166 = arith.mulf %sub3A_164, %sub3A_165 : vector<16xf32>
        %add3A_167 = arith.addf %add3A_163, %mul3A_166 : vector<16xf32>
        %gt3A = arith.constant 1.000000e+00 : f32
        %gt3A_168 = vector.broadcast %gt3A : f32 to vector<16xf32>
        %gt3A_169 = arith.cmpf ogt, %add3A_167, %gt3A_168 : vector<16xf32>
        %not3A = arith.constant dense<true> : vector<16xi1>
        %not3A_170 = arith.xori %gt3A_169, %not3A : vector<16xi1>
        %mul3A_171 = arith.constant 16 : i32
        %mul3A_172 = arith.muli %scan3A_147, %mul3A_171 : i32
        %add3A_173 = vector.broadcast %mul3A_172 : i32 to vector<16xi32>
        %add3A_174 = arith.addi %add3A_173, %iota3A_84 : vector<16xi32>
        %min3A_175 = arith.constant 8 : i32
        %min3A_176 = arith.minsi %scan3A_148, %min3A_175 : i32
        %swap3A_177 = arith.index_cast %min3A_176 : i32 to index
        %swap3A_178 = tpu.vector_load %arg16[%swap3A_177] masked %not3A_170 {strides = array<i32>} : memref<24xi32, #tpu.memory_space<vmem>>, vector<16xi32>, vector<16xi1>
        tpu.vector_store %arg16[%swap3A_177], %add3A_174 masked %not3A_170 {strides = array<i32>} : memref<24xi32, #tpu.memory_space<vmem>>, vector<16xi32>, vector<16xi1>
        %all_reduce_population_count3A = tpu.all_reduce %not3A_170 {dim = 0 : i64, kind = #tpu.reduction_kind<sum>} : vector<16xi1> -> vector<16xi32>
        %slice3A = vector.extract_strided_slice %all_reduce_population_count3A {offsets = [0], sizes = [1], strides = [1]} : vector<16xi32> to vector<1xi32>
        %squeeze3A = vector.extract %slice3A[0] : i32 from vector<1xi32>
        %add3A_179 = arith.addi %scan3A_148, %squeeze3A : i32
        scf.yield %add3A_179 : i32
      }
      %scan3A_127 = arith.constant 128 : i32
      %get3A_128 = arith.constant 0 : index
      %get3A_129 = tpu.vector_load %arg16[%get3A_128] {strides = array<i32>} : memref<24xi32, #tpu.memory_space<vmem>>, vector<16xi32>,
      %broadcast_in_dim3A_130 = arith.constant 0 : i32
      %broadcast_in_dim3A_131 = vector.broadcast %broadcast_in_dim3A_130 : i32 to vector<16xi32>
      %gather3A_132 = tpu.vector_load_idx %arg16[%broadcast_in_dim3A_131] : memref<24xi32, #tpu.memory_space<vmem>>[vector<16xi32>], vector<16xi32>,
      %min3A = arith.constant 8 : i32
      %min3A_133 = arith.minsi %scan3A_126, %min3A : i32
      %lt3A_134 = vector.broadcast %min3A_133 : i32 to vector<16xi32>
      %lt3A_135 = arith.cmpi slt, %iota3A_84, %lt3A_134 : vector<16xi32>
      %select_n3A_136 = arith.select %lt3A_135, %get3A_129, %gather3A_132 : vector<16xi1>, vector<16xi32>
      %mul3A_137 = arith.constant 8 : i32
      %mul3A_138 = arith.muli %scan3A_115, %mul3A_137 : i32
      %add3A_139 = vector.broadcast %mul3A_138 : i32 to vector<16xi32>
      %add3A_140 = arith.addi %add3A_139, %iota3A_84 : vector<16xi32>
      %broadcast_in_dim3A_141 = vector.broadcast %mul3A_83 : i32 to vector<16xi32>
      %add3A_142 = arith.addi %select_n3A_136, %broadcast_in_dim3A_141 : vector<16xi32>
      %lt3A_143 = arith.constant 8 : i32
      %lt3A_144 = vector.broadcast %lt3A_143 : i32 to vector<16xi32>
      %lt3A_145 = arith.cmpi slt, %iota3A_84, %lt3A_144 : vector<16xi32>
      tpu.vector_store_idx %arg17[%add3A_140], %add3A_142 masked %lt3A_145 : memref<128xi32, #tpu.memory_space<vmem>>[vector<16xi32>], vector<16xi32>, vector<16xi1>
      %scan3A_146 = arith.constant 0 : i32
      scf.yield %scan3A_146 : i32
    }
    %scan3A_91 = arith.constant 16 : i32
    %dma_start3A = arith.constant 0 : i32
    %dma_start3A_92 = arith.constant 0 : i32
    %dma_start3A_93 = tpu.memref_slice %arg3[%dma_start3A, %dma_start3A_92] : memref<32768x128xf32, #tpu.memory_space<hbm>> -> memref<32768x128xf32, #tpu.memory_space<hbm>>
    tpu.enqueue_indirect_dma source(%dma_start3A_93 : memref<32768x128xf32, #tpu.memory_space<hbm>>) target(%arg18 : memref<128x128xf32, #tpu.memory_space<vmem>>) offsets(%arg17 : memref<128xi32, #tpu.memory_space<vmem>>) semaphore(%arg25 : memref<!tpu.dma_semaphore, #tpu.memory_space<semaphore_mem>>)
    %dma_wait3A = arith.constant 0 : i32
    %dma_wait3A_94 = arith.constant 0 : i32
    %dma_wait3A_95 = tpu.memref_slice %arg3[%dma_wait3A, %dma_wait3A_94] : memref<32768x128xf32, #tpu.memory_space<hbm>> -> memref<32768x128xf32, #tpu.memory_space<hbm>>
    tpu.wait_indirect_dma semaphore(%arg25 : memref<!tpu.dma_semaphore, #tpu.memory_space<semaphore_mem>>) src(%dma_wait3A_95 : memref<32768x128xf32, #tpu.memory_space<hbm>>) dst(%arg18 : memref<128x128xf32, #tpu.memory_space<vmem>>)
    %scan3A_96 = arith.constant 0 : i32
    %scan3A_97 = arith.constant 0 : i32
    %scan3A_98 = arith.constant 8 : i32
    %scan3A_99 = arith.addi %scan3A_97, %scan3A_98 : i32
    %scan3A_100 = arith.constant 1 : i32
    %scan3A_101 = scf.for %scan3A_115 = %scan3A_97 to %scan3A_99 step %scan3A_100 iter_args(%scan3A_116 = %scan3A_96) -> (i32)  : i32 {
      %mul3A_117 = arith.constant 16 : i32
      %mul3A_118 = arith.muli %scan3A_115, %mul3A_117 : i32
      %add3A_119 = vector.broadcast %mul3A_118 : i32 to vector<16xi32>
      %add3A_120 = arith.addi %add3A_119, %iota3A : vector<16xi32>
      %mul3A_121 = arith.constant 16 : i32
      %mul3A_122 = arith.muli %select_n3A_30, %mul3A_121 : i32
      %shift_right_arithmetic3A = arith.constant 3 : i32
      %shift_right_arithmetic3A_123 = vector.broadcast %shift_right_arithmetic3A : i32 to vector<16xi32>
      %shift_right_arithmetic3A_124 = arith.shrsi %add3A_120, %shift_right_arithmetic3A_123 : vector<16xi32>
      %add3A_125 = vector.broadcast %mul3A_122 : i32 to vector<16xi32>
      %add3A_126 = arith.addi %add3A_125, %shift_right_arithmetic3A_124 : vector<16xi32>
      %broadcast_in_dim3A = arith.constant 0 : i32
      %broadcast_in_dim3A_127 = vector.broadcast %broadcast_in_dim3A : i32 to vector<16xi32>
      %gather3A_128 = tpu.vector_load_idx %arg18[%add3A_120, %broadcast_in_dim3A_127] : memref<128x128xf32, #tpu.memory_space<vmem>>[vector<16xi32>, vector<16xi32>], vector<16xf32>,
      %gather3A_129 = tpu.vector_load_idx %arg13[%add3A_126] : memref<32xf32, #tpu.memory_space<vmem>>[vector<16xi32>], vector<16xf32>,
      %sub3A_130 = arith.subf %gather3A_128, %gather3A_129 : vector<16xf32>
      tpu.vector_store_idx %arg18[%add3A_120, %broadcast_in_dim3A_127], %sub3A_130 : memref<128x128xf32, #tpu.memory_space<vmem>>[vector<16xi32>, vector<16xi32>], vector<16xf32>,
      %broadcast_in_dim3A_131 = arith.constant 1 : i32
      %broadcast_in_dim3A_132 = vector.broadcast %broadcast_in_dim3A_131 : i32 to vector<16xi32>
      %gather3A_133 = tpu.vector_load_idx %arg18[%add3A_120, %broadcast_in_dim3A_132] : memref<128x128xf32, #tpu.memory_space<vmem>>[vector<16xi32>, vector<16xi32>], vector<16xf32>,
      %gather3A_134 = tpu.vector_load_idx %arg14[%add3A_126] : memref<32xf32, #tpu.memory_space<vmem>>[vector<16xi32>], vector<16xf32>,
      %sub3A_135 = arith.subf %gather3A_133, %gather3A_134 : vector<16xf32>
      tpu.vector_store_idx %arg18[%add3A_120, %broadcast_in_dim3A_132], %sub3A_135 : memref<128x128xf32, #tpu.memory_space<vmem>>[vector<16xi32>, vector<16xi32>], vector<16xf32>,
      %broadcast_in_dim3A_136 = arith.constant 2 : i32
      %broadcast_in_dim3A_137 = vector.broadcast %broadcast_in_dim3A_136 : i32 to vector<16xi32>
      %gather3A_138 = tpu.vector_load_idx %arg18[%add3A_120, %broadcast_in_dim3A_137] : memref<128x128xf32, #tpu.memory_space<vmem>>[vector<16xi32>, vector<16xi32>], vector<16xf32>,
      %gather3A_139 = tpu.vector_load_idx %arg15[%add3A_126] : memref<32xf32, #tpu.memory_space<vmem>>[vector<16xi32>], vector<16xf32>,
      %sub3A_140 = arith.subf %gather3A_138, %gather3A_139 : vector<16xf32>
      tpu.vector_store_idx %arg18[%add3A_120, %broadcast_in_dim3A_137], %sub3A_140 : memref<128x128xf32, #tpu.memory_space<vmem>>[vector<16xi32>, vector<16xi32>], vector<16xf32>,
      %scan3A_141 = arith.constant 0 : i32
      scf.yield %scan3A_141 : i32
    }
    %scan3A_102 = arith.constant 8 : i32
    %mul3A_103 = arith.constant 32 : i32
    %mul3A_104 = arith.muli %select_n3A, %mul3A_103 : i32
    %mul3A_105 = arith.constant 8 : i32
    %mul3A_106 = arith.muli %mul3A_104, %mul3A_105 : i32
    %mul3A_107 = arith.constant 16 : i32
    %mul3A_108 = arith.muli %select_n3A_30, %mul3A_107 : i32
    %mul3A_109 = arith.constant 8 : i32
    %mul3A_110 = arith.muli %mul3A_108, %mul3A_109 : i32
    %add3A_111 = arith.addi %mul3A_106, %mul3A_110 : i32
    "tpu.region"() ({
      %run_scoped3A = tpu.sem_alloc : memref<!tpu.dma_semaphore, #tpu.memory_space<semaphore_mem>>
      %dma_start3A_115 = arith.constant 0 : i32
      %dma_start3A_116 = tpu.memref_slice %arg4[%add3A_111, %dma_start3A_115] : memref<4096x128xf32, #tpu.memory_space<hbm>> -> memref<128x128xf32, #tpu.memory_space<hbm>>
      %dma_start3A_117 = arith.constant 0 : i32
      %dma_start3A_118 = tpu.memref_slice %arg4[%add3A_111, %dma_start3A_117] : memref<4096x128xf32, #tpu.memory_space<hbm>> -> memref<128x128xf32, #tpu.memory_space<hbm>>
      tpu.enqueue_dma source(%arg18 : memref<128x128xf32, #tpu.memory_space<vmem>>) target(%dma_start3A_118 : memref<128x128xf32, #tpu.memory_space<hbm>>) target_semaphore(%run_scoped3A : memref<!tpu.dma_semaphore, #tpu.memory_space<semaphore_mem>>)
      %dma_wait3A_119 = arith.constant 0 : i32
      %dma_wait3A_120 = tpu.memref_slice %arg4[%add3A_111, %dma_wait3A_119] : memref<4096x128xf32, #tpu.memory_space<hbm>> -> memref<128x128xf32, #tpu.memory_space<hbm>>
      %dma_wait3A_121 = arith.constant 0 : i32
      %dma_wait3A_122 = tpu.memref_slice %arg4[%add3A_111, %dma_wait3A_121] : memref<4096x128xf32, #tpu.memory_space<hbm>> -> memref<128x128xf32, #tpu.memory_space<hbm>>
      tpu.wait_dma2 semaphore(%run_scoped3A : memref<!tpu.dma_semaphore, #tpu.memory_space<semaphore_mem>>) src(%arg18 : memref<128x128xf32, #tpu.memory_space<vmem>>) dst(%dma_wait3A_122 : memref<128x128xf32, #tpu.memory_space<hbm>>)
      tpu.yield
    }) : () -> ()
    %eq3A_112 = arith.constant 0 : i32
    %eq3A_113 = arith.cmpi eq, %select_n3A_30, %eq3A_112 : i32
    %convert_element_type3A = arith.extui %eq3A_113 : i1 to i32
    %cond3A = arith.constant 0 : i32
    %cond3A_114 = arith.cmpi ne, %convert_element_type3A, %cond3A : i32
    scf.if %cond3A_114 {
      %mul3A_115 = arith.constant 3 : i32
      %mul3A_116 = arith.muli %select_n3A, %mul3A_115 : i32
      %mul3A_117 = arith.constant 32 : i32
      %mul3A_118 = arith.muli %mul3A_116, %mul3A_117 : i32
      "tpu.region"() ({
        %run_scoped3A = tpu.sem_alloc : memref<!tpu.dma_semaphore, #tpu.memory_space<semaphore_mem>>
        %dma_start3A_203 = tpu.memref_slice %arg5[%mul3A_118] : memref<1536xf32, #tpu.memory_space<hbm>> -> memref<32xf32, #tpu.memory_space<hbm>>
        %dma_start3A_204 = tpu.memref_slice %arg5[%mul3A_118] : memref<1536xf32, #tpu.memory_space<hbm>> -> memref<32xf32, #tpu.memory_space<hbm>>
        tpu.enqueue_dma source(%arg13 : memref<32xf32, #tpu.memory_space<vmem>>) target(%dma_start3A_204 : memref<32xf32, #tpu.memory_space<hbm>>) target_semaphore(%run_scoped3A : memref<!tpu.dma_semaphore, #tpu.memory_space<semaphore_mem>>)
        %dma_wait3A_205 = tpu.memref_slice %arg5[%mul3A_118] : memref<1536xf32, #tpu.memory_space<hbm>> -> memref<32xf32, #tpu.memory_space<hbm>>
        %dma_wait3A_206 = tpu.memref_slice %arg5[%mul3A_118] : memref<1536xf32, #tpu.memory_space<hbm>> -> memref<32xf32, #tpu.memory_space<hbm>>
        tpu.wait_dma2 semaphore(%run_scoped3A : memref<!tpu.dma_semaphore, #tpu.memory_space<semaphore_mem>>) src(%arg13 : memref<32xf32, #tpu.memory_space<vmem>>) dst(%dma_wait3A_206 : memref<32xf32, #tpu.memory_space<hbm>>)
        tpu.yield
      }) : () -> ()
      %mul3A_119 = arith.constant 3 : i32
      %mul3A_120 = arith.muli %select_n3A, %mul3A_119 : i32
      %mul3A_121 = arith.constant 32 : i32
      %mul3A_122 = arith.muli %mul3A_120, %mul3A_121 : i32
      %add3A_123 = arith.constant 32 : i32
      %add3A_124 = arith.addi %mul3A_122, %add3A_123 : i32
      "tpu.region"() ({
        %run_scoped3A = tpu.sem_alloc : memref<!tpu.dma_semaphore, #tpu.memory_space<semaphore_mem>>
        %dma_start3A_203 = tpu.memref_slice %arg5[%add3A_124] : memref<1536xf32, #tpu.memory_space<hbm>> -> memref<32xf32, #tpu.memory_space<hbm>>
        %dma_start3A_204 = tpu.memref_slice %arg5[%add3A_124] : memref<1536xf32, #tpu.memory_space<hbm>> -> memref<32xf32, #tpu.memory_space<hbm>>
        tpu.enqueue_dma source(%arg14 : memref<32xf32, #tpu.memory_space<vmem>>) target(%dma_start3A_204 : memref<32xf32, #tpu.memory_space<hbm>>) target_semaphore(%run_scoped3A : memref<!tpu.dma_semaphore, #tpu.memory_space<semaphore_mem>>)
        %dma_wait3A_205 = tpu.memref_slice %arg5[%add3A_124] : memref<1536xf32, #tpu.memory_space<hbm>> -> memref<32xf32, #tpu.memory_space<hbm>>
        %dma_wait3A_206 = tpu.memref_slice %arg5[%add3A_124] : memref<1536xf32, #tpu.memory_space<hbm>> -> memref<32xf32, #tpu.memory_space<hbm>>
        tpu.wait_dma2 semaphore(%run_scoped3A : memref<!tpu.dma_semaphore, #tpu.memory_space<semaphore_mem>>) src(%arg14 : memref<32xf32, #tpu.memory_space<vmem>>) dst(%dma_wait3A_206 : memref<32xf32, #tpu.memory_space<hbm>>)
        tpu.yield
      }) : () -> ()
      %mul3A_125 = arith.constant 3 : i32
      %mul3A_126 = arith.muli %select_n3A, %mul3A_125 : i32
      %mul3A_127 = arith.constant 32 : i32
      %mul3A_128 = arith.muli %mul3A_126, %mul3A_127 : i32
      %add3A_129 = arith.constant 64 : i32
      %add3A_130 = arith.addi %mul3A_128, %add3A_129 : i32
      "tpu.region"() ({
        %run_scoped3A = tpu.sem_alloc : memref<!tpu.dma_semaphore, #tpu.memory_space<semaphore_mem>>
        %dma_start3A_203 = tpu.memref_slice %arg5[%add3A_130] : memref<1536xf32, #tpu.memory_space<hbm>> -> memref<32xf32, #tpu.memory_space<hbm>>
        %dma_start3A_204 = tpu.memref_slice %arg5[%add3A_130] : memref<1536xf32, #tpu.memory_space<hbm>> -> memref<32xf32, #tpu.memory_space<hbm>>
        tpu.enqueue_dma source(%arg15 : memref<32xf32, #tpu.memory_space<vmem>>) target(%dma_start3A_204 : memref<32xf32, #tpu.memory_space<hbm>>) target_semaphore(%run_scoped3A : memref<!tpu.dma_semaphore, #tpu.memory_space<semaphore_mem>>)
        %dma_wait3A_205 = tpu.memref_slice %arg5[%add3A_130] : memref<1536xf32, #tpu.memory_space<hbm>> -> memref<32xf32, #tpu.memory_space<hbm>>
        %dma_wait3A_206 = tpu.memref_slice %arg5[%add3A_130] : memref<1536xf32, #tpu.memory_space<hbm>> -> memref<32xf32, #tpu.memory_space<hbm>>
        tpu.wait_dma2 semaphore(%run_scoped3A : memref<!tpu.dma_semaphore, #tpu.memory_space<semaphore_mem>>) src(%arg15 : memref<32xf32, #tpu.memory_space<vmem>>) dst(%dma_wait3A_206 : memref<32xf32, #tpu.memory_space<hbm>>)
        tpu.yield
      }) : () -> ()
      %iota3A_131 = tpu.iota {dimensions = array<i32: 0>} : vector<16xi32>
      %scan3A_132 = arith.constant 0 : i32
      %scan3A_133 = arith.constant 0 : i32
      %broadcast_in_dim3A = arith.constant 1.000000e+10 : f32
      %broadcast_in_dim3A_134 = vector.broadcast %broadcast_in_dim3A : f32 to vector<16xf32>
      %mul3A_135 = arith.constant 2 : i32
      %mul3A_136 = arith.muli %scan3A_133, %mul3A_135 : i32
      %add3A_137 = arith.constant 0 : i32
      %add3A_138 = arith.addi %mul3A_136, %add3A_137 : i32
      %mul3A_139 = arith.constant 16 : i32
      %mul3A_140 = arith.muli %add3A_138, %mul3A_139 : i32
      %swap3A_141 = arith.index_cast %mul3A_140 : i32 to index
      %swap3A_142 = tpu.vector_load %arg11[%swap3A_141] {strides = array<i32>} : memref<2048xf32, #tpu.memory_space<vmem>>, vector<16xf32>,
      tpu.vector_store %arg11[%swap3A_141], %broadcast_in_dim3A_134 {strides = array<i32>} : memref<2048xf32, #tpu.memory_space<vmem>>, vector<16xf32>,
      %broadcast_in_dim3A_143 = arith.constant 1.000000e+10 : f32
      %broadcast_in_dim3A_144 = vector.broadcast %broadcast_in_dim3A_143 : f32 to vector<16xf32>
      %mul3A_145 = arith.constant 2 : i32
      %mul3A_146 = arith.muli %scan3A_133, %mul3A_145 : i32
      %add3A_147 = arith.constant 1 : i32
      %add3A_148 = arith.addi %mul3A_146, %add3A_147 : i32
      %mul3A_149 = arith.constant 16 : i32
      %mul3A_150 = arith.muli %add3A_148, %mul3A_149 : i32
      %swap3A_151 = arith.index_cast %mul3A_150 : i32 to index
      %swap3A_152 = tpu.vector_load %arg11[%swap3A_151] {strides = array<i32>} : memref<2048xf32, #tpu.memory_space<vmem>>, vector<16xf32>,
      tpu.vector_store %arg11[%swap3A_151], %broadcast_in_dim3A_144 {strides = array<i32>} : memref<2048xf32, #tpu.memory_space<vmem>>, vector<16xf32>,
      %scan3A_153 = arith.constant 0 : i32
      %scan3A_154 = arith.constant 1 : i32
      %scan3A_155 = arith.constant 0 : i32
      %scan3A_156 = arith.constant 0 : i32
      %scan3A_157 = arith.constant 16 : i32
      %scan3A_158 = arith.addi %scan3A_156, %scan3A_157 : i32
      %scan3A_159 = arith.constant 1 : i32
      %scan3A_160 = scf.for %scan3A_203 = %scan3A_156 to %scan3A_158 step %scan3A_159 iter_args(%scan3A_204 = %scan3A_155) -> (i32)  : i32 {
        %broadcast_in_dim3A_205 = vector.broadcast %scan3A_203 : i32 to vector<16xi32>
        %broadcast_in_dim3A_206 = vector.broadcast %scan3A_204 : i32 to vector<16xi32>
        %eq3A_207 = arith.constant 0 : i32
        %eq3A_208 = vector.broadcast %eq3A_207 : i32 to vector<16xi32>
        %eq3A_209 = arith.cmpi eq, %iota3A_131, %eq3A_208 : vector<16xi32>
        tpu.vector_store_idx %arg19[%broadcast_in_dim3A_205], %broadcast_in_dim3A_206 masked %eq3A_209 : memref<16xi32, #tpu.memory_space<vmem>>[vector<16xi32>], vector<16xi32>, vector<16xi1>
        %broadcast_in_dim3A_210 = vector.broadcast %scan3A_204 : i32 to vector<16xi32>
        %gather3A_211 = tpu.vector_load_idx %arg13[%broadcast_in_dim3A_210] : memref<32xf32, #tpu.memory_space<vmem>>[vector<16xi32>], vector<16xf32>,
        %gather3A_212 = tpu.vector_load_idx %arg14[%broadcast_in_dim3A_210] : memref<32xf32, #tpu.memory_space<vmem>>[vector<16xi32>], vector<16xf32>,
        %gather3A_213 = tpu.vector_load_idx %arg15[%broadcast_in_dim3A_210] : memref<32xf32, #tpu.memory_space<vmem>>[vector<16xi32>], vector<16xf32>,
        %broadcast_in_dim3A_214 = arith.constant 0xFF800000 : f32
        %broadcast_in_dim3A_215 = vector.broadcast %broadcast_in_dim3A_214 : f32 to vector<16xf32>
        %broadcast_in_dim3A_216 = arith.constant 0 : i32
        %broadcast_in_dim3A_217 = vector.broadcast %broadcast_in_dim3A_216 : i32 to vector<16xi32>
        %scan3A_218 = arith.constant 0 : i32
        %mul3A_219 = arith.constant 2 : i32
        %mul3A_220 = arith.muli %scan3A_218, %mul3A_219 : i32
        %add3A_221 = arith.constant 0 : i32
        %add3A_222 = arith.addi %mul3A_220, %add3A_221 : i32
        %mul3A_223 = arith.constant 16 : i32
        %mul3A_224 = arith.muli %add3A_222, %mul3A_223 : i32
        %get3A_225 = arith.index_cast %mul3A_224 : i32 to index
        %get3A_226 = tpu.vector_load %arg13[%get3A_225] {strides = array<i32>} : memref<32xf32, #tpu.memory_space<vmem>>, vector<16xf32>,
        %get3A_227 = arith.index_cast %mul3A_224 : i32 to index
        %get3A_228 = tpu.vector_load %arg14[%get3A_227] {strides = array<i32>} : memref<32xf32, #tpu.memory_space<vmem>>, vector<16xf32>,
        %get3A_229 = arith.index_cast %mul3A_224 : i32 to index
        %get3A_230 = tpu.vector_load %arg15[%get3A_229] {strides = array<i32>} : memref<32xf32, #tpu.memory_space<vmem>>, vector<16xf32>,
        %sub3A_231 = arith.subf %get3A_226, %gather3A_211 : vector<16xf32>
        %sub3A_232 = arith.subf %get3A_226, %gather3A_211 : vector<16xf32>
        %mul3A_233 = arith.mulf %sub3A_231, %sub3A_232 : vector<16xf32>
        %sub3A_234 = arith.subf %get3A_228, %gather3A_212 : vector<16xf32>
        %sub3A_235 = arith.subf %get3A_228, %gather3A_212 : vector<16xf32>
        %mul3A_236 = arith.mulf %sub3A_234, %sub3A_235 : vector<16xf32>
        %add3A_237 = arith.addf %mul3A_233, %mul3A_236 : vector<16xf32>
        %sub3A_238 = arith.subf %get3A_230, %gather3A_213 : vector<16xf32>
        %sub3A_239 = arith.subf %get3A_230, %gather3A_213 : vector<16xf32>
        %mul3A_240 = arith.mulf %sub3A_238, %sub3A_239 : vector<16xf32>
        %add3A_241 = arith.addf %add3A_237, %mul3A_240 : vector<16xf32>
        %get3A_242 = arith.index_cast %mul3A_224 : i32 to index
        %get3A_243 = tpu.vector_load %arg11[%get3A_242] {strides = array<i32>} : memref<2048xf32, #tpu.memory_space<vmem>>, vector<16xf32>,
        %min3A = arith.minimumf %get3A_243, %add3A_241 : vector<16xf32>
        %swap3A_244 = arith.index_cast %mul3A_224 : i32 to index
        %swap3A_245 = tpu.vector_load %arg11[%swap3A_244] {strides = array<i32>} : memref<2048xf32, #tpu.memory_space<vmem>>, vector<16xf32>,
        tpu.vector_store %arg11[%swap3A_244], %min3A {strides = array<i32>} : memref<2048xf32, #tpu.memory_space<vmem>>, vector<16xf32>,
        %gt3A = arith.cmpf ogt, %min3A, %broadcast_in_dim3A_215 : vector<16xf32>
        %select_n3A_246 = arith.select %gt3A, %min3A, %broadcast_in_dim3A_215 : vector<16xi1>, vector<16xf32>
        %broadcast_in_dim3A_247 = vector.broadcast %add3A_222 : i32 to vector<16xi32>
        %select_n3A_248 = arith.select %gt3A, %broadcast_in_dim3A_247, %broadcast_in_dim3A_217 : vector<16xi1>, vector<16xi32>
        %mul3A_249 = arith.constant 2 : i32
        %mul3A_250 = arith.muli %scan3A_218, %mul3A_249 : i32
        %add3A_251 = arith.constant 1 : i32
        %add3A_252 = arith.addi %mul3A_250, %add3A_251 : i32
        %mul3A_253 = arith.constant 16 : i32
        %mul3A_254 = arith.muli %add3A_252, %mul3A_253 : i32
        %get3A_255 = arith.index_cast %mul3A_254 : i32 to index
        %get3A_256 = tpu.vector_load %arg13[%get3A_255] {strides = array<i32>} : memref<32xf32, #tpu.memory_space<vmem>>, vector<16xf32>,
        %get3A_257 = arith.index_cast %mul3A_254 : i32 to index
        %get3A_258 = tpu.vector_load %arg14[%get3A_257] {strides = array<i32>} : memref<32xf32, #tpu.memory_space<vmem>>, vector<16xf32>,
        %get3A_259 = arith.index_cast %mul3A_254 : i32 to index
        %get3A_260 = tpu.vector_load %arg15[%get3A_259] {strides = array<i32>} : memref<32xf32, #tpu.memory_space<vmem>>, vector<16xf32>,
        %sub3A_261 = arith.subf %get3A_256, %gather3A_211 : vector<16xf32>
        %sub3A_262 = arith.subf %get3A_256, %gather3A_211 : vector<16xf32>
        %mul3A_263 = arith.mulf %sub3A_261, %sub3A_262 : vector<16xf32>
        %sub3A_264 = arith.subf %get3A_258, %gather3A_212 : vector<16xf32>
        %sub3A_265 = arith.subf %get3A_258, %gather3A_212 : vector<16xf32>
        %mul3A_266 = arith.mulf %sub3A_264, %sub3A_265 : vector<16xf32>
        %add3A_267 = arith.addf %mul3A_263, %mul3A_266 : vector<16xf32>
        %sub3A_268 = arith.subf %get3A_260, %gather3A_213 : vector<16xf32>
        %sub3A_269 = arith.subf %get3A_260, %gather3A_213 : vector<16xf32>
        %mul3A_270 = arith.mulf %sub3A_268, %sub3A_269 : vector<16xf32>
        %add3A_271 = arith.addf %add3A_267, %mul3A_270 : vector<16xf32>
        %get3A_272 = arith.index_cast %mul3A_254 : i32 to index
        %get3A_273 = tpu.vector_load %arg11[%get3A_272] {strides = array<i32>} : memref<2048xf32, #tpu.memory_space<vmem>>, vector<16xf32>,
        %min3A_274 = arith.minimumf %get3A_273, %add3A_271 : vector<16xf32>
        %swap3A_275 = arith.index_cast %mul3A_254 : i32 to index
        %swap3A_276 = tpu.vector_load %arg11[%swap3A_275] {strides = array<i32>} : memref<2048xf32, #tpu.memory_space<vmem>>, vector<16xf32>,
        tpu.vector_store %arg11[%swap3A_275], %min3A_274 {strides = array<i32>} : memref<2048xf32, #tpu.memory_space<vmem>>, vector<16xf32>,
        %gt3A_277 = arith.cmpf ogt, %min3A_274, %select_n3A_246 : vector<16xf32>
        %select_n3A_278 = arith.select %gt3A_277, %min3A_274, %select_n3A_246 : vector<16xi1>, vector<16xf32>
        %broadcast_in_dim3A_279 = vector.broadcast %add3A_252 : i32 to vector<16xi32>
        %select_n3A_280 = arith.select %gt3A_277, %broadcast_in_dim3A_279, %select_n3A_248 : vector<16xi1>, vector<16xi32>
        %scan3A_281 = arith.constant 1 : i32
        %reduce_max3A = arith.constant true
        %reduce_max3A_282 = vector.broadcast %reduce_max3A : i1 to vector<16xi1>
        %reduce_max3A_283 = tpu.scan <max>, %select_n3A_278 masked %reduce_max3A_282 : vector<16xf32>, vector<16xi1> -> vector<16xf32>
        %reduce_max3A_284 = vector.extract %reduce_max3A_283[15] : f32 from vector<16xf32>
        %eq3A_285 = vector.broadcast %reduce_max3A_284 : f32 to vector<16xf32>
        %eq3A_286 = arith.cmpf oeq, %select_n3A_278, %eq3A_285 : vector<16xf32>
        %mul3A_287 = arith.constant 16 : i32
        %mul3A_288 = vector.broadcast %mul3A_287 : i32 to vector<16xi32>
        %mul3A_289 = arith.muli %select_n3A_280, %mul3A_288 : vector<16xi32>
        %add3A_290 = arith.addi %mul3A_289, %iota3A_131 : vector<16xi32>
        %broadcast_in_dim3A_291 = arith.constant 32 : i32
        %broadcast_in_dim3A_292 = vector.broadcast %broadcast_in_dim3A_291 : i32 to vector<16xi32>
        %select_n3A_293 = arith.select %eq3A_286, %add3A_290, %broadcast_in_dim3A_292 : vector<16xi1>, vector<16xi32>
        %reduce_min3A = arith.constant true
        %reduce_min3A_294 = vector.broadcast %reduce_min3A : i1 to vector<16xi1>
        %reduce_min3A_295 = arith.constant -2147483648 : i32
        %reduce_min3A_296 = vector.broadcast %reduce_min3A_295 : i32 to vector<16xi32>
        %reduce_min3A_297 = arith.xori %select_n3A_293, %reduce_min3A_296 : vector<16xi32>
        %reduce_min3A_298 = tpu.scan <min>, %reduce_min3A_297 masked %reduce_min3A_294 : vector<16xi32>, vector<16xi1> -> vector<16xi32>
        %reduce_min3A_299 = arith.xori %reduce_min3A_298, %reduce_min3A_296 : vector<16xi32>
        %reduce_min3A_300 = vector.extract %reduce_min3A_299[15] : i32 from vector<16xi32>
        scf.yield %reduce_min3A_300 : i32
      }
      %scan3A_161 = arith.constant 16 : i32
      %get3A_162 = arith.constant 0 : index
      %get3A_163 = tpu.vector_load %arg19[%get3A_162] {strides = array<i32>} : memref<16xi32, #tpu.memory_space<vmem>>, vector<16xi32>,
      %gather3A_164 = tpu.vector_load_idx %arg13[%get3A_163] : memref<32xf32, #tpu.memory_space<vmem>>[vector<16xi32>], vector<16xf32>,
      %swap3A_165 = arith.constant 0 : index
      %swap3A_166 = tpu.vector_load %arg20[%swap3A_165] {strides = array<i32>} : memref<16xf32, #tpu.memory_space<vmem>>, vector<16xf32>,
      tpu.vector_store %arg20[%swap3A_165], %gather3A_164 {strides = array<i32>} : memref<16xf32, #tpu.memory_space<vmem>>, vector<16xf32>,
      %gather3A_167 = tpu.vector_load_idx %arg14[%get3A_163] : memref<32xf32, #tpu.memory_space<vmem>>[vector<16xi32>], vector<16xf32>,
      %swap3A_168 = arith.constant 0 : index
      %swap3A_169 = tpu.vector_load %arg21[%swap3A_168] {strides = array<i32>} : memref<16xf32, #tpu.memory_space<vmem>>, vector<16xf32>,
      tpu.vector_store %arg21[%swap3A_168], %gather3A_167 {strides = array<i32>} : memref<16xf32, #tpu.memory_space<vmem>>, vector<16xf32>,
      %gather3A_170 = tpu.vector_load_idx %arg15[%get3A_163] : memref<32xf32, #tpu.memory_space<vmem>>[vector<16xi32>], vector<16xf32>,
      %swap3A_171 = arith.constant 0 : index
      %swap3A_172 = tpu.vector_load %arg22[%swap3A_171] {strides = array<i32>} : memref<16xf32, #tpu.memory_space<vmem>>, vector<16xf32>,
      tpu.vector_store %arg22[%swap3A_171], %gather3A_170 {strides = array<i32>} : memref<16xf32, #tpu.memory_space<vmem>>, vector<16xf32>,
      %mul3A_173 = arith.constant 32 : i32
      %mul3A_174 = arith.muli %select_n3A, %mul3A_173 : i32
      %iota3A_175 = tpu.iota {dimensions = array<i32: 0>} : vector<16xi32>
      %scan3A_176 = arith.constant 0 : i32
      %scan3A_177 = arith.constant 0 : i32
      %scan3A_178 = arith.constant 16 : i32
      %scan3A_179 = arith.addi %scan3A_177, %scan3A_178 : i32
      %scan3A_180 = arith.constant 1 : i32
      %scan3A_181 = scf.for %scan3A_203 = %scan3A_177 to %scan3A_179 step %scan3A_180 iter_args(%scan3A_204 = %scan3A_176) -> (i32)  : i32 {
        %add3A_205 = arith.constant 0 : i32
        %add3A_206 = arith.addi %add3A_205, %scan3A_203 : i32
        %broadcast_in_dim3A_207 = vector.broadcast %add3A_206 : i32 to vector<16xi32>
        %gather3A_208 = tpu.vector_load_idx %arg20[%broadcast_in_dim3A_207] : memref<16xf32, #tpu.memory_space<vmem>>[vector<16xi32>], vector<16xf32>,
        %gather3A_209 = tpu.vector_load_idx %arg21[%broadcast_in_dim3A_207] : memref<16xf32, #tpu.memory_space<vmem>>[vector<16xi32>], vector<16xf32>,
        %gather3A_210 = tpu.vector_load_idx %arg22[%broadcast_in_dim3A_207] : memref<16xf32, #tpu.memory_space<vmem>>[vector<16xi32>], vector<16xf32>,
        %scan3A_211 = arith.constant 0 : i32
        %scan3A_212 = arith.constant 0 : i32
        %scan3A_213 = arith.constant 2 : i32
        %scan3A_214 = arith.addi %scan3A_212, %scan3A_213 : i32
        %scan3A_215 = arith.constant 1 : i32
        %scan3A_216 = scf.for %scan3A_237 = %scan3A_212 to %scan3A_214 step %scan3A_215 iter_args(%scan3A_238 = %scan3A_211) -> (i32)  : i32 {
          %mul3A_239 = arith.constant 16 : i32
          %mul3A_240 = arith.muli %scan3A_237, %mul3A_239 : i32
          %get3A_241 = arith.index_cast %mul3A_240 : i32 to index
          %get3A_242 = tpu.vector_load %arg13[%get3A_241] {strides = array<i32>} : memref<32xf32, #tpu.memory_space<vmem>>, vector<16xf32>,
          %get3A_243 = arith.index_cast %mul3A_240 : i32 to index
          %get3A_244 = tpu.vector_load %arg14[%get3A_243] {strides = array<i32>} : memref<32xf32, #tpu.memory_space<vmem>>, vector<16xf32>,
          %get3A_245 = arith.index_cast %mul3A_240 : i32 to index
          %get3A_246 = tpu.vector_load %arg15[%get3A_245] {strides = array<i32>} : memref<32xf32, #tpu.memory_space<vmem>>, vector<16xf32>,
          %sub3A_247 = arith.subf %get3A_242, %gather3A_208 : vector<16xf32>
          %sub3A_248 = arith.subf %get3A_242, %gather3A_208 : vector<16xf32>
          %mul3A_249 = arith.mulf %sub3A_247, %sub3A_248 : vector<16xf32>
          %sub3A_250 = arith.subf %get3A_244, %gather3A_209 : vector<16xf32>
          %sub3A_251 = arith.subf %get3A_244, %gather3A_209 : vector<16xf32>
          %mul3A_252 = arith.mulf %sub3A_250, %sub3A_251 : vector<16xf32>
          %add3A_253 = arith.addf %mul3A_249, %mul3A_252 : vector<16xf32>
          %sub3A_254 = arith.subf %get3A_246, %gather3A_210 : vector<16xf32>
          %sub3A_255 = arith.subf %get3A_246, %gather3A_210 : vector<16xf32>
          %mul3A_256 = arith.mulf %sub3A_254, %sub3A_255 : vector<16xf32>
          %add3A_257 = arith.addf %add3A_253, %mul3A_256 : vector<16xf32>
          %gt3A = arith.constant 1.000000e+00 : f32
          %gt3A_258 = vector.broadcast %gt3A : f32 to vector<16xf32>
          %gt3A_259 = arith.cmpf ogt, %add3A_257, %gt3A_258 : vector<16xf32>
          %not3A = arith.constant dense<true> : vector<16xi1>
          %not3A_260 = arith.xori %gt3A_259, %not3A : vector<16xi1>
          %mul3A_261 = arith.constant 16 : i32
          %mul3A_262 = arith.muli %scan3A_237, %mul3A_261 : i32
          %add3A_263 = vector.broadcast %mul3A_262 : i32 to vector<16xi32>
          %add3A_264 = arith.addi %add3A_263, %iota3A_175 : vector<16xi32>
          %min3A_265 = arith.constant 8 : i32
          %min3A_266 = arith.minsi %scan3A_238, %min3A_265 : i32
          %swap3A_267 = arith.index_cast %min3A_266 : i32 to index
          %swap3A_268 = tpu.vector_load %arg16[%swap3A_267] masked %not3A_260 {strides = array<i32>} : memref<24xi32, #tpu.memory_space<vmem>>, vector<16xi32>, vector<16xi1>
          tpu.vector_store %arg16[%swap3A_267], %add3A_264 masked %not3A_260 {strides = array<i32>} : memref<24xi32, #tpu.memory_space<vmem>>, vector<16xi32>, vector<16xi1>
          %all_reduce_population_count3A = tpu.all_reduce %not3A_260 {dim = 0 : i64, kind = #tpu.reduction_kind<sum>} : vector<16xi1> -> vector<16xi32>
          %slice3A = vector.extract_strided_slice %all_reduce_population_count3A {offsets = [0], sizes = [1], strides = [1]} : vector<16xi32> to vector<1xi32>
          %squeeze3A = vector.extract %slice3A[0] : i32 from vector<1xi32>
          %add3A_269 = arith.addi %scan3A_238, %squeeze3A : i32
          scf.yield %add3A_269 : i32
        }
        %scan3A_217 = arith.constant 2 : i32
        %get3A_218 = arith.constant 0 : index
        %get3A_219 = tpu.vector_load %arg16[%get3A_218] {strides = array<i32>} : memref<24xi32, #tpu.memory_space<vmem>>, vector<16xi32>,
        %broadcast_in_dim3A_220 = arith.constant 0 : i32
        %broadcast_in_dim3A_221 = vector.broadcast %broadcast_in_dim3A_220 : i32 to vector<16xi32>
        %gather3A_222 = tpu.vector_load_idx %arg16[%broadcast_in_dim3A_221] : memref<24xi32, #tpu.memory_space<vmem>>[vector<16xi32>], vector<16xi32>,
        %min3A = arith.constant 8 : i32
        %min3A_223 = arith.minsi %scan3A_216, %min3A : i32
        %lt3A_224 = vector.broadcast %min3A_223 : i32 to vector<16xi32>
        %lt3A_225 = arith.cmpi slt, %iota3A_175, %lt3A_224 : vector<16xi32>
        %select_n3A_226 = arith.select %lt3A_225, %get3A_219, %gather3A_222 : vector<16xi1>, vector<16xi32>
        %mul3A_227 = arith.constant 8 : i32
        %mul3A_228 = arith.muli %scan3A_203, %mul3A_227 : i32
        %add3A_229 = vector.broadcast %mul3A_228 : i32 to vector<16xi32>
        %add3A_230 = arith.addi %add3A_229, %iota3A_175 : vector<16xi32>
        %broadcast_in_dim3A_231 = vector.broadcast %mul3A_174 : i32 to vector<16xi32>
        %add3A_232 = arith.addi %select_n3A_226, %broadcast_in_dim3A_231 : vector<16xi32>
        %lt3A_233 = arith.constant 8 : i32
        %lt3A_234 = vector.broadcast %lt3A_233 : i32 to vector<16xi32>
        %lt3A_235 = arith.cmpi slt, %iota3A_175, %lt3A_234 : vector<16xi32>
        tpu.vector_store_idx %arg17[%add3A_230], %add3A_232 masked %lt3A_235 : memref<128xi32, #tpu.memory_space<vmem>>[vector<16xi32>], vector<16xi32>, vector<16xi1>
        %scan3A_236 = arith.constant 0 : i32
        scf.yield %scan3A_236 : i32
      }
      %scan3A_182 = arith.constant 16 : i32
      %mul3A_183 = arith.constant 16 : i32
      %mul3A_184 = arith.muli %select_n3A, %mul3A_183 : i32
      %mul3A_185 = arith.constant 8 : i32
      %mul3A_186 = arith.muli %mul3A_184, %mul3A_185 : i32
      "tpu.region"() ({
        %run_scoped3A = tpu.sem_alloc : memref<!tpu.dma_semaphore, #tpu.memory_space<semaphore_mem>>
        %dma_start3A_203 = tpu.memref_slice %arg6[%mul3A_186] : memref<2048xi32, #tpu.memory_space<hbm>> -> memref<128xi32, #tpu.memory_space<hbm>>
        %dma_start3A_204 = tpu.memref_slice %arg6[%mul3A_186] : memref<2048xi32, #tpu.memory_space<hbm>> -> memref<128xi32, #tpu.memory_space<hbm>>
        tpu.enqueue_dma source(%arg17 : memref<128xi32, #tpu.memory_space<vmem>>) target(%dma_start3A_204 : memref<128xi32, #tpu.memory_space<hbm>>) target_semaphore(%run_scoped3A : memref<!tpu.dma_semaphore, #tpu.memory_space<semaphore_mem>>)
        %dma_wait3A_205 = tpu.memref_slice %arg6[%mul3A_186] : memref<2048xi32, #tpu.memory_space<hbm>> -> memref<128xi32, #tpu.memory_space<hbm>>
        %dma_wait3A_206 = tpu.memref_slice %arg6[%mul3A_186] : memref<2048xi32, #tpu.memory_space<hbm>> -> memref<128xi32, #tpu.memory_space<hbm>>
        tpu.wait_dma2 semaphore(%run_scoped3A : memref<!tpu.dma_semaphore, #tpu.memory_space<semaphore_mem>>) src(%arg17 : memref<128xi32, #tpu.memory_space<vmem>>) dst(%dma_wait3A_206 : memref<128xi32, #tpu.memory_space<hbm>>)
        tpu.yield
      }) : () -> ()
      %mul3A_187 = arith.constant 3 : i32
      %mul3A_188 = arith.muli %select_n3A, %mul3A_187 : i32
      %mul3A_189 = arith.constant 16 : i32
      %mul3A_190 = arith.muli %mul3A_188, %mul3A_189 : i32
      "tpu.region"() ({
        %run_scoped3A = tpu.sem_alloc : memref<!tpu.dma_semaphore, #tpu.memory_space<semaphore_mem>>
        %dma_start3A_203 = tpu.memref_slice %arg7[%mul3A_190] : memref<768xf32, #tpu.memory_space<hbm>> -> memref<16xf32, #tpu.memory_space<hbm>>
        %dma_start3A_204 = tpu.memref_slice %arg7[%mul3A_190] : memref<768xf32, #tpu.memory_space<hbm>> -> memref<16xf32, #tpu.memory_space<hbm>>
        tpu.enqueue_dma source(%arg20 : memref<16xf32, #tpu.memory_space<vmem>>) target(%dma_start3A_204 : memref<16xf32, #tpu.memory_space<hbm>>) target_semaphore(%run_scoped3A : memref<!tpu.dma_semaphore, #tpu.memory_space<semaphore_mem>>)
        %dma_wait3A_205 = tpu.memref_slice %arg7[%mul3A_190] : memref<768xf32, #tpu.memory_space<hbm>> -> memref<16xf32, #tpu.memory_space<hbm>>
        %dma_wait3A_206 = tpu.memref_slice %arg7[%mul3A_190] : memref<768xf32, #tpu.memory_space<hbm>> -> memref<16xf32, #tpu.memory_space<hbm>>
        tpu.wait_dma2 semaphore(%run_scoped3A : memref<!tpu.dma_semaphore, #tpu.memory_space<semaphore_mem>>) src(%arg20 : memref<16xf32, #tpu.memory_space<vmem>>) dst(%dma_wait3A_206 : memref<16xf32, #tpu.memory_space<hbm>>)
        tpu.yield
      }) : () -> ()
      %mul3A_191 = arith.constant 3 : i32
      %mul3A_192 = arith.muli %select_n3A, %mul3A_191 : i32
      %mul3A_193 = arith.constant 16 : i32
      %mul3A_194 = arith.muli %mul3A_192, %mul3A_193 : i32
      %add3A_195 = arith.constant 16 : i32
      %add3A_196 = arith.addi %mul3A_194, %add3A_195 : i32
      "tpu.region"() ({
        %run_scoped3A = tpu.sem_alloc : memref<!tpu.dma_semaphore, #tpu.memory_space<semaphore_mem>>
        %dma_start3A_203 = tpu.memref_slice %arg7[%add3A_196] : memref<768xf32, #tpu.memory_space<hbm>> -> memref<16xf32, #tpu.memory_space<hbm>>
        %dma_start3A_204 = tpu.memref_slice %arg7[%add3A_196] : memref<768xf32, #tpu.memory_space<hbm>> -> memref<16xf32, #tpu.memory_space<hbm>>
        tpu.enqueue_dma source(%arg21 : memref<16xf32, #tpu.memory_space<vmem>>) target(%dma_start3A_204 : memref<16xf32, #tpu.memory_space<hbm>>) target_semaphore(%run_scoped3A : memref<!tpu.dma_semaphore, #tpu.memory_space<semaphore_mem>>)
        %dma_wait3A_205 = tpu.memref_slice %arg7[%add3A_196] : memref<768xf32, #tpu.memory_space<hbm>> -> memref<16xf32, #tpu.memory_space<hbm>>
        %dma_wait3A_206 = tpu.memref_slice %arg7[%add3A_196] : memref<768xf32, #tpu.memory_space<hbm>> -> memref<16xf32, #tpu.memory_space<hbm>>
        tpu.wait_dma2 semaphore(%run_scoped3A : memref<!tpu.dma_semaphore, #tpu.memory_space<semaphore_mem>>) src(%arg21 : memref<16xf32, #tpu.memory_space<vmem>>) dst(%dma_wait3A_206 : memref<16xf32, #tpu.memory_space<hbm>>)
        tpu.yield
      }) : () -> ()
      %mul3A_197 = arith.constant 3 : i32
      %mul3A_198 = arith.muli %select_n3A, %mul3A_197 : i32
      %mul3A_199 = arith.constant 16 : i32
      %mul3A_200 = arith.muli %mul3A_198, %mul3A_199 : i32
      %add3A_201 = arith.constant 32 : i32
      %add3A_202 = arith.addi %mul3A_200, %add3A_201 : i32
      "tpu.region"() ({
        %run_scoped3A = tpu.sem_alloc : memref<!tpu.dma_semaphore, #tpu.memory_space<semaphore_mem>>
        %dma_start3A_203 = tpu.memref_slice %arg7[%add3A_202] : memref<768xf32, #tpu.memory_space<hbm>> -> memref<16xf32, #tpu.memory_space<hbm>>
        %dma_start3A_204 = tpu.memref_slice %arg7[%add3A_202] : memref<768xf32, #tpu.memory_space<hbm>> -> memref<16xf32, #tpu.memory_space<hbm>>
        tpu.enqueue_dma source(%arg22 : memref<16xf32, #tpu.memory_space<vmem>>) target(%dma_start3A_204 : memref<16xf32, #tpu.memory_space<hbm>>) target_semaphore(%run_scoped3A : memref<!tpu.dma_semaphore, #tpu.memory_space<semaphore_mem>>)
        %dma_wait3A_205 = tpu.memref_slice %arg7[%add3A_202] : memref<768xf32, #tpu.memory_space<hbm>> -> memref<16xf32, #tpu.memory_space<hbm>>
        %dma_wait3A_206 = tpu.memref_slice %arg7[%add3A_202] : memref<768xf32, #tpu.memory_space<hbm>> -> memref<16xf32, #tpu.memory_space<hbm>>
        tpu.wait_dma2 semaphore(%run_scoped3A : memref<!tpu.dma_semaphore, #tpu.memory_space<semaphore_mem>>) src(%arg22 : memref<16xf32, #tpu.memory_space<vmem>>) dst(%dma_wait3A_206 : memref<16xf32, #tpu.memory_space<hbm>>)
        tpu.yield
      }) : () -> ()
    } else {
    }
    return
  }
}

module attributes {stable_mosaic.version = 14 : i64} {
  func.func @_mlp_pool_kernel(%arg0: i32, %arg1: memref<512x128xf32, #tpu.memory_space<vmem>>, %arg2: memref<128x256xf32, #tpu.memory_space<vmem>>, %arg3: memref<1x256xf32, #tpu.memory_space<vmem>>, %arg4: memref<256x512xf32, #tpu.memory_space<vmem>>, %arg5: memref<1x512xf32, #tpu.memory_space<vmem>>, %arg6: memref<512x1024xf32, #tpu.memory_space<vmem>>, %arg7: memref<1x1024xf32, #tpu.memory_space<vmem>>, %arg8: memref<64x1024xf32, #tpu.memory_space<vmem>>) attributes {dimension_semantics = [#tpu.dimension_semantics<arbitrary>], iteration_bounds = array<i64: 8>, scalar_prefetch = 0 : i64, scratch_operands = 0 : i64, tpu.core_type = #tpu.core_type<tc>, window_params = [{transform_indices = @transform_0, window_bounds = array<i64: 512, 128>}, {pipeline_mode = #tpu.pipeline_mode<synchronous>, transform_indices = @transform_1, window_bounds = array<i64: 128, 256>}, {pipeline_mode = #tpu.pipeline_mode<synchronous>, transform_indices = @transform_2, window_bounds = array<i64: 1, 256>}, {pipeline_mode = #tpu.pipeline_mode<synchronous>, transform_indices = @transform_3, window_bounds = array<i64: 256, 512>}, {pipeline_mode = #tpu.pipeline_mode<synchronous>, transform_indices = @transform_4, window_bounds = array<i64: 1, 512>}, {pipeline_mode = #tpu.pipeline_mode<synchronous>, transform_indices = @transform_5, window_bounds = array<i64: 512, 1024>}, {pipeline_mode = #tpu.pipeline_mode<synchronous>, transform_indices = @transform_6, window_bounds = array<i64: 1, 1024>}, {transform_indices = @transform_7, window_bounds = array<i64: 64, 1024>}]} {
    %get3A = arith.constant 0 : index
    %get3A_0 = arith.constant 0 : index
    %get3A_1 = vector.load %arg1[%get3A, %get3A_0] : memref<512x128xf32, #tpu.memory_space<vmem>>, vector<512x128xf32>
    %get3A_2 = arith.constant 0 : index
    %get3A_3 = arith.constant 0 : index
    %get3A_4 = vector.load %arg2[%get3A_2, %get3A_3] : memref<128x256xf32, #tpu.memory_space<vmem>>, vector<128x256xf32>
    %dot_general3A = arith.constant dense<0.000000e+00> : vector<512x256xf32>
    %dot_general3A_5 = tpu.matmul %get3A_1, %get3A_4, %dot_general3A {dimension_numbers = #tpu.dot_dimension_numbers<[1], [0], [0], [1], [0, 0, 1, 1], [], []>, transpose_lhs_hint = false} : vector<512x128xf32>, vector<128x256xf32>, vector<512x256xf32> -> vector<512x256xf32>
    %get3A_6 = arith.constant 0 : index
    %get3A_7 = arith.constant 0 : index
    %get3A_8 = vector.load %arg3[%get3A_6, %get3A_7] : memref<1x256xf32, #tpu.memory_space<vmem>>, vector<1x256xf32>
    %add3A = vector.broadcast %get3A_8 : vector<1x256xf32> to vector<512x256xf32>
    %add3A_9 = arith.addf %dot_general3A_5, %add3A : vector<512x256xf32>
    %max3A = arith.constant 0.000000e+00 : f32
    %max3A_10 = vector.broadcast %max3A : f32 to vector<512x256xf32>
    %max3A_11 = arith.maximumf %add3A_9, %max3A_10 : vector<512x256xf32>
    %get3A_12 = arith.constant 0 : index
    %get3A_13 = arith.constant 0 : index
    %get3A_14 = vector.load %arg4[%get3A_12, %get3A_13] : memref<256x512xf32, #tpu.memory_space<vmem>>, vector<256x512xf32>
    %dot_general3A_15 = arith.constant dense<0.000000e+00> : vector<512x512xf32>
    %dot_general3A_16 = tpu.matmul %max3A_11, %get3A_14, %dot_general3A_15 {dimension_numbers = #tpu.dot_dimension_numbers<[1], [0], [0], [1], [0, 0, 1, 1], [], []>, transpose_lhs_hint = false} : vector<512x256xf32>, vector<256x512xf32>, vector<512x512xf32> -> vector<512x512xf32>
    %get3A_17 = arith.constant 0 : index
    %get3A_18 = arith.constant 0 : index
    %get3A_19 = vector.load %arg5[%get3A_17, %get3A_18] : memref<1x512xf32, #tpu.memory_space<vmem>>, vector<1x512xf32>
    %add3A_20 = vector.broadcast %get3A_19 : vector<1x512xf32> to vector<512x512xf32>
    %add3A_21 = arith.addf %dot_general3A_16, %add3A_20 : vector<512x512xf32>
    %max3A_22 = arith.constant 0.000000e+00 : f32
    %max3A_23 = vector.broadcast %max3A_22 : f32 to vector<512x512xf32>
    %max3A_24 = arith.maximumf %add3A_21, %max3A_23 : vector<512x512xf32>
    %get3A_25 = arith.constant 0 : index
    %get3A_26 = arith.constant 0 : index
    %get3A_27 = vector.load %arg6[%get3A_25, %get3A_26] : memref<512x1024xf32, #tpu.memory_space<vmem>>, vector<512x1024xf32>
    %dot_general3A_28 = arith.constant dense<0.000000e+00> : vector<512x1024xf32>
    %dot_general3A_29 = tpu.matmul %max3A_24, %get3A_27, %dot_general3A_28 {dimension_numbers = #tpu.dot_dimension_numbers<[1], [0], [0], [1], [0, 0, 1, 1], [], []>, transpose_lhs_hint = false} : vector<512x512xf32>, vector<512x1024xf32>, vector<512x1024xf32> -> vector<512x1024xf32>
    %get3A_30 = arith.constant 0 : index
    %get3A_31 = arith.constant 0 : index
    %get3A_32 = vector.load %arg7[%get3A_30, %get3A_31] : memref<1x1024xf32, #tpu.memory_space<vmem>>, vector<1x1024xf32>
    %add3A_33 = vector.broadcast %get3A_32 : vector<1x1024xf32> to vector<512x1024xf32>
    %add3A_34 = arith.addf %dot_general3A_29, %add3A_33 : vector<512x1024xf32>
    %max3A_35 = arith.constant 0.000000e+00 : f32
    %max3A_36 = vector.broadcast %max3A_35 : f32 to vector<512x1024xf32>
    %max3A_37 = arith.maximumf %add3A_34, %max3A_36 : vector<512x1024xf32>
    %reshape3A = vector.shape_cast %max3A_37 : vector<512x1024xf32> to vector<64x8x1024xf32>
    %reduce_max3A = arith.constant dense<0xFF800000> : vector<64x1024xf32>
    %reduce_max3A_38 = vector.multi_reduction <maximumf>, %reshape3A, %reduce_max3A [1] : vector<64x8x1024xf32> to vector<64x1024xf32>
    %swap3A = arith.constant 0 : index
    %swap3A_39 = arith.constant 0 : index
    %swap3A_40 = vector.load %arg8[%swap3A, %swap3A_39] : memref<64x1024xf32, #tpu.memory_space<vmem>>, vector<64x1024xf32>
    tpu.vector_store %arg8[%swap3A, %swap3A_39], %reduce_max3A_38 {strides = array<i32>} : memref<64x1024xf32, #tpu.memory_space<vmem>>, vector<64x1024xf32>,
    return
  }
  func.func @transform_0(%arg0: i32) -> (i32, i32) {
    %c0_i32 = arith.constant 0 : i32
    %c0_i32_0 = arith.constant 0 : i32
    return %arg0, %c0_i32 : i32, i32
  }
  func.func @transform_1(%arg0: i32) -> (i32, i32) {
    %c0_i32 = arith.constant 0 : i32
    %c0_i32_0 = arith.constant 0 : i32
    %c0_i32_1 = arith.constant 0 : i32
    return %c0_i32, %c0_i32_0 : i32, i32
  }
  func.func @transform_2(%arg0: i32) -> (i32, i32) {
    %c0_i32 = arith.constant 0 : i32
    %c0_i32_0 = arith.constant 0 : i32
    %c0_i32_1 = arith.constant 0 : i32
    return %c0_i32, %c0_i32_0 : i32, i32
  }
  func.func @transform_3(%arg0: i32) -> (i32, i32) {
    %c0_i32 = arith.constant 0 : i32
    %c0_i32_0 = arith.constant 0 : i32
    %c0_i32_1 = arith.constant 0 : i32
    return %c0_i32, %c0_i32_0 : i32, i32
  }
  func.func @transform_4(%arg0: i32) -> (i32, i32) {
    %c0_i32 = arith.constant 0 : i32
    %c0_i32_0 = arith.constant 0 : i32
    %c0_i32_1 = arith.constant 0 : i32
    return %c0_i32, %c0_i32_0 : i32, i32
  }
  func.func @transform_5(%arg0: i32) -> (i32, i32) {
    %c0_i32 = arith.constant 0 : i32
    %c0_i32_0 = arith.constant 0 : i32
    %c0_i32_1 = arith.constant 0 : i32
    return %c0_i32, %c0_i32_0 : i32, i32
  }
  func.func @transform_6(%arg0: i32) -> (i32, i32) {
    %c0_i32 = arith.constant 0 : i32
    %c0_i32_0 = arith.constant 0 : i32
    %c0_i32_1 = arith.constant 0 : i32
    return %c0_i32, %c0_i32_0 : i32, i32
  }
  func.func @transform_7(%arg0: i32) -> (i32, i32) {
    %c0_i32 = arith.constant 0 : i32
    %c0_i32_0 = arith.constant 0 : i32
    return %arg0, %c0_i32 : i32, i32
  }
}

module attributes {stable_mosaic.version = 14 : i64} {
  func.func @_mlp_pool_kernel(%arg0: i32, %arg1: memref<512x1152xf32, #tpu.memory_space<vmem>>, %arg2: memref<1152x256xf32, #tpu.memory_space<vmem>>, %arg3: memref<1x256xf32, #tpu.memory_space<vmem>>, %arg4: memref<256x512xf32, #tpu.memory_space<vmem>>, %arg5: memref<1x512xf32, #tpu.memory_space<vmem>>, %arg6: memref<512x1024xf32, #tpu.memory_space<vmem>>, %arg7: memref<1x1024xf32, #tpu.memory_space<vmem>>, %arg8: memref<64x1024xf32, #tpu.memory_space<vmem>>) attributes {dimension_semantics = [#tpu.dimension_semantics<arbitrary>], iteration_bounds = array<i64: 4>, scalar_prefetch = 0 : i64, scratch_operands = 0 : i64, tpu.core_type = #tpu.core_type<tc>, window_params = [{transform_indices = @transform_0, window_bounds = array<i64: 512, 1152>}, {pipeline_mode = #tpu.pipeline_mode<synchronous>, transform_indices = @transform_1, window_bounds = array<i64: 1152, 256>}, {pipeline_mode = #tpu.pipeline_mode<synchronous>, transform_indices = @transform_2, window_bounds = array<i64: 1, 256>}, {pipeline_mode = #tpu.pipeline_mode<synchronous>, transform_indices = @transform_3, window_bounds = array<i64: 256, 512>}, {pipeline_mode = #tpu.pipeline_mode<synchronous>, transform_indices = @transform_4, window_bounds = array<i64: 1, 512>}, {pipeline_mode = #tpu.pipeline_mode<synchronous>, transform_indices = @transform_5, window_bounds = array<i64: 512, 1024>}, {pipeline_mode = #tpu.pipeline_mode<synchronous>, transform_indices = @transform_6, window_bounds = array<i64: 1, 1024>}, {transform_indices = @transform_7, window_bounds = array<i64: 64, 1024>}]} {
    %get3A = arith.constant 0 : index
    %get3A_0 = arith.constant 0 : index
    %get3A_1 = vector.load %arg1[%get3A, %get3A_0] : memref<512x1152xf32, #tpu.memory_space<vmem>>, vector<512x1152xf32>
    %get3A_2 = arith.constant 0 : index
    %get3A_3 = arith.constant 0 : index
    %get3A_4 = vector.load %arg2[%get3A_2, %get3A_3] : memref<1152x256xf32, #tpu.memory_space<vmem>>, vector<1152x256xf32>
    %dot_general3A = arith.constant dense<0.000000e+00> : vector<512x256xf32>
    %dot_general3A_5 = tpu.matmul %get3A_1, %get3A_4, %dot_general3A {dimension_numbers = #tpu.dot_dimension_numbers<[1], [0], [0], [1], [0, 0, 1, 1], [], []>, transpose_lhs_hint = false} : vector<512x1152xf32>, vector<1152x256xf32>, vector<512x256xf32> -> vector<512x256xf32>
    %get3A_6 = arith.constant 0 : index
    %get3A_7 = arith.constant 0 : index
    %get3A_8 = vector.load %arg3[%get3A_6, %get3A_7] : memref<1x256xf32, #tpu.memory_space<vmem>>, vector<1x256xf32>
    %add3A = vector.broadcast %get3A_8 : vector<1x256xf32> to vector<512x256xf32>
    %add3A_9 = arith.addf %dot_general3A_5, %add3A : vector<512x256xf32>
    %max3A = arith.constant 0.000000e+00 : f32
    %max3A_10 = vector.broadcast %max3A : f32 to vector<512x256xf32>
    %max3A_11 = arith.maximumf %add3A_9, %max3A_10 : vector<512x256xf32>
    %get3A_12 = arith.constant 0 : index
    %get3A_13 = arith.constant 0 : index
    %get3A_14 = vector.load %arg4[%get3A_12, %get3A_13] : memref<256x512xf32, #tpu.memory_space<vmem>>, vector<256x512xf32>
    %dot_general3A_15 = arith.constant dense<0.000000e+00> : vector<512x512xf32>
    %dot_general3A_16 = tpu.matmul %max3A_11, %get3A_14, %dot_general3A_15 {dimension_numbers = #tpu.dot_dimension_numbers<[1], [0], [0], [1], [0, 0, 1, 1], [], []>, transpose_lhs_hint = false} : vector<512x256xf32>, vector<256x512xf32>, vector<512x512xf32> -> vector<512x512xf32>
    %get3A_17 = arith.constant 0 : index
    %get3A_18 = arith.constant 0 : index
    %get3A_19 = vector.load %arg5[%get3A_17, %get3A_18] : memref<1x512xf32, #tpu.memory_space<vmem>>, vector<1x512xf32>
    %add3A_20 = vector.broadcast %get3A_19 : vector<1x512xf32> to vector<512x512xf32>
    %add3A_21 = arith.addf %dot_general3A_16, %add3A_20 : vector<512x512xf32>
    %max3A_22 = arith.constant 0.000000e+00 : f32
    %max3A_23 = vector.broadcast %max3A_22 : f32 to vector<512x512xf32>
    %max3A_24 = arith.maximumf %add3A_21, %max3A_23 : vector<512x512xf32>
    %get3A_25 = arith.constant 0 : index
    %get3A_26 = arith.constant 0 : index
    %get3A_27 = vector.load %arg6[%get3A_25, %get3A_26] : memref<512x1024xf32, #tpu.memory_space<vmem>>, vector<512x1024xf32>
    %dot_general3A_28 = arith.constant dense<0.000000e+00> : vector<512x1024xf32>
    %dot_general3A_29 = tpu.matmul %max3A_24, %get3A_27, %dot_general3A_28 {dimension_numbers = #tpu.dot_dimension_numbers<[1], [0], [0], [1], [0, 0, 1, 1], [], []>, transpose_lhs_hint = false} : vector<512x512xf32>, vector<512x1024xf32>, vector<512x1024xf32> -> vector<512x1024xf32>
    %get3A_30 = arith.constant 0 : index
    %get3A_31 = arith.constant 0 : index
    %get3A_32 = vector.load %arg7[%get3A_30, %get3A_31] : memref<1x1024xf32, #tpu.memory_space<vmem>>, vector<1x1024xf32>
    %add3A_33 = vector.broadcast %get3A_32 : vector<1x1024xf32> to vector<512x1024xf32>
    %add3A_34 = arith.addf %dot_general3A_29, %add3A_33 : vector<512x1024xf32>
    %max3A_35 = arith.constant 0.000000e+00 : f32
    %max3A_36 = vector.broadcast %max3A_35 : f32 to vector<512x1024xf32>
    %max3A_37 = arith.maximumf %add3A_34, %max3A_36 : vector<512x1024xf32>
    %reshape3A = vector.shape_cast %max3A_37 : vector<512x1024xf32> to vector<64x8x1024xf32>
    %reduce_max3A = arith.constant dense<0xFF800000> : vector<64x1024xf32>
    %reduce_max3A_38 = vector.multi_reduction <maximumf>, %reshape3A, %reduce_max3A [1] : vector<64x8x1024xf32> to vector<64x1024xf32>
    %swap3A = arith.constant 0 : index
    %swap3A_39 = arith.constant 0 : index
    %swap3A_40 = vector.load %arg8[%swap3A, %swap3A_39] : memref<64x1024xf32, #tpu.memory_space<vmem>>, vector<64x1024xf32>
    tpu.vector_store %arg8[%swap3A, %swap3A_39], %reduce_max3A_38 {strides = array<i32>} : memref<64x1024xf32, #tpu.memory_space<vmem>>, vector<64x1024xf32>,
    return
  }
  func.func @transform_0(%arg0: i32) -> (i32, i32) {
    %c0_i32 = arith.constant 0 : i32
    %c0_i32_0 = arith.constant 0 : i32
    return %arg0, %c0_i32 : i32, i32
  }
  func.func @transform_1(%arg0: i32) -> (i32, i32) {
    %c0_i32 = arith.constant 0 : i32
    %c0_i32_0 = arith.constant 0 : i32
    %c0_i32_1 = arith.constant 0 : i32
    return %c0_i32, %c0_i32_0 : i32, i32
  }
  func.func @transform_2(%arg0: i32) -> (i32, i32) {
    %c0_i32 = arith.constant 0 : i32
    %c0_i32_0 = arith.constant 0 : i32
    %c0_i32_1 = arith.constant 0 : i32
    return %c0_i32, %c0_i32_0 : i32, i32
  }
  func.func @transform_3(%arg0: i32) -> (i32, i32) {
    %c0_i32 = arith.constant 0 : i32
    %c0_i32_0 = arith.constant 0 : i32
    %c0_i32_1 = arith.constant 0 : i32
    return %c0_i32, %c0_i32_0 : i32, i32
  }
  func.func @transform_4(%arg0: i32) -> (i32, i32) {
    %c0_i32 = arith.constant 0 : i32
    %c0_i32_0 = arith.constant 0 : i32
    %c0_i32_1 = arith.constant 0 : i32
    return %c0_i32, %c0_i32_0 : i32, i32
  }
  func.func @transform_5(%arg0: i32) -> (i32, i32) {
    %c0_i32 = arith.constant 0 : i32
    %c0_i32_0 = arith.constant 0 : i32
    %c0_i32_1 = arith.constant 0 : i32
    return %c0_i32, %c0_i32_0 : i32, i32
  }
  func.func @transform_6(%arg0: i32) -> (i32, i32) {
    %c0_i32 = arith.constant 0 : i32
    %c0_i32_0 = arith.constant 0 : i32
    %c0_i32_1 = arith.constant 0 : i32
    return %c0_i32, %c0_i32_0 : i32, i32
  }
  func.func @transform_7(%arg0: i32) -> (i32, i32) {
    %c0_i32 = arith.constant 0 : i32
    %c0_i32_0 = arith.constant 0 : i32
    return %arg0, %c0_i32 : i32, i32
  }
}

module attributes {stable_mosaic.version = 14 : i64} {
  func.func @_mlp3_head_kernel(%arg0: memref<256x1152xf32, #tpu.memory_space<vmem>>, %arg1: memref<1152x256xf32, #tpu.memory_space<vmem>>, %arg2: memref<1x256xf32, #tpu.memory_space<vmem>>, %arg3: memref<256x512xf32, #tpu.memory_space<vmem>>, %arg4: memref<1x512xf32, #tpu.memory_space<vmem>>, %arg5: memref<512x1024xf32, #tpu.memory_space<vmem>>, %arg6: memref<1x1024xf32, #tpu.memory_space<vmem>>, %arg7: memref<1024x512xf32, #tpu.memory_space<vmem>>, %arg8: memref<1x512xf32, #tpu.memory_space<vmem>>, %arg9: memref<512x256xf32, #tpu.memory_space<vmem>>, %arg10: memref<1x256xf32, #tpu.memory_space<vmem>>, %arg11: memref<256x1xf32, #tpu.memory_space<vmem>>, %arg12: memref<1x1xf32, #tpu.memory_space<vmem>>, %arg13: memref<16x1xf32, #tpu.memory_space<vmem>>) attributes {dimension_semantics = [], scalar_prefetch = 0 : i64, scratch_operands = 0 : i64, tpu.core_type = #tpu.core_type<tc>} {
    %get3A = arith.constant 0 : index
    %get3A_0 = arith.constant 0 : index
    %get3A_1 = vector.load %arg0[%get3A, %get3A_0] : memref<256x1152xf32, #tpu.memory_space<vmem>>, vector<256x1152xf32>
    %get3A_2 = arith.constant 0 : index
    %get3A_3 = arith.constant 0 : index
    %get3A_4 = vector.load %arg1[%get3A_2, %get3A_3] : memref<1152x256xf32, #tpu.memory_space<vmem>>, vector<1152x256xf32>
    %dot_general3A = arith.constant dense<0.000000e+00> : vector<256x256xf32>
    %dot_general3A_5 = tpu.matmul %get3A_1, %get3A_4, %dot_general3A {dimension_numbers = #tpu.dot_dimension_numbers<[1], [0], [0], [1], [0, 0, 1, 1], [], []>, transpose_lhs_hint = false} : vector<256x1152xf32>, vector<1152x256xf32>, vector<256x256xf32> -> vector<256x256xf32>
    %get3A_6 = arith.constant 0 : index
    %get3A_7 = arith.constant 0 : index
    %get3A_8 = vector.load %arg2[%get3A_6, %get3A_7] : memref<1x256xf32, #tpu.memory_space<vmem>>, vector<1x256xf32>
    %add3A = vector.broadcast %get3A_8 : vector<1x256xf32> to vector<256x256xf32>
    %add3A_9 = arith.addf %dot_general3A_5, %add3A : vector<256x256xf32>
    %max3A = arith.constant 0.000000e+00 : f32
    %max3A_10 = vector.broadcast %max3A : f32 to vector<256x256xf32>
    %max3A_11 = arith.maximumf %add3A_9, %max3A_10 : vector<256x256xf32>
    %get3A_12 = arith.constant 0 : index
    %get3A_13 = arith.constant 0 : index
    %get3A_14 = vector.load %arg3[%get3A_12, %get3A_13] : memref<256x512xf32, #tpu.memory_space<vmem>>, vector<256x512xf32>
    %dot_general3A_15 = arith.constant dense<0.000000e+00> : vector<256x512xf32>
    %dot_general3A_16 = tpu.matmul %max3A_11, %get3A_14, %dot_general3A_15 {dimension_numbers = #tpu.dot_dimension_numbers<[1], [0], [0], [1], [0, 0, 1, 1], [], []>, transpose_lhs_hint = false} : vector<256x256xf32>, vector<256x512xf32>, vector<256x512xf32> -> vector<256x512xf32>
    %get3A_17 = arith.constant 0 : index
    %get3A_18 = arith.constant 0 : index
    %get3A_19 = vector.load %arg4[%get3A_17, %get3A_18] : memref<1x512xf32, #tpu.memory_space<vmem>>, vector<1x512xf32>
    %add3A_20 = vector.broadcast %get3A_19 : vector<1x512xf32> to vector<256x512xf32>
    %add3A_21 = arith.addf %dot_general3A_16, %add3A_20 : vector<256x512xf32>
    %max3A_22 = arith.constant 0.000000e+00 : f32
    %max3A_23 = vector.broadcast %max3A_22 : f32 to vector<256x512xf32>
    %max3A_24 = arith.maximumf %add3A_21, %max3A_23 : vector<256x512xf32>
    %get3A_25 = arith.constant 0 : index
    %get3A_26 = arith.constant 0 : index
    %get3A_27 = vector.load %arg5[%get3A_25, %get3A_26] : memref<512x1024xf32, #tpu.memory_space<vmem>>, vector<512x1024xf32>
    %dot_general3A_28 = arith.constant dense<0.000000e+00> : vector<256x1024xf32>
    %dot_general3A_29 = tpu.matmul %max3A_24, %get3A_27, %dot_general3A_28 {dimension_numbers = #tpu.dot_dimension_numbers<[1], [0], [0], [1], [0, 0, 1, 1], [], []>, transpose_lhs_hint = false} : vector<256x512xf32>, vector<512x1024xf32>, vector<256x1024xf32> -> vector<256x1024xf32>
    %get3A_30 = arith.constant 0 : index
    %get3A_31 = arith.constant 0 : index
    %get3A_32 = vector.load %arg6[%get3A_30, %get3A_31] : memref<1x1024xf32, #tpu.memory_space<vmem>>, vector<1x1024xf32>
    %add3A_33 = vector.broadcast %get3A_32 : vector<1x1024xf32> to vector<256x1024xf32>
    %add3A_34 = arith.addf %dot_general3A_29, %add3A_33 : vector<256x1024xf32>
    %max3A_35 = arith.constant 0.000000e+00 : f32
    %max3A_36 = vector.broadcast %max3A_35 : f32 to vector<256x1024xf32>
    %max3A_37 = arith.maximumf %add3A_34, %max3A_36 : vector<256x1024xf32>
    %reshape3A = vector.shape_cast %max3A_37 : vector<256x1024xf32> to vector<16x16x1024xf32>
    %reduce_max3A = arith.constant dense<0xFF800000> : vector<16x1024xf32>
    %reduce_max3A_38 = vector.multi_reduction <maximumf>, %reshape3A, %reduce_max3A [1] : vector<16x16x1024xf32> to vector<16x1024xf32>
    %get3A_39 = arith.constant 0 : index
    %get3A_40 = arith.constant 0 : index
    %get3A_41 = vector.load %arg7[%get3A_39, %get3A_40] : memref<1024x512xf32, #tpu.memory_space<vmem>>, vector<1024x512xf32>
    %dot_general3A_42 = arith.constant dense<0.000000e+00> : vector<16x512xf32>
    %dot_general3A_43 = tpu.matmul %reduce_max3A_38, %get3A_41, %dot_general3A_42 {dimension_numbers = #tpu.dot_dimension_numbers<[1], [0], [0], [1], [0, 0, 1, 1], [], []>, transpose_lhs_hint = false} : vector<16x1024xf32>, vector<1024x512xf32>, vector<16x512xf32> -> vector<16x512xf32>
    %get3A_44 = arith.constant 0 : index
    %get3A_45 = arith.constant 0 : index
    %get3A_46 = vector.load %arg8[%get3A_44, %get3A_45] : memref<1x512xf32, #tpu.memory_space<vmem>>, vector<1x512xf32>
    %add3A_47 = vector.broadcast %get3A_46 : vector<1x512xf32> to vector<16x512xf32>
    %add3A_48 = arith.addf %dot_general3A_43, %add3A_47 : vector<16x512xf32>
    %max3A_49 = arith.constant 0.000000e+00 : f32
    %max3A_50 = vector.broadcast %max3A_49 : f32 to vector<16x512xf32>
    %max3A_51 = arith.maximumf %add3A_48, %max3A_50 : vector<16x512xf32>
    %get3A_52 = arith.constant 0 : index
    %get3A_53 = arith.constant 0 : index
    %get3A_54 = vector.load %arg9[%get3A_52, %get3A_53] : memref<512x256xf32, #tpu.memory_space<vmem>>, vector<512x256xf32>
    %dot_general3A_55 = arith.constant dense<0.000000e+00> : vector<16x256xf32>
    %dot_general3A_56 = tpu.matmul %max3A_51, %get3A_54, %dot_general3A_55 {dimension_numbers = #tpu.dot_dimension_numbers<[1], [0], [0], [1], [0, 0, 1, 1], [], []>, transpose_lhs_hint = false} : vector<16x512xf32>, vector<512x256xf32>, vector<16x256xf32> -> vector<16x256xf32>
    %get3A_57 = arith.constant 0 : index
    %get3A_58 = arith.constant 0 : index
    %get3A_59 = vector.load %arg10[%get3A_57, %get3A_58] : memref<1x256xf32, #tpu.memory_space<vmem>>, vector<1x256xf32>
    %add3A_60 = vector.broadcast %get3A_59 : vector<1x256xf32> to vector<16x256xf32>
    %add3A_61 = arith.addf %dot_general3A_56, %add3A_60 : vector<16x256xf32>
    %max3A_62 = arith.constant 0.000000e+00 : f32
    %max3A_63 = vector.broadcast %max3A_62 : f32 to vector<16x256xf32>
    %max3A_64 = arith.maximumf %add3A_61, %max3A_63 : vector<16x256xf32>
    %get3A_65 = arith.constant 0 : index
    %get3A_66 = arith.constant 0 : index
    %get3A_67 = vector.load %arg11[%get3A_65, %get3A_66] : memref<256x1xf32, #tpu.memory_space<vmem>>, vector<256x1xf32>
    %dot_general3A_68 = arith.constant dense<0.000000e+00> : vector<16x1xf32>
    %dot_general3A_69 = tpu.matmul %max3A_64, %get3A_67, %dot_general3A_68 {dimension_numbers = #tpu.dot_dimension_numbers<[1], [0], [0], [1], [0, 0, 1, 1], [], []>, transpose_lhs_hint = false} : vector<16x256xf32>, vector<256x1xf32>, vector<16x1xf32> -> vector<16x1xf32>
    %get3A_70 = arith.constant 0 : index
    %get3A_71 = arith.constant 0 : index
    %get3A_72 = vector.load %arg12[%get3A_70, %get3A_71] : memref<1x1xf32, #tpu.memory_space<vmem>>, vector<1x1xf32>
    %add3A_73 = vector.broadcast %get3A_72 : vector<1x1xf32> to vector<16x1xf32>
    %add3A_74 = arith.addf %dot_general3A_69, %add3A_73 : vector<16x1xf32>
    %neg3A = arith.constant 0.000000e+00 : f32
    %neg3A_75 = vector.broadcast %neg3A : f32 to vector<16x1xf32>
    %neg3A_76 = arith.subf %neg3A_75, %add3A_74 : vector<16x1xf32>
    %exp3A = math.exp %neg3A_76 : vector<16x1xf32>
    %add3A_77 = arith.constant 1.000000e+00 : f32
    %add3A_78 = vector.broadcast %add3A_77 : f32 to vector<16x1xf32>
    %add3A_79 = arith.addf %add3A_78, %exp3A : vector<16x1xf32>
    %div3A = arith.constant 1.000000e+00 : f32
    %div3A_80 = vector.broadcast %div3A : f32 to vector<16x1xf32>
    %div3A_81 = arith.divf %div3A_80, %add3A_79 : vector<16x1xf32>
    %swap3A = arith.constant 0 : index
    %swap3A_82 = arith.constant 0 : index
    %swap3A_83 = vector.load %arg13[%swap3A, %swap3A_82] : memref<16x1xf32, #tpu.memory_space<vmem>>, vector<16x1xf32>
    tpu.vector_store %arg13[%swap3A, %swap3A_82], %div3A_81 {strides = array<i32>} : memref<16x1xf32, #tpu.memory_space<vmem>>, vector<16x1xf32>,
    return
  }
}

</mosaic_0001>

<sc_bundles>
// kernel: kernel.10.cloned.1.call-start
scs
__scs_entry_jumppad:
0x0: {  	(pc) =	sbr.rel $0x88, $3  }
0x1: {  	(tag) =	ssettag $0x0;
	lr =	simm.s32 $0x1  }
0x2: {  	[smem:$0x3F71] =	sst lr;
	_ =	strace $0xD0000000  }
0x3: {  	_ = 	snop  }
0x4: {  	_ = 	snop  }
0x5: {  	_ = 	snop  }
0x6: {  	_ = 	snop  }
0x7: {  	_ = 	snop  }
__scs_overlays_trampoline_lowered:
0x8: {  	[smem:$0x3F80] =	sst s0  }
0x9: {  	[smem:$0x3F81] =	sst s1  }
0xa: {  	[smem:$0x3F82] =	sst s2  }
0xb: {  	[smem:$0x3F83] =	sst s3  }
0xc: {  	[smem:$0x3F84] =	sst s4  }
0xd: {  	[smem:$0x3F85] =	sst s5  }
0xe: {  	[smem:$0x3F86] =	sst s6  }
0xf: {  	[smem:$0x3F87] =	sst s7  }
0x10: {  	[smem:$0x3F88] =	sst s8  }
0x11: {  	[smem:$0x3F89] =	sst s9;
	s0 =	simm.s32 @!p0 $0x0  }
0x12: {  	s1 =	sld [smem:$0x3F6F];
	s0 =	simm.s32 @p0 $0x1  }
0x13: {  	[smem:$0x3F8A] =	sst s0;
	s0 =	simm.s32 @!p1 $0x0  }
0x14: {  	s2 =	sld [smem:$0x3F6E];
	s0 =	simm.s32 @p1 $0x1  }
0x15: {  	[smem:$0x3F8B] =	sst s0;
	s0 =	simm.s32 @!p2 $0x0  }
0x16: {  	s3 =	sld [smem:$0x3FDB];
	s0 =	simm.s32 @p2 $0x1  }
0x17: {  	s4 =	simm.s32 $0x1BF5;
	[smem:$0x3F8D] =	sst s0  }
0x18: {  	s0 =	sld [smem:$0x3F70];
	_ =	swait.ge [sflag:s4], $0x0  }
0x19: {  	s7 =	sld [smem:$0x3F71]  }
0x1a: {  	s8 =	sadd.s32 $0xFFFFE003, lr  }
0x1b: {  	s9 =	sadd.s32 $0xFFFFFEF7, lr;
	s5 =	simm.s32 $0xFFFFFFFF;
	p2 =	slt.u32 s8, $0xFFFFF086  }
0x1c: {  	p1 =	slt.u32 s9, $0xF7A;
	s5 =	simm.s32 @!p2 $0x0  }
0x1d: {  	s5 =	simm.s32 @p1 $0x1;
	p0 =	seq.s32 s7, s2  }
0x1e: {  	s7 =	smul.u32 @!p0 $0xF7A, s2;
	p2 =	seq.s32 @!p0 s5, $0x0  }
0x1f: {  	s9 =	smul.u32 $0xF7A, s1;
	s8 =	simm.s32 @!p0 $0x1BF5;
	p2 =	por !p2, p0  }
0x20: {  	[sflag:s8] =	ssyncset.s32 @!p0 $0xFFFFF086;
	s6 =	sadd.s32 @!p0 s3, s7;
	s7 =	simm.s32 @!p0 $0x108  }
0x21: {  	s3 =	sadd.s32 s3, s9;
	s6 =	sadd.s32 @!p0 $0x88, s6;
	s7 =	simm.s32 @p2 $0x1082  }
0x22: {  	[simem:s7], [sflag:s8] =	dma.local @!p0 [hbm:s6], $0xF7A  }
0x23: {  	s9 =	sor.u32 $0xD0000000, s2;
	s6 =	simm.s32 $0x108;
	_ =	swait.ge @!p0 [sflag:s8], $0x0  }
0x24: {  	s3 =	sadd.s32 $0x88, s3;
	s6 =	simm.s32 @!p1 $0x1082;
	[sflag:s4] =	ssyncset.s32 $0xFFFFF086  }
0x25: {  	[simem:s6], [sflag:s4] =	dma.local [hbm:s3], $0xF7A  }
0x26: {  	[smem:$0x3F71] =	sst s1;
	(tag) =	ssettag s2;
	_ =	strace s9  }
0x27: {  	s1 =	sld [smem:$0x3F81]  }
0x28: {  	s2 =	sld [smem:$0x3F82]  }
0x29: {  	s4 =	sld [smem:$0x3F84]  }
0x2a: {  	p0 =	seq.s32 s5, $0x0;
	s5 =	sld [smem:$0x3F85]  }
0x2b: {  	s6 =	sld [smem:$0x3F86]  }
0x2c: {  	s7 =	sld [smem:$0x3F87]  }
0x2d: {  	s3 =	simm.s32 $0x108;
	s8 =	sld [smem:$0x3F88]  }
0x2e: {  	s3 =	simm.s32 @!p0 $0x1082;
	s9 =	sld [smem:$0x3F89]  }
0x2f: {  	lr =	sadd.s32 s0, s3;
	s0 =	sld [smem:$0x3F80]  }
0x30: {  	s3 =	sld [smem:$0x3F83]  }
0x31: {  	[smem:$0x3F8C] =	sst s10  }
0x32: {  	s10 =	sld [smem:$0x3F8A];
	_ =	sdelay $0x3  }
0x33: {  	p0 =	seq.s32 s10, $0x1;
	s10 =	sld [smem:$0x3F8C];
	_ =	sdelay $0x3  }
0x34: {  	[smem:$0x3F8C] =	sst s10  }
0x35: {  	s10 =	sld [smem:$0x3F8B];
	_ =	sdelay $0x3  }
0x36: {  	p1 =	seq.s32 s10, $0x1;
	s10 =	sld [smem:$0x3F8C];
	_ =	sdelay $0x3  }
0x37: {  	[smem:$0x3F8C] =	sst s10  }
0x38: {  	s10 =	sld [smem:$0x3F8D]  }
0x39: {  	_ = 	snop;
	(pc) =	sbr.ind lr, $3  }
0x3a: {  	_ = 	snop  }
0x3b: {  	_ = 	snop  }
0x3c: {  	p2 =	seq.s32 s10, $0x1;
	s10 =	sld [smem:$0x3F8C]  }
0x3d: {  	_ =	shalt  }
0x3e: {  	_ =	shalt  }
0x3f: {  	_ =	shalt  }
0x40: {  	_ =	shalt  }
0x41: {  	_ =	shalt  }
0x42: {  	_ =	shalt  }
0x43: {  	_ =	shalt  }
0x44: {  	_ =	shalt  }
0x45: {  	_ =	shalt  }
0x46: {  	_ =	shalt  }
0x47: {  	_ =	shalt  }
0x48: {  	_ =	shalt  }
0x49: {  	_ =	shalt  }
0x4a: {  	_ =	shalt  }
0x4b: {  	_ =	shalt  }
0x4c: {  	_ =	shalt  }
0x4d: {  	_ =	shalt  }
0x4e: {  	_ =	shalt  }
0x4f: {  	_ =	shalt  }
0x50: {  	_ =	shalt  }
0x51: {  	_ =	shalt  }
0x52: {  	_ =	shalt  }
0x53: {  	_ =	shalt  }
0x54: {  	_ =	shalt  }
0x55: {  	_ =	shalt  }
0x56: {  	_ =	shalt  }
0x57: {  	_ =	shalt  }
0x58: {  	_ =	shalt  }
0x59: {  	_ =	shalt  }
0x5a: {  	_ =	shalt  }
0x5b: {  	_ =	shalt  }
0x5c: {  	_ =	shalt  }
0x5d: {  	_ =	shalt  }
0x5e: {  	_ =	shalt  }
0x5f: {  	_ =	shalt  }
0x60: {  	_ =	shalt  }
0x61: {  	_ =	shalt  }
0x62: {  	_ =	shalt  }
0x63: {  	_ =	shalt  }
0x64: {  	_ =	shalt  }
0x65: {  	_ =	shalt  }
0x66: {  	_ =	shalt  }
0x67: {  	_ =	shalt  }
0x68: {  	_ =	shalt  }
0x69: {  	_ =	shalt  }
0x6a: {  	_ =	shalt  }
0x6b: {  	_ =	shalt  }
0x6c: {  	_ =	shalt  }
0x6d: {  	_ =	shalt  }
0x6e: {  	_ =	shalt  }
0x6f: {  	_ =	shalt  }
0x70: {  	_ =	shalt  }
0x71: {  	_ =	shalt  }
0x72: {  	_ =	shalt  }
0x73: {  	_ =	shalt  }
0x74: {  	_ =	shalt  }
0x75: {  	_ =	shalt  }
0x76: {  	_ =	shalt  }
0x77: {  	_ =	shalt  }
0x78: {  	_ =	shalt  }
0x79: {  	_ =	shalt  }
0x7a: {  	_ =	shalt  }
0x7b: {  	_ =	shalt  }
0x7c: {  	_ =	shalt  }
0x7d: {  	_ =	shalt  }
0x7e: {  	_ =	shalt  }
0x7f: {  	_ =	shalt  }
0x80: {  	_ =	shalt  }
0x81: {  	_ =	shalt  }
0x82: {  	_ =	shalt  }
0x83: {  	_ =	shalt  }
0x84: {  	_ =	shalt  }
0x85: {  	_ =	shalt  }
0x86: {  	_ =	shalt  }
0x87: {  	_ =	shalt  }
.Lfunc_end0:
.L_simem_size_0:
called_computation.1_lowered:
.L_overlay_start_0:
0x88: {  	s2 =	sld [smem:$0x3FD9]  }
0x89: {  	s3 =	sld [smem:$0x3FFE];
	_ =	sdelay $0x1  }
0x8a: {  	s1 =	srdreg.scid  }
0x8b: {  	s0 =	sand.u32 $0x1, s1  }
0x8c: {  	s16 =	sshll.u32 s0, $0xA;
	s2 =	sadd.s32 s3, s2  }
0x8d: {  	s2 =	sadd.s32 s2, s16  }
0x8e: {  	[smem:$0x3F98] =	sst s2  }
0x8f: {  	_ = 	snop  }
0x90: {  	(tm) =	ssettm $0x1  }
0x91: {  	s17 =	sld [smem:$0x3FFB];
	_ =	sdelay $0x3  }
0x92: {  	_ =	strace s17  }
0x93: {  	s2 =	sld [smem:$0x3FFC];
	_ =	sdelay $0x3  }
0x94: {  	_ =	strace s2  }
0x95: {  	s2 =	sld [smem:$0x3FFD];
	_ =	sdelay $0x3  }
0x96: {  	_ =	strace s2  }
0x97: {  	_ =	strace $0x8FFFFFFF  }
0x98: {  	s18 =	sld [smem:$0x3FDB];
	_ =	sdelay $0x1  }
0x99: {  	s19 =	simm.s32 $_scs_section_size  }
0x9a: {  	s4 =	simm.s32 $_size__tile_overlayer_lowered;
	s5 =	simm.s32 $_tile_overlayer_lowered  }
0x9b: {  	s22 =	simm.s32 $0x1BFF;
	s21 =	sshll.u32 s5, $0x1;
	s2 =	sadd.s32 s19, s18  }
0x9c: {  	s6 =	simm.s32 $0x0;
	s20 =	sshll.u32 s4, $0x1;
	s4 =	sadd.s32 s21, s2  }
0x9d: {  	[timem:s6], [sflag:s22] =	dma.local [hbm:s4], s20  }
0x9e: {  	_ =	swait.ge [sflag:s22], s20  }
0x9f: {  	s3 =	ssub.s32 $0x0, s20;
	[sflag:s22] =	ssyncset.done $0x0  }
0xa0: {  	[sflag:s22] =	ssyncadd.s32 s3;
	_ =	sdelay $0x1  }
0xa1: {  	s23 =	simm.s32 $0x1B8B  }
0xa2: {  	_ =	swait.ge [sflag:s23], $0x1  }
0xa3: {  	[sflag:s23] =	ssyncset.done $0x0  }
0xa4: {  	s25 =	simm.s32 $0x1B8E;
	s24 =	sld [smem:$0x3FFE];
	[sflag:s23] =	ssyncadd.s32 $0xFFFFFFFF  }
0xa5: {  	s26 =	simm.s32 $execute0_lowered;
	[smem:$0x3FD2] =	sst s25  }
0xa6: {  	s4 =	sshll.u32 s26, $0x1;
	_ =	strace $0x80000049;
	[dreg:$0x1] =	wrdreg $0xFFFFFFFF  }
0xa7: {  	s28 =	simm.s32 $_size_execute0_lowered;
	s2 =	sadd.s32 s2, s4;
	[dreg:$0x0] =	wrdreg $0x0  }
0xa8: {  	s4 =	sshll.u32 s28, $0x1;
	[dreg:$0x2] =	wrdreg s2  }
0xa9: {  	[dreg:$0x3] =	wrdreg s4  }
0xaa: {  	[dreg:$0x4] =	wrdreg $0xC0  }
0xab: {  	_ =	task [dreg:s6], $0x5FFFF  }
0xac: {  	[dreg:$0x1] =	wrdreg $0xFFFFFFFF  }
0xad: {  	[dreg:$0x0] =	wrdreg $0x60  }
0xae: {  	[dreg:$0x2] =	wrdreg s24  }
0xaf: {  	[dreg:$0x3] =	wrdreg $0x9  }
0xb0: {  	_ =	task.clear_ibuf [dreg:s6], $0x4FFFF;
	_ =	strace $0x90000049  }
0xb1: {  	s29 =	simm.s32 $0x9;
	_ =	strace $0x8000004B  }
0xb2: {  	_ =	swait.ge [sflag:s29], $0x1  }
0xb3: {  	[sflag:s29] =	ssyncadd.s32 $0xFFFFFFFF  }
0xb4: {  	_ =	strace $0x9000004B  }
0xb5: {  	_ =	sfence  }
0xb6: {  	s30 =	sld [smem:$0x0];
	_ =	sdelay $0x2  }
0xb7: {  	s31 =	sshll.u32 s1, $0xD;
	s1 =	sshrl.u32 s1, $0x2  }
0xb8: {  	s3 =	sand.u32 $0x4000, s31;
	s1 =	sadd.s32 s1, s30  }
0xb9: {  	s0 =	sor.u32 s3, s0;
	s1 =	sshll.u32 s1, $0x11  }
0xba: {  	s0 =	sor.u32 s1, s0  }
0xbb: {  	s0 =	sadd.s32 $0x8F2B, s0  }
0xbc: {  	[sflag:s0] =	ssyncadd.remote.s32 $0x1  }
0xbd: {  	_ =	sfence.sel $0xFFFF  }
0xbe: {  	[dreg:$0x0] =	wrdreg $0xFFFFFFFF;
	(pc) =	sbr.abs _section_cstart, $3  }
0xbf: {  	[dreg:$0x1] =	wrdreg $0xFFFFFFFF  }
0xc0: {  	_ =	task.clear_ibuf [dreg:s6], $0x2FFFF;
	_ =	strace $0x9FFFFFFF  }
0xc1: {  	(tm) =	ssettm $0x7FFFFFFF  }
tec
execute0_lowered:
.L_overlay_start_1:
0x0: {  	(tag) =	ssettag $0x1  }
0x1: {  	v0 =	vimm.s32 $0x2780;
	vm1 =	vcmask $0x300;
	vm3 =	vcmask $0x704  }
0x2: {  	vm2 =	vcmask $0xB08;
	vm0 =	vcmask $0xF0C;
	v1 =	vimm.s32 $0x2781  }
0x3: {  	v2 =	vimm.s32 $0x2782;
	v3 =	vimm.s32 $0x6F80;
	v4 =	vimm.s32 $0x6F81  }
0x4: {  	v5 =	vimm.s32 $0x6F82;
	v6 =	vimm.s32 $0xB780;
	v7 =	vimm.s32 $0xB781  }
0x5: {  	v8 =	vimm.s32 $0xB782;
	v9 =	vimm.s32 $0xFF80;
	v10 =	vimm.s32 $0xFF81  }
0x6: {  	v11 =	vimm.s32 $0xFF82;
	v0 =	vsel vm1, $0x0, v0;
	v1 =	vsel vm1, $0x1, v1  }
0x7: {  	v2 =	vsel vm1, $0x2, v2;
	v3 =	vsel vm1, $0x4800, v3;
	v4 =	vsel vm1, $0x4801, v4  }
0x8: {  	v5 =	vsel vm1, $0x4802, v5;
	v6 =	vsel vm1, $0x9000, v6;
	v7 =	vsel vm1, $0x9001, v7  }
0x9: {  	v8 =	vsel vm1, $0x9002, v8;
	v9 =	vsel vm1, $0xD800, v9;
	v10 =	vsel vm1, $0xD801, v10  }
0xa: {  	v11 =	vsel vm1, $0xD802, v11;
	vm1 =	vcmask $0x1310;
	v0 =	vsel vm3, $0x80, v0  }
0xb: {  	v1 =	vsel vm3, $0x81, v1;
	v2 =	vsel vm3, $0x82, v2;
	v3 =	vsel vm3, $0x4880, v3  }
0xc: {  	v4 =	vsel vm3, $0x4881, v4;
	v5 =	vsel vm3, $0x4882, v5;
	v6 =	vsel vm3, $0x9080, v6  }
0xd: {  	v7 =	vsel vm3, $0x9081, v7;
	v8 =	vsel vm3, $0x9082, v8;
	v9 =	vsel vm3, $0xD880, v9  }
0xe: {  	v10 =	vsel vm3, $0xD881, v10;
	v11 =	vsel vm3, $0xD882, v11;
	v0 =	vsel vm2, $0x100, v0  }
0xf: {  	v1 =	vsel vm2, $0x101, v1;
	v2 =	vsel vm2, $0x102, v2;
	v3 =	vsel vm2, $0x4900, v3  }
0x10: {  	v4 =	vsel vm2, $0x4901, v4;
	v5 =	vsel vm2, $0x4902, v5;
	v6 =	vsel vm2, $0x9100, v6  }
0x11: {  	v7 =	vsel vm2, $0x9101, v7;
	v8 =	vsel vm2, $0x9102, v8;
	v9 =	vsel vm2, $0xD900, v9  }
0x12: {  	v10 =	vsel vm2, $0xD901, v10;
	v11 =	vsel vm2, $0xD902, v11;
	vm2 =	vcmask $0x1714  }
0x13: {  	v0 =	vsel vm0, $0x180, v0;
	v1 =	vsel vm0, $0x181, v1;
	v2 =	vsel vm0, $0x182, v2  }
0x14: {  	v3 =	vsel vm0, $0x4980, v3;
	v4 =	vsel vm0, $0x4981, v4;
	v5 =	vsel vm0, $0x4982, v5  }
0x15: {  	v12 =	vsel vm0, $0x9180, v6;
	v7 =	vsel vm0, $0x9181, v7;
	v8 =	vsel vm0, $0x9182, v8  }
0x16: {  	v9 =	vsel vm0, $0xD980, v9;
	v10 =	vsel vm0, $0xD981, v10;
	v11 =	vsel vm0, $0xD982, v11  }
0x17: {  	v6 =	vlaneseq.u32;
	vm0 =	vcmask $0x1B18;
	v0 =	vsel vm1, $0x200, v0  }
0x18: {  	s0 =	srdreg.scid;
	v1 =	vsel vm1, $0x201, v1;
	v2 =	vsel vm1, $0x202, v2;
	v3 =	vsel vm1, $0x4A00, v3  }
0x19: {  	s1 =	sand.u32 $0x1, s0;
	v4 =	vsel vm1, $0x4A01, v4;
	v5 =	vsel vm1, $0x4A02, v5;
	v12 =	vsel vm1, $0x9200, v12  }
0x1a: {  	s3 =	sshll.u32 s1, $0x6;
	v7 =	vsel vm1, $0x9201, v7;
	v8 =	vsel vm1, $0x9202, v8;
	v9 =	vsel vm1, $0xDA00, v9  }
0x1b: {  	v10 =	vsel vm1, $0xDA01, v10;
	v11 =	vsel vm1, $0xDA02, v11;
	v13 =	vor.u32 s3, v6  }
0x1c: {  	v14 =	vor.u32 $0x10, v6;
	vm1 =	vcmask $0x1F1C;
	v16 =	vor.u32 $0x30, v6  }
0x1d: {  	v0 =	vsel vm2, $0x280, v0;
	v1 =	vsel vm2, $0x281, v1;
	v2 =	vsel vm2, $0x282, v2  }
0x1e: {  	v3 =	vsel vm2, $0x4A80, v3;
	v4 =	vsel vm2, $0x4A81, v4;
	v5 =	vsel vm2, $0x4A82, v5  }
0x1f: {  	v12 =	vsel vm2, $0x9280, v12;
	v7 =	vsel vm2, $0x9281, v7;
	v8 =	vsel vm2, $0x9282, v8  }
0x20: {  	v9 =	vsel vm2, $0xDA80, v9;
	v10 =	vsel vm2, $0xDA81, v10;
	v11 =	vsel vm2, $0xDA82, v11  }
0x21: {  	vm2 =	vcmask $0x2B28;
	v15 =	vsel vm0, $0x300, v0;
	v0 =	vshrl.u32 v13, $0x3  }
0x22: {  	v13 =	vor.u32 s3, v14;
	v2 =	vsel vm0, $0x302, v2;
	v3 =	vsel vm0, $0x4B00, v3  }
0x23: {  	v4 =	vsel vm0, $0x4B01, v4;
	v5 =	vsel vm0, $0x4B02, v5;
	v12 =	vsel vm0, $0x9300, v12  }
0x24: {  	s24 =	stileid.u32;
	v7 =	vsel vm0, $0x9301, v7;
	v8 =	vsel vm0, $0x9302, v8;
	v9 =	vsel vm0, $0xDB00, v9  }
0x25: {  	s2 =	sor.u32 s1, s24;
	v10 =	vsel vm0, $0xDB01, v10;
	v11 =	vsel vm0, $0xDB02, v11;
	v14 =	vsel vm1, $0x380, v15  }
0x26: {  	p1 =	seq.s32 s1, $0x1;
	p0 =	seq.s32 s2, $0x0;
	v15 =	vsel vm0, $0x301, v1;
	vm0 =	vcmask $0x2320;
	v1 =	vshrl.u32 v13, $0x3  }
0x27: {  	p0 =	por !p0, !p1;
	v13 =	vor.u32 $0x20, v6;
	v2 =	vsel vm1, $0x382, v2;
	v3 =	vsel vm1, $0x4B80, v3  }
0x28: {  	s2 =	simm.s32 $0x1;
	p0 =	por !p0, !p0;
	v4 =	vsel vm1, $0x4B81, v4;
	v5 =	vsel vm1, $0x4B82, v5;
	v12 =	vsel vm1, $0x9380, v12  }
0x29: {  	s8 =	rddreg [dreg:$0x0];
	s2 =	simm.s32 @!p0 $0x0;
	v7 =	vsel vm1, $0x9381, v7;
	v8 =	vsel vm1, $0x9382, v8;
	v9 =	vsel vm1, $0xDB80, v9  }
0x2a: {  	s10 =	simm.s32 $0x2C80;
	s4 =	ssub.s32 s24, s2;
	s2 =	simm.s32 $0x0;
	v10 =	vsel vm1, $0xDB81, v10;
	v11 =	vsel vm1, $0xDB82, v11;
	v14 =	vsel vm0, $0x2400, v14  }
0x2b: {  	s11 =	simm.s32 $0x3480;
	s12 =	simm.s32 $0x3C80;
	[smem:$0x7FF] =	sst s2;
	v15 =	vsel vm1, $0x381, v15;
	vm1 =	vcmask $0x2724;
	v13 =	vor.u32 s3, v13  }
0x2c: {  	s13 =	simm.s32 $0x4480;
	_ =	strace $0x8000004A;
	v17 =	vsel vm0, $0x2402, v2;
	v3 =	vsel vm0, $0x6C00, v3;
	v4 =	vsel vm0, $0x6C01, v4;
	[dreg:$0xc] =	wrdreg s10  }
0x2d: {  	s14 =	simm.s32 $0x4880;
	s16 =	simm.s32 $0x5080;
	v5 =	vsel vm0, $0x6C02, v5;
	v12 =	vsel vm0, $0xB400, v12;
	v7 =	vsel vm0, $0xB401, v7;
	[dreg:$0xd] =	wrdreg s11  }
0x2e: {  	s17 =	simm.s32 $0x5880;
	s18 =	simm.s32 $0x6080;
	v8 =	vsel vm0, $0xB402, v8;
	v9 =	vsel vm0, $0xFC00, v9;
	v10 =	vsel vm0, $0xFC01, v10;
	[dreg:$0xe] =	wrdreg s12  }
0x2f: {  	s19 =	simm.s32 $0x6880;
	s20 =	simm.s32 $0x6C80;
	v11 =	vsel vm0, $0xFC02, v11;
	[dreg:$0xf] =	wrdreg s13;
	v14 =	vsel vm1, $0x2480, v14;
	v15 =	vsel vm0, $0x2401, v15  }
0x30: {  	s21 =	simm.s32 $0x7C80;
	s22 =	simm.s32 $0x8480;
	[dreg:$0x10] =	wrdreg s14;
	v2 =	vshrl.u32 v13, $0x3;
	v13 =	vor.u32 s3, v16;
	v16 =	vsel vm1, $0x2482, v17  }
0x31: {  	s23 =	simm.s32 $0x8C80;
	s28 =	simm.s32 $0xFC80;
	[dreg:$0x11] =	wrdreg s16;
	v17 =	vsel vm1, $0x6C80, v3;
	v4 =	vsel vm1, $0x6C81, v4;
	v5 =	vsel vm1, $0x6C82, v5  }
0x32: {  	s29 =	simm.s32 $0x10480;
	s30 =	simm.s32 $0x10C80;
	[dreg:$0x12] =	wrdreg s17;
	v12 =	vsel vm1, $0xB480, v12;
	v7 =	vsel vm1, $0xB481, v7;
	v8 =	vsel vm1, $0xB482, v8  }
0x33: {  	s31 =	simm.s32 $0x11480;
	s1 =	ssub.s32 $0x2, s1;
	[dreg:$0x13] =	wrdreg s18;
	v9 =	vsel vm1, $0xFC80, v9;
	v10 =	vsel vm1, $0xFC81, v10;
	v11 =	vsel vm1, $0xFC82, v11  }
0x34: {  	s7 =	sadd.s32 $0x9B600, s8;
	s15 =	sshrl.u32 s1, $0x1;
	[dreg:$0x14] =	wrdreg s19;
	vm0 =	vcmask $0x2F2C;
	v14 =	vsel vm2, $0x2500, v14;
	v15 =	vsel vm1, $0x2481, v15  }
0x35: {  	s1 =	ssub.s32 s1, s15;
	s24 =	simm.s32 $0x9080;
	[dreg:$0x15] =	wrdreg s20;
	v3 =	vshrl.u32 v13, $0x3;
	v13 =	vshrl.u32 v6, $0x3;
	v16 =	vsel vm2, $0x2502, v16  }
0x36: {  	s5 =	sshll.u32 s4, $0x7;
	s4 =	smul.u32 $0x30, s4;
	[dreg:$0x17] =	wrdreg s21;
	v17 =	vsel vm2, $0x6D00, v17;
	v18 =	vsel vm2, $0x6D01, v4;
	v19 =	vsel vm2, $0x6D02, v5  }
0x37: {  	s5 =	sor.u32 s3, s5;
	s10 =	simm.s32 $0x7480;
	[dreg:$0x18] =	wrdreg s22;
	v12 =	vsel vm2, $0xB500, v12;
	v7 =	vsel vm2, $0xB501, v7;
	v8 =	vsel vm2, $0xB502, v8  }
0x38: {  	s11 =	simm.s32 $0x12080;
	s12 =	simm.s32 $0x12100;
	[dreg:$0x19] =	wrdreg s23;
	v9 =	vsel vm2, $0xFD00, v9;
	v10 =	vsel vm2, $0xFD01, v10;
	v11 =	vsel vm2, $0xFD02, v11  }
0x39: {  	s13 =	simm.s32 $0x12180;
	[dreg:$0x1a] =	wrdreg s24;
	s14 =	simm.s32 $0x80;
	vm1 =	vcmask $0x3330;
	v4 =	vand.u32 $0x7, v6;
	v6 =	vor.u32 $0x8, v6  }
0x3a: {  	s16 =	simm.s32 $0xB080;
	s17 =	simm.s32 $0xB480;
	s18 =	simm.s32 $0xBC80;
	v14 =	vsel vm0, $0x2580, v14;
	v15 =	vsel vm2, $0x2501, v15;
	v5 =	vmul.u32 $0x8, v13  }
0x3b: {  	s19 =	simm.s32 $0xC480;
	s20 =	simm.s32 $0xCC80;
	s21 =	simm.s32 $0xD480;
	v12 =	vsel vm0, $0xB580, v12;
	v7 =	vsel vm0, $0xB581, v7;
	v8 =	vsel vm0, $0xB582, v8  }
0x3c: {  	s22 =	simm.s32 $0xD880;
	s5 =	sshrl.u32 s5, $0x3;
	s25 =	sshrl.u32 s4, $0x3;
	v9 =	vsel vm0, $0xFD80, v9;
	v10 =	vsel vm0, $0xFD81, v10;
	v11 =	vsel vm0, $0xFD82, v11  }
0x3d: {  	s9 =	sadd.s32 $0x10, s4;
	s4 =	sadd.s32 $0x20, s4;
	s6 =	sadd.s32 s5, s8;
	v13 =	vsel vm1, $0x2600, v14;
	v14 =	vsel vm0, $0x2581, v15;
	v15 =	vsel vm0, $0x2582, v16  }
0x3e: {  	[dreg:$0x16] =	wrdreg s10;
	s9 =	sshrl.u32 s9, $0x3;
	s6 =	sadd.s32 $0x9B400, s6;
	v16 =	vsel vm0, $0x6D80, v17;
	v17 =	vsel vm0, $0x6D81, v18;
	v18 =	vsel vm0, $0x6D82, v19  }
0x3f: {  	s4 =	sshrl.u32 s4, $0x3;
	s26 =	sadd.s32 s7, s9;
	[dreg:$0x2] =	wrdreg s6;
	vm0 =	vcmask $0x3734;
	v12 =	vsel vm1, $0xB600, v12;
	v7 =	vsel vm1, $0xB601, v7  }
0x40: {  	s23 =	simm.s32 $0xE080;
	s4 =	sadd.s32 s7, s4;
	[dreg:$0x4] =	wrdreg s26;
	v8 =	vsel vm1, $0xB602, v8;
	v9 =	vsel vm1, $0xFE00, v9;
	v10 =	vsel vm1, $0xFE01, v10  }
0x41: {  	s24 =	simm.s32 $0xE880;
	s9 =	simm.s32 $0x2480;
	[dreg:$0x5] =	wrdreg s4;
	v11 =	vsel vm1, $0xFE02, v11;
	v13 =	vsel vm0, $0x2680, v13;
	v14 =	vsel vm1, $0x2601, v14  }
0x42: {  	s3 =	sadd.s32 $0x8200, s8;
	s6 =	sadd.s32 s7, s25;
	[dreg:$0xb] =	wrdreg s9;
	v15 =	vsel vm1, $0x2602, v15;
	v16 =	vsel vm1, $0x6E00, v16;
	v17 =	vsel vm1, $0x6E01, v17  }
0x43: {  	s5 =	smul.u32 $0x480, s5;
	s4 =	simm.s32 $0x880;
	[dreg:$0x3] =	wrdreg s6;
	v18 =	vsel vm1, $0x6E02, v18;
	vm1 =	vcmask $0x3B38;
	v19 =	vsel vm0, $0xB680, v12  }
0x44: {  	s10 =	simm.s32 $0x2;
	s7 =	simm.s32 $0x2080;
	[dreg:$0x7] =	wrdreg s4;
	v20 =	vsel vm0, $0xB681, v7;
	v21 =	vsel vm0, $0xB682, v8;
	v22 =	vsel vm0, $0xFE80, v9  }
0x45: {  	s5 =	sadd.s32 s5, s8;
	s25 =	simm.s32 $0x9880;
	[dreg:$0xa] =	wrdreg s7;
	v23 =	vsel vm0, $0xFE81, v10;
	v24 =	vsel vm0, $0xFE82, v11;
	v14 =	vsel vm0, $0x2681, v14  }
0x46: {  	s9 =	smax.u32 s1, $0x1;
	s26 =	simm.s32 $0xA080;
	[dreg:$0x1b] =	wrdreg s25;
	v15 =	vsel vm0, $0x2682, v15;
	v16 =	vsel vm0, $0x6E80, v16;
	v17 =	vsel vm0, $0x6E81, v17  }
0x47: {  	s1 =	simm.s32 $0x11C80;
	s0 =	sadd.s32 $0x1A200, s5;
	[dreg:$0x1c] =	wrdreg s26;
	v18 =	vsel vm0, $0x6E82, v18;
	vm0 =	vmmov $0xffff;
	v7 =	vsel vm1, $0x2700, v13  }
0x48: {  	s5 =	simm.s32 $0x1080;
	s6 =	simm.s32 $0x1880;
	[dreg:$0x6] =	wrdreg s0;
	v13 =	vsel vm1, $0xB700, v19;
	v8 =	vsel vm1, $0x2701, v14;
	v9 =	vsel vm1, $0x2702, v15  }
0x49: {  	s4 =	simm.s32 $0x1;
	s7 =	sadd.s32 $0x8500, s8;
	[dreg:$0x8] =	wrdreg s5;
	v10 =	vsel vm1, $0x6F00, v16;
	v11 =	vsel vm1, $0x6F01, v17;
	v12 =	vsel vm1, $0x6F02, v18  }
0x4a: {  	s25 =	simm.s32 $0xF080;
	s26 =	simm.s32 $0xF880;
	[dreg:$0x9] =	wrdreg s6;
	v14 =	vsel vm1, $0xB701, v20;
	v15 =	vsel vm1, $0xB702, v21;
	v16 =	vsel vm1, $0xFF00, v22  }
0x4b: {  	s5 =	sadd.s32 $0x8300, s8;
	s6 =	sadd.s32 $0x8400, s8;
	s8 =	sadd.s32 $0x8600, s8;
	v17 =	vsel vm1, $0xFF01, v23;
	v18 =	vsel vm1, $0xFF02, v24;
	vm1 =	vmmov $0xff  }
.LBB2_1:
0x4c: {  	s0 =	rddreg [dreg:$0x2]  }
0x4d: {  	[tilespmem:s2], [sflag:$0x2] =	stream.linear.gather [hbm4b:s0+s2], $0x40, $0x38;
	[tilespmem:$0x12200] =	vst v63  }
0x4e: {  	_ =	swait.ge [sflag:s10], $0x40  }
0x4f: {  	[sflag:s10] =	ssyncset.done $0x0  }
0x50: {  	s15 =	rddreg [dreg:$0x3];
	[sflag:s10] =	ssyncadd.s32 $0xFFFFFFC0  }
0x51: {  	[tilespmem:s11], [sflag:$0x2] =	stream.linear.gather [hbm4b:s15+s2], $0x10, $0x38;
	[tilespmem:$0x12200] =	vst v63  }
0x52: {  	_ =	swait.ge [sflag:s10], $0x10  }
0x53: {  	[sflag:s10] =	ssyncset.done $0x0  }
0x54: {  	s15 =	rddreg [dreg:$0x4];
	[sflag:s10] =	ssyncadd.s32 $0xFFFFFFF0  }
0x55: {  	[tilespmem:s12], [sflag:$0x2] =	stream.linear.gather [hbm4b:s15+s2], $0x10, $0x38;
	[tilespmem:$0x12200] =	vst v63  }
0x56: {  	_ =	swait.ge [sflag:s10], $0x10  }
0x57: {  	[sflag:s10] =	ssyncset.done $0x0  }
0x58: {  	s15 =	rddreg [dreg:$0x5];
	[sflag:s10] =	ssyncadd.s32 $0xFFFFFFF0  }
0x59: {  	[tilespmem:s13], [sflag:$0x2] =	stream.linear.gather [hbm4b:s15+s2], $0x10, $0x38;
	[tilespmem:$0x12200] =	vst v63  }
0x5a: {  	_ =	swait.ge [sflag:s10], $0x10  }
0x5b: {  	[sflag:s10] =	ssyncset.done $0x0  }
0x5c: {  	[sflag:s10] =	ssyncadd.s32 $0xFFFFFFF0  }
0x5d: {  	v19 =	vld [tilespmem:$0x0];
	_ =	sdelay $0x4  }
0x5e: {  	v20 =	vshrl.u32 v19, $0x3  }
0x5f: {  	v20 =	vmul.u32 $0x48, v20  }
0x60: {  	v19 =	vand.u32 $0x7, v19  }
0x61: {  	v19 =	vor.u32 v19, v20  }
0x62: {  	v20 =	vperm.xlane v19, v4;
	_ =	sdelay $0x1  }
0x63: {  	v20 =	vadd.s32 v5, v20;
	_ =	sdelay $0x4  }
0x64: {  	[tilespmem:s14], [sflag:$0x1] =	stream.indirect_vreg.gather [hbm4b:s3+s2], $0x80, v20, vm0, $0xb8;
	[tilespmem:$0x12200] =	vst v63  }
0x65: {  	s0 =	rddreg [dreg:$0x7]  }
0x66: {  	[tilespmem:s0], [sflag:$0x1] =	stream.indirect_vreg.gather [hbm4b:s5+s2], $0x80, v20, vm0, $0xb8;
	[tilespmem:$0x12200] =	vst v63  }
0x67: {  	s15 =	rddreg [dreg:$0x8];
	v19 =	vperm.xlane v19, v6  }
0x68: {  	[tilespmem:s15], [sflag:$0x1] =	stream.indirect_vreg.gather [hbm4b:s6+s2], $0x80, v20, vm0, $0xb8;
	[tilespmem:$0x12200] =	vst v63  }
0x69: {  	v19 =	vadd.s32 v5, v19;
	s0 =	rddreg [dreg:$0x9]  }
0x6a: {  	[tilespmem:s0], [sflag:$0x1] =	stream.indirect_vreg.gather [hbm4b:s7+s2], $0x80, v20, vm0, $0xb8;
	[tilespmem:$0x12200] =	vst v63  }
0x6b: {  	s15 =	rddreg [dreg:$0xa]  }
0x6c: {  	[tilespmem:s15], [sflag:$0x1] =	stream.indirect_vreg.gather [hbm4b:s8+s2], $0x80, v20, vm1, $0xb8;
	[tilespmem:$0x12200] =	vst v63  }
0x6d: {  	s0 =	rddreg [dreg:$0xb]  }
0x6e: {  	[tilespmem:s0], [sflag:$0x1] =	stream.indirect_vreg.gather [hbm4b:s3+s2], $0x80, v19, vm0, $0xb8;
	[tilespmem:$0x12200] =	vst v63  }
0x6f: {  	s15 =	rddreg [dreg:$0xc]  }
0x70: {  	[tilespmem:s15], [sflag:$0x1] =	stream.indirect_vreg.gather [hbm4b:s5+s2], $0x80, v19, vm0, $0xb8;
	[tilespmem:$0x12200] =	vst v63  }
0x71: {  	s0 =	rddreg [dreg:$0xd]  }
0x72: {  	[tilespmem:s0], [sflag:$0x1] =	stream.indirect_vreg.gather [hbm4b:s6+s2], $0x80, v19, vm0, $0xb8;
	[tilespmem:$0x12200] =	vst v63  }
0x73: {  	s15 =	rddreg [dreg:$0xe]  }
0x74: {  	[tilespmem:s15], [sflag:$0x1] =	stream.indirect_vreg.gather [hbm4b:s7+s2], $0x80, v19, vm0, $0xb8;
	[tilespmem:$0x12200] =	vst v63  }
0x75: {  	s0 =	rddreg [dreg:$0xf]  }
0x76: {  	[tilespmem:s0], [sflag:$0x1] =	stream.indirect_vreg.gather [hbm4b:s8+s2], $0x80, v19, vm1, $0xb8;
	[tilespmem:$0x12200] =	vst v63  }
0x77: {  	v19 =	vld [tilespmem:$0x10];
	_ =	sdelay $0x4  }
0x78: {  	v20 =	vshrl.u32 v19, $0x3  }
0x79: {  	v20 =	vmul.u32 $0x48, v20  }
0x7a: {  	v19 =	vand.u32 $0x7, v19  }
0x7b: {  	v19 =	vor.u32 v19, v20  }
0x7c: {  	v20 =	vperm.xlane v19, v4;
	_ =	sdelay $0x1  }
0x7d: {  	v20 =	vadd.s32 v5, v20;
	_ =	sdelay $0x3  }
0x7e: {  	s0 =	rddreg [dreg:$0x10]  }
0x7f: {  	[tilespmem:s0], [sflag:$0x1] =	stream.indirect_vreg.gather [hbm4b:s3+s2], $0x80, v20, vm0, $0xb8;
	[tilespmem:$0x12200] =	vst v63  }
0x80: {  	s15 =	rddreg [dreg:$0x11]  }
0x81: {  	[tilespmem:s15], [sflag:$0x1] =	stream.indirect_vreg.gather [hbm4b:s5+s2], $0x80, v20, vm0, $0xb8;
	[tilespmem:$0x12200] =	vst v63  }
0x82: {  	v19 =	vperm.xlane v19, v6;
	s0 =	rddreg [dreg:$0x12]  }
0x83: {  	[tilespmem:s0], [sflag:$0x1] =	stream.indirect_vreg.gather [hbm4b:s6+s2], $0x80, v20, vm0, $0xb8;
	[tilespmem:$0x12200] =	vst v63  }
0x84: {  	v19 =	vadd.s32 v5, v19;
	s15 =	rddreg [dreg:$0x13]  }
0x85: {  	[tilespmem:s15], [sflag:$0x1] =	stream.indirect_vreg.gather [hbm4b:s7+s2], $0x80, v20, vm0, $0xb8;
	[tilespmem:$0x12200] =	vst v63  }
0x86: {  	s0 =	rddreg [dreg:$0x14]  }
0x87: {  	[tilespmem:s0], [sflag:$0x1] =	stream.indirect_vreg.gather [hbm4b:s8+s2], $0x80, v20, vm1, $0xb8;
	[tilespmem:$0x12200] =	vst v63  }
0x88: {  	s15 =	rddreg [dreg:$0x15]  }
0x89: {  	[tilespmem:s15], [sflag:$0x1] =	stream.indirect_vreg.gather [hbm4b:s3+s2], $0x80, v19, vm0, $0xb8;
	[tilespmem:$0x12200] =	vst v63  }
0x8a: {  	s0 =	rddreg [dreg:$0x16]  }
0x8b: {  	[tilespmem:s0], [sflag:$0x1] =	stream.indirect_vreg.gather [hbm4b:s5+s2], $0x80, v19, vm0, $0xb8;
	[tilespmem:$0x12200] =	vst v63  }
0x8c: {  	s15 =	rddreg [dreg:$0x17]  }
0x8d: {  	[tilespmem:s15], [sflag:$0x1] =	stream.indirect_vreg.gather [hbm4b:s6+s2], $0x80, v19, vm0, $0xb8;
	[tilespmem:$0x12200] =	vst v63  }
0x8e: {  	s0 =	rddreg [dreg:$0x18]  }
0x8f: {  	[tilespmem:s0], [sflag:$0x1] =	stream.indirect_vreg.gather [hbm4b:s7+s2], $0x80, v19, vm0, $0xb8;
	[tilespmem:$0x12200] =	vst v63  }
0x90: {  	s15 =	rddreg [dreg:$0x19]  }
0x91: {  	[tilespmem:s15], [sflag:$0x1] =	stream.indirect_vreg.gather [hbm4b:s8+s2], $0x80, v19, vm1, $0xb8;
	[tilespmem:$0x12200] =	vst v63  }
0x92: {  	v19 =	vld [tilespmem:$0x20];
	_ =	sdelay $0x4  }
0x93: {  	v20 =	vshrl.u32 v19, $0x3  }
0x94: {  	v20 =	vmul.u32 $0x48, v20  }
0x95: {  	v19 =	vand.u32 $0x7, v19  }
0x96: {  	v19 =	vor.u32 v19, v20  }
0x97: {  	v20 =	vperm.xlane v19, v4;
	_ =	sdelay $0x1  }
0x98: {  	v20 =	vadd.s32 v5, v20;
	_ =	sdelay $0x3  }
0x99: {  	s0 =	rddreg [dreg:$0x1a]  }
0x9a: {  	[tilespmem:s0], [sflag:$0x1] =	stream.indirect_vreg.gather [hbm4b:s3+s2], $0x80, v20, vm0, $0xb8;
	[tilespmem:$0x12200] =	vst v63  }
0x9b: {  	s15 =	rddreg [dreg:$0x1b]  }
0x9c: {  	[tilespmem:s15], [sflag:$0x1] =	stream.indirect_vreg.gather [hbm4b:s5+s2], $0x80, v20, vm0, $0xb8;
	[tilespmem:$0x12200] =	vst v63  }
0x9d: {  	v19 =	vperm.xlane v19, v6;
	s0 =	rddreg [dreg:$0x1c]  }
0x9e: {  	[tilespmem:s0], [sflag:$0x1] =	stream.indirect_vreg.gather [hbm4b:s6+s2], $0x80, v20, vm0, $0xb8;
	[tilespmem:$0x12200] =	vst v63  }
0x9f: {  	v19 =	vadd.s32 v5, v19;
	s15 =	simm.s32 $0xA880  }
0xa0: {  	[tilespmem:s15], [sflag:$0x1] =	stream.indirect_vreg.gather [hbm4b:s7+s2], $0x80, v20, vm0, $0xb8;
	[tilespmem:$0x12200] =	vst v63  }
0xa1: {  	_ = 	snop  }
0xa2: {  	[tilespmem:s16], [sflag:$0x1] =	stream.indirect_vreg.gather [hbm4b:s8+s2], $0x80, v20, vm1, $0xb8;
	[tilespmem:$0x12200] =	vst v63  }
0xa3: {  	_ = 	snop  }
0xa4: {  	[tilespmem:s17], [sflag:$0x1] =	stream.indirect_vreg.gather [hbm4b:s3+s2], $0x80, v19, vm0, $0xb8;
	[tilespmem:$0x12200] =	vst v63  }
0xa5: {  	_ = 	snop  }
0xa6: {  	[tilespmem:s18], [sflag:$0x1] =	stream.indirect_vreg.gather [hbm4b:s5+s2], $0x80, v19, vm0, $0xb8;
	[tilespmem:$0x12200] =	vst v63  }
0xa7: {  	_ = 	snop  }
0xa8: {  	[tilespmem:s19], [sflag:$0x1] =	stream.indirect_vreg.gather [hbm4b:s6+s2], $0x80, v19, vm0, $0xb8;
	[tilespmem:$0x12200] =	vst v63  }
0xa9: {  	_ = 	snop  }
0xaa: {  	[tilespmem:s20], [sflag:$0x1] =	stream.indirect_vreg.gather [hbm4b:s7+s2], $0x80, v19, vm0, $0xb8;
	[tilespmem:$0x12200] =	vst v63  }
0xab: {  	_ = 	snop  }
0xac: {  	[tilespmem:s21], [sflag:$0x1] =	stream.indirect_vreg.gather [hbm4b:s8+s2], $0x80, v19, vm1, $0xb8;
	[tilespmem:$0x12200] =	vst v63  }
0xad: {  	v19 =	vld [tilespmem:$0x30];
	_ =	sdelay $0x4  }
0xae: {  	v20 =	vshrl.u32 v19, $0x3  }
0xaf: {  	v20 =	vmul.u32 $0x48, v20  }
0xb0: {  	v19 =	vand.u32 $0x7, v19  }
0xb1: {  	v19 =	vor.u32 v19, v20  }
0xb2: {  	v20 =	vperm.xlane v19, v4;
	_ =	sdelay $0x1  }
0xb3: {  	v20 =	vadd.s32 v5, v20;
	_ =	sdelay $0x4  }
0xb4: {  	[tilespmem:s22], [sflag:$0x1] =	stream.indirect_vreg.gather [hbm4b:s3+s2], $0x80, v20, vm0, $0xb8;
	[tilespmem:$0x12200] =	vst v63  }
0xb5: {  	_ = 	snop  }
0xb6: {  	[tilespmem:s23], [sflag:$0x1] =	stream.indirect_vreg.gather [hbm4b:s5+s2], $0x80, v20, vm0, $0xb8;
	[tilespmem:$0x12200] =	vst v63  }
0xb7: {  	v19 =	vperm.xlane v19, v6  }
0xb8: {  	[tilespmem:s24], [sflag:$0x1] =	stream.indirect_vreg.gather [hbm4b:s6+s2], $0x80, v20, vm0, $0xb8;
	[tilespmem:$0x12200] =	vst v63  }
0xb9: {  	v19 =	vadd.s32 v5, v19  }
0xba: {  	[tilespmem:s25], [sflag:$0x1] =	stream.indirect_vreg.gather [hbm4b:s7+s2], $0x80, v20, vm0, $0xb8;
	[tilespmem:$0x12200] =	vst v63  }
0xbb: {  	_ = 	snop  }
0xbc: {  	[tilespmem:s26], [sflag:$0x1] =	stream.indirect_vreg.gather [hbm4b:s8+s2], $0x80, v20, vm1, $0xb8;
	[tilespmem:$0x12200] =	vst v63  }
0xbd: {  	_ = 	snop  }
0xbe: {  	[tilespmem:s28], [sflag:$0x1] =	stream.indirect_vreg.gather [hbm4b:s3+s2], $0x80, v19, vm0, $0xb8;
	[tilespmem:$0x12200] =	vst v63  }
0xbf: {  	_ = 	snop  }
0xc0: {  	[tilespmem:s29], [sflag:$0x1] =	stream.indirect_vreg.gather [hbm4b:s5+s2], $0x80, v19, vm0, $0xb8;
	[tilespmem:$0x12200] =	vst v63  }
0xc1: {  	_ = 	snop  }
0xc2: {  	[tilespmem:s30], [sflag:$0x1] =	stream.indirect_vreg.gather [hbm4b:s6+s2], $0x80, v19, vm0, $0xb8;
	[tilespmem:$0x12200] =	vst v63  }
0xc3: {  	_ = 	snop  }
0xc4: {  	[tilespmem:s31], [sflag:$0x1] =	stream.indirect_vreg.gather [hbm4b:s7+s2], $0x80, v19, vm0, $0xb8;
	[tilespmem:$0x12200] =	vst v63  }
0xc5: {  	_ = 	snop  }
0xc6: {  	[tilespmem:s1], [sflag:$0x1] =	stream.indirect_vreg.gather [hbm4b:s8+s2], $0x80, v19, vm1, $0xb8;
	[tilespmem:$0x12200] =	vst v63  }
0xc7: {  	_ =	swait.ge [sflag:s4], $0x12000  }
0xc8: {  	[sflag:s4] =	ssyncset.done $0x0  }
0xc9: {  	[sflag:s4] =	ssyncadd.s32 $0xFFFEE000  }
0xca: {  	v19 =	vld.idx.msk [tilespmem:v7+s14+$0x0], $0xffff  }
0xcb: {  	v20 =	vld.idx.msk [tilespmem:v0+s11+$0x0], $0xffff;
	_ =	sdelay $0x4  }
0xcc: {  	v19 =	vsub.f32 v19, v20;
	_ =	sdelay $0x1  }
0xcd: {  	[tilespmem:v7+s14+$0x0] =	vst.idx.msk $0xffff, v19  }
0xce: {  	v19 =	vld.idx.msk [tilespmem:v8+s14+$0x0], $0xffff  }
0xcf: {  	v20 =	vld.idx.msk [tilespmem:v0+s12+$0x0], $0xffff;
	_ =	sdelay $0x4  }
0xd0: {  	v19 =	vsub.f32 v19, v20;
	_ =	sdelay $0x1  }
0xd1: {  	[tilespmem:v8+s14+$0x0] =	vst.idx.msk $0xffff, v19  }
0xd2: {  	v19 =	vld.idx.msk [tilespmem:v9+s14+$0x0], $0xffff  }
0xd3: {  	v20 =	vld.idx.msk [tilespmem:v0+s13+$0x0], $0xffff;
	_ =	sdelay $0x4  }
0xd4: {  	v19 =	vsub.f32 v19, v20;
	_ =	sdelay $0x1  }
0xd5: {  	[tilespmem:v9+s14+$0x0] =	vst.idx.msk $0xffff, v19  }
0xd6: {  	v19 =	vld.idx.msk [tilespmem:v10+s14+$0x0], $0xffff  }
0xd7: {  	v20 =	vld.idx.msk [tilespmem:v1+s11+$0x0], $0xffff;
	_ =	sdelay $0x4  }
0xd8: {  	v19 =	vsub.f32 v19, v20;
	_ =	sdelay $0x1  }
0xd9: {  	[tilespmem:v10+s14+$0x0] =	vst.idx.msk $0xffff, v19  }
0xda: {  	v19 =	vld.idx.msk [tilespmem:v11+s14+$0x0], $0xffff  }
0xdb: {  	v20 =	vld.idx.msk [tilespmem:v1+s12+$0x0], $0xffff;
	_ =	sdelay $0x4  }
0xdc: {  	v19 =	vsub.f32 v19, v20;
	_ =	sdelay $0x1  }
0xdd: {  	[tilespmem:v11+s14+$0x0] =	vst.idx.msk $0xffff, v19  }
0xde: {  	v19 =	vld.idx.msk [tilespmem:v12+s14+$0x0], $0xffff  }
0xdf: {  	v20 =	vld.idx.msk [tilespmem:v1+s13+$0x0], $0xffff;
	_ =	sdelay $0x4  }
0xe0: {  	v19 =	vsub.f32 v19, v20;
	_ =	sdelay $0x1  }
0xe1: {  	[tilespmem:v12+s14+$0x0] =	vst.idx.msk $0xffff, v19  }
0xe2: {  	v19 =	vld.idx.msk [tilespmem:v13+s14+$0x0], $0xffff  }
0xe3: {  	v20 =	vld.idx.msk [tilespmem:v2+s11+$0x0], $0xffff;
	_ =	sdelay $0x4  }
0xe4: {  	v19 =	vsub.f32 v19, v20;
	_ =	sdelay $0x1  }
0xe5: {  	[tilespmem:v13+s14+$0x0] =	vst.idx.msk $0xffff, v19  }
0xe6: {  	v19 =	vld.idx.msk [tilespmem:v14+s14+$0x0], $0xffff  }
0xe7: {  	v20 =	vld.idx.msk [tilespmem:v2+s12+$0x0], $0xffff;
	_ =	sdelay $0x4  }
0xe8: {  	v19 =	vsub.f32 v19, v20;
	_ =	sdelay $0x1  }
0xe9: {  	[tilespmem:v14+s14+$0x0] =	vst.idx.msk $0xffff, v19  }
0xea: {  	v19 =	vld.idx.msk [tilespmem:v15+s14+$0x0], $0xffff  }
0xeb: {  	v20 =	vld.idx.msk [tilespmem:v2+s13+$0x0], $0xffff;
	_ =	sdelay $0x4  }
0xec: {  	v19 =	vsub.f32 v19, v20;
	_ =	sdelay $0x1  }
0xed: {  	[tilespmem:v15+s14+$0x0] =	vst.idx.msk $0xffff, v19  }
0xee: {  	v19 =	vld.idx.msk [tilespmem:v16+s14+$0x0], $0xffff  }
0xef: {  	v20 =	vld.idx.msk [tilespmem:v3+s11+$0x0], $0xffff;
	_ =	sdelay $0x4  }
0xf0: {  	v19 =	vsub.f32 v19, v20;
	_ =	sdelay $0x1  }
0xf1: {  	[tilespmem:v16+s14+$0x0] =	vst.idx.msk $0xffff, v19  }
0xf2: {  	v19 =	vld.idx.msk [tilespmem:v17+s14+$0x0], $0xffff  }
0xf3: {  	v20 =	vld.idx.msk [tilespmem:v3+s12+$0x0], $0xffff;
	_ =	sdelay $0x4  }
0xf4: {  	v19 =	vsub.f32 v19, v20;
	_ =	sdelay $0x1  }
0xf5: {  	[tilespmem:v17+s14+$0x0] =	vst.idx.msk $0xffff, v19  }
0xf6: {  	v19 =	vld.idx.msk [tilespmem:v18+s14+$0x0], $0xffff  }
0xf7: {  	v20 =	vld.idx.msk [tilespmem:v3+s13+$0x0], $0xffff;
	_ =	sdelay $0x4  }
0xf8: {  	v19 =	vsub.f32 v19, v20  }
0xf9: {  	p0 =	sne.s32 s9, $0x1  }
.Ltmp0:
0xfa: {  	s15 =	rddreg [dreg:$0x6];
	[tilespmem:v18+s14+$0x0] =	vst.idx.msk $0xffff, v19;
	(pc) =	sbr.rel @p0 .LBB2_1-.Ltmp0, $4  }
0xfb: {  	[hbm4b:s15+s2] =	stream.linear.scatter [tilespmem:s14], [sflag:$0x2], $0x12000, $0x38;
	[tilespmem:$0x12200] =	vst v63  }
0xfc: {  	_ =	swait.ge [sflag:s10], $0x12000  }
0xfd: {  	[sflag:s10] =	ssyncset.done $0x0  }
0xfe: {  	s9 =	sadd.s32 $0xFFFFFFFF, s9;
	[sflag:s10] =	ssyncadd.s32 $0xFFFEE000  }
0xff: {  	_ =	sfence.sel $0x180000  }
0x100: {  	[bflag:$0x0] =	sbarrier.arrive $0xFFFF  }
0x101: {  	_ =	strace $0x9000004A  }
0x102: {  	s0 =	stileid.u32;
	[bflag:$0x2] =	sbarrier.arrive $0xFFFF  }
0x103: {  	p0 =	sne.s32 s0, $0x0;
	s0 =	rddreg [dreg:$0x1]  }
0x104: {  	s0 =	sadd.s32 @!p0 $0x100000, s0  }
0x105: {  	[sflag:s0] =	ssyncadd.tile.s32 @!p0 $0x1;
	_ =	shalt  }
.Lfunc_end2:
_tile_overlayer_lowered:
.L_overlay_start_2:
0x106: {  	(tag) =	ssettag $0x2  }
0x107: {  	s0 =	rddreg [dreg:$0x0];
	s2 =	stileid.u32  }
0x108: {  	s1 =	rddreg [dreg:$0x1];
	p0 =	sne.s32 s2, $0x0  }
0x109: {  	s3 =	rddreg [dreg:$0x2];
	[bflag:$0x3] =	sbarrier.arrive $0xFFFF;
	s2 =	simm.s32 @!p0 $0x1C02  }
0x10a: {  	[timem:s3], [sflag:s2] =	dma.local @!p0 [hbm:s0], s1  }
0x10b: {  	s0 =	simm.s32 @!p0 $0x2  }
0x10c: {  	_ =	swait.ge @!p0 [sflag:s0], s1  }
0x10d: {  	s1 =	ssub.s32 @!p0 $0x0, s1;
	[sflag:s0] =	ssyncset.done @!p0 $0x0  }
0x10e: {  	[sflag:s0] =	ssyncadd.s32 @!p0 s1  }
0x10f: {  	[bflag:$0x3] =	sbarrier.arrive $0xFFFF  }
0x110: {  	_ =	shalt  }

// kernel: kernel.7.cloned.1.call-start
scs
__scs_entry_jumppad:
0x0: {  	(pc) =	sbr.rel $0x88, $3  }
0x1: {  	(tag) =	ssettag $0x0;
	lr =	simm.s32 $0x1  }
0x2: {  	[smem:$0x3F71] =	sst lr;
	_ =	strace $0xD0000000  }
0x3: {  	_ = 	snop  }
0x4: {  	_ = 	snop  }
0x5: {  	_ = 	snop  }
0x6: {  	_ = 	snop  }
0x7: {  	_ = 	snop  }
__scs_overlays_trampoline_lowered:
0x8: {  	[smem:$0x3F80] =	sst s0  }
0x9: {  	[smem:$0x3F81] =	sst s1  }
0xa: {  	[smem:$0x3F82] =	sst s2  }
0xb: {  	[smem:$0x3F83] =	sst s3  }
0xc: {  	[smem:$0x3F84] =	sst s4  }
0xd: {  	[smem:$0x3F85] =	sst s5  }
0xe: {  	[smem:$0x3F86] =	sst s6  }
0xf: {  	[smem:$0x3F87] =	sst s7  }
0x10: {  	[smem:$0x3F88] =	sst s8  }
0x11: {  	[smem:$0x3F89] =	sst s9;
	s0 =	simm.s32 @!p0 $0x0  }
0x12: {  	s1 =	sld [smem:$0x3F6F];
	s0 =	simm.s32 @p0 $0x1  }
0x13: {  	[smem:$0x3F8A] =	sst s0;
	s0 =	simm.s32 @!p1 $0x0  }
0x14: {  	s2 =	sld [smem:$0x3F6E];
	s0 =	simm.s32 @p1 $0x1  }
0x15: {  	[smem:$0x3F8B] =	sst s0;
	s0 =	simm.s32 @!p2 $0x0  }
0x16: {  	s3 =	sld [smem:$0x3FDB];
	s0 =	simm.s32 @p2 $0x1  }
0x17: {  	s4 =	simm.s32 $0x1BF5;
	[smem:$0x3F8D] =	sst s0  }
0x18: {  	s0 =	sld [smem:$0x3F70];
	_ =	swait.ge [sflag:s4], $0x0  }
0x19: {  	s7 =	sld [smem:$0x3F71]  }
0x1a: {  	s8 =	sadd.s32 $0xFFFFE003, lr  }
0x1b: {  	s9 =	sadd.s32 $0xFFFFFEF7, lr;
	s5 =	simm.s32 $0xFFFFFFFF;
	p2 =	slt.u32 s8, $0xFFFFF086  }
0x1c: {  	p1 =	slt.u32 s9, $0xF7A;
	s5 =	simm.s32 @!p2 $0x0  }
0x1d: {  	s5 =	simm.s32 @p1 $0x1;
	p0 =	seq.s32 s7, s2  }
0x1e: {  	s7 =	smul.u32 @!p0 $0xF7A, s2;
	p2 =	seq.s32 @!p0 s5, $0x0  }
0x1f: {  	s9 =	smul.u32 $0xF7A, s1;
	s8 =	simm.s32 @!p0 $0x1BF5;
	p2 =	por !p2, p0  }
0x20: {  	[sflag:s8] =	ssyncset.s32 @!p0 $0xFFFFF086;
	s6 =	sadd.s32 @!p0 s3, s7;
	s7 =	simm.s32 @!p0 $0x108  }
0x21: {  	s3 =	sadd.s32 s3, s9;
	s6 =	sadd.s32 @!p0 $0x88, s6;
	s7 =	simm.s32 @p2 $0x1082  }
0x22: {  	[simem:s7], [sflag:s8] =	dma.local @!p0 [hbm:s6], $0xF7A  }
0x23: {  	s9 =	sor.u32 $0xD0000000, s2;
	s6 =	simm.s32 $0x108;
	_ =	swait.ge @!p0 [sflag:s8], $0x0  }
0x24: {  	s3 =	sadd.s32 $0x88, s3;
	s6 =	simm.s32 @!p1 $0x1082;
	[sflag:s4] =	ssyncset.s32 $0xFFFFF086  }
0x25: {  	[simem:s6], [sflag:s4] =	dma.local [hbm:s3], $0xF7A  }
0x26: {  	[smem:$0x3F71] =	sst s1;
	(tag) =	ssettag s2;
	_ =	strace s9  }
0x27: {  	s1 =	sld [smem:$0x3F81]  }
0x28: {  	s2 =	sld [smem:$0x3F82]  }
0x29: {  	s4 =	sld [smem:$0x3F84]  }
0x2a: {  	p0 =	seq.s32 s5, $0x0;
	s5 =	sld [smem:$0x3F85]  }
0x2b: {  	s6 =	sld [smem:$0x3F86]  }
0x2c: {  	s7 =	sld [smem:$0x3F87]  }
0x2d: {  	s3 =	simm.s32 $0x108;
	s8 =	sld [smem:$0x3F88]  }
0x2e: {  	s3 =	simm.s32 @!p0 $0x1082;
	s9 =	sld [smem:$0x3F89]  }
0x2f: {  	lr =	sadd.s32 s0, s3;
	s0 =	sld [smem:$0x3F80]  }
0x30: {  	s3 =	sld [smem:$0x3F83]  }
0x31: {  	[smem:$0x3F8C] =	sst s10  }
0x32: {  	s10 =	sld [smem:$0x3F8A];
	_ =	sdelay $0x3  }
0x33: {  	p0 =	seq.s32 s10, $0x1;
	s10 =	sld [smem:$0x3F8C];
	_ =	sdelay $0x3  }
0x34: {  	[smem:$0x3F8C] =	sst s10  }
0x35: {  	s10 =	sld [smem:$0x3F8B];
	_ =	sdelay $0x3  }
0x36: {  	p1 =	seq.s32 s10, $0x1;
	s10 =	sld [smem:$0x3F8C];
	_ =	sdelay $0x3  }
0x37: {  	[smem:$0x3F8C] =	sst s10  }
0x38: {  	s10 =	sld [smem:$0x3F8D]  }
0x39: {  	_ = 	snop;
	(pc) =	sbr.ind lr, $3  }
0x3a: {  	_ = 	snop  }
0x3b: {  	_ = 	snop  }
0x3c: {  	p2 =	seq.s32 s10, $0x1;
	s10 =	sld [smem:$0x3F8C]  }
0x3d: {  	_ =	shalt  }
0x3e: {  	_ =	shalt  }
0x3f: {  	_ =	shalt  }
0x40: {  	_ =	shalt  }
0x41: {  	_ =	shalt  }
0x42: {  	_ =	shalt  }
0x43: {  	_ =	shalt  }
0x44: {  	_ =	shalt  }
0x45: {  	_ =	shalt  }
0x46: {  	_ =	shalt  }
0x47: {  	_ =	shalt  }
0x48: {  	_ =	shalt  }
0x49: {  	_ =	shalt  }
0x4a: {  	_ =	shalt  }
0x4b: {  	_ =	shalt  }
0x4c: {  	_ =	shalt  }
0x4d: {  	_ =	shalt  }
0x4e: {  	_ =	shalt  }
0x4f: {  	_ =	shalt  }
0x50: {  	_ =	shalt  }
0x51: {  	_ =	shalt  }
0x52: {  	_ =	shalt  }
0x53: {  	_ =	shalt  }
0x54: {  	_ =	shalt  }
0x55: {  	_ =	shalt  }
0x56: {  	_ =	shalt  }
0x57: {  	_ =	shalt  }
0x58: {  	_ =	shalt  }
0x59: {  	_ =	shalt  }
0x5a: {  	_ =	shalt  }
0x5b: {  	_ =	shalt  }
0x5c: {  	_ =	shalt  }
0x5d: {  	_ =	shalt  }
0x5e: {  	_ =	shalt  }
0x5f: {  	_ =	shalt  }
0x60: {  	_ =	shalt  }
0x61: {  	_ =	shalt  }
0x62: {  	_ =	shalt  }
0x63: {  	_ =	shalt  }
0x64: {  	_ =	shalt  }
0x65: {  	_ =	shalt  }
0x66: {  	_ =	shalt  }
0x67: {  	_ =	shalt  }
0x68: {  	_ =	shalt  }
0x69: {  	_ =	shalt  }
0x6a: {  	_ =	shalt  }
0x6b: {  	_ =	shalt  }
0x6c: {  	_ =	shalt  }
0x6d: {  	_ =	shalt  }
0x6e: {  	_ =	shalt  }
0x6f: {  	_ =	shalt  }
0x70: {  	_ =	shalt  }
0x71: {  	_ =	shalt  }
0x72: {  	_ =	shalt  }
0x73: {  	_ =	shalt  }
0x74: {  	_ =	shalt  }
0x75: {  	_ =	shalt  }
0x76: {  	_ =	shalt  }
0x77: {  	_ =	shalt  }
0x78: {  	_ =	shalt  }
0x79: {  	_ =	shalt  }
0x7a: {  	_ =	shalt  }
0x7b: {  	_ =	shalt  }
0x7c: {  	_ =	shalt  }
0x7d: {  	_ =	shalt  }
0x7e: {  	_ =	shalt  }
0x7f: {  	_ =	shalt  }
0x80: {  	_ =	shalt  }
0x81: {  	_ =	shalt  }
0x82: {  	_ =	shalt  }
0x83: {  	_ =	shalt  }
0x84: {  	_ =	shalt  }
0x85: {  	_ =	shalt  }
0x86: {  	_ =	shalt  }
0x87: {  	_ =	shalt  }
.Lfunc_end0:
.L_simem_size_0:
called_computation_lowered:
.L_overlay_start_0:
0x88: {  	s2 =	sld [smem:$0x3FD9]  }
0x89: {  	s3 =	sld [smem:$0x3FFE];
	_ =	sdelay $0x1  }
0x8a: {  	s1 =	srdreg.scid  }
0x8b: {  	s0 =	sand.u32 $0x1, s1  }
0x8c: {  	s16 =	sshll.u32 s0, $0xA;
	s2 =	sadd.s32 s3, s2  }
0x8d: {  	s2 =	sadd.s32 s2, s16  }
0x8e: {  	[smem:$0x3F98] =	sst s2  }
0x8f: {  	_ = 	snop  }
0x90: {  	(tm) =	ssettm $0x1  }
0x91: {  	s17 =	sld [smem:$0x3FFB];
	_ =	sdelay $0x3  }
0x92: {  	_ =	strace s17  }
0x93: {  	s2 =	sld [smem:$0x3FFC];
	_ =	sdelay $0x3  }
0x94: {  	_ =	strace s2  }
0x95: {  	s2 =	sld [smem:$0x3FFD];
	_ =	sdelay $0x3  }
0x96: {  	_ =	strace s2  }
0x97: {  	_ =	strace $0x8FFFFFFF  }
0x98: {  	s18 =	sld [smem:$0x3FDB];
	_ =	sdelay $0x1  }
0x99: {  	s19 =	simm.s32 $_scs_section_size  }
0x9a: {  	s4 =	simm.s32 $_size__tile_overlayer_lowered;
	s5 =	simm.s32 $_tile_overlayer_lowered  }
0x9b: {  	s22 =	simm.s32 $0x1BFF;
	s21 =	sshll.u32 s5, $0x1;
	s2 =	sadd.s32 s19, s18  }
0x9c: {  	s6 =	simm.s32 $0x0;
	s20 =	sshll.u32 s4, $0x1;
	s4 =	sadd.s32 s21, s2  }
0x9d: {  	[timem:s6], [sflag:s22] =	dma.local [hbm:s4], s20  }
0x9e: {  	_ =	swait.ge [sflag:s22], s20  }
0x9f: {  	s3 =	ssub.s32 $0x0, s20;
	[sflag:s22] =	ssyncset.done $0x0  }
0xa0: {  	[sflag:s22] =	ssyncadd.s32 s3;
	_ =	sdelay $0x1  }
0xa1: {  	s23 =	simm.s32 $0x1B8B  }
0xa2: {  	_ =	swait.ge [sflag:s23], $0x1  }
0xa3: {  	[sflag:s23] =	ssyncset.done $0x0  }
0xa4: {  	s25 =	simm.s32 $0x1B8E;
	s24 =	sld [smem:$0x3FFE];
	[sflag:s23] =	ssyncadd.s32 $0xFFFFFFFF  }
0xa5: {  	s26 =	simm.s32 $execute0_lowered;
	[smem:$0x3FD2] =	sst s25  }
0xa6: {  	s4 =	sshll.u32 s26, $0x1;
	_ =	strace $0x80000046;
	[dreg:$0x1] =	wrdreg $0xFFFFFFFF  }
0xa7: {  	s28 =	simm.s32 $_size_execute0_lowered;
	s2 =	sadd.s32 s2, s4;
	[dreg:$0x0] =	wrdreg $0x0  }
0xa8: {  	s4 =	sshll.u32 s28, $0x1;
	[dreg:$0x2] =	wrdreg s2  }
0xa9: {  	[dreg:$0x3] =	wrdreg s4  }
0xaa: {  	[dreg:$0x4] =	wrdreg $0xC0  }
0xab: {  	_ =	task [dreg:s6], $0x5FFFF  }
0xac: {  	[dreg:$0x1] =	wrdreg $0xFFFFFFFF  }
0xad: {  	[dreg:$0x0] =	wrdreg $0x60  }
0xae: {  	[dreg:$0x2] =	wrdreg s24  }
0xaf: {  	[dreg:$0x3] =	wrdreg $0x65000  }
0xb0: {  	[dreg:$0x4] =	wrdreg $0x9  }
0xb1: {  	_ =	task.clear_ibuf [dreg:s6], $0x5FFFF;
	_ =	strace $0x90000046  }
0xb2: {  	s29 =	simm.s32 $0x9;
	_ =	strace $0x80000048  }
0xb3: {  	_ =	swait.ge [sflag:s29], $0x1  }
0xb4: {  	[sflag:s29] =	ssyncadd.s32 $0xFFFFFFFF  }
0xb5: {  	_ =	strace $0x90000048  }
0xb6: {  	_ =	sfence  }
0xb7: {  	s30 =	sld [smem:$0x0];
	_ =	sdelay $0x2  }
0xb8: {  	s31 =	sshll.u32 s1, $0xD;
	s1 =	sshrl.u32 s1, $0x2  }
0xb9: {  	s3 =	sand.u32 $0x4000, s31;
	s1 =	sadd.s32 s1, s30  }
0xba: {  	s0 =	sor.u32 s3, s0;
	s1 =	sshll.u32 s1, $0x11  }
0xbb: {  	s0 =	sor.u32 s1, s0  }
0xbc: {  	s0 =	sadd.s32 $0x8F2B, s0  }
0xbd: {  	[sflag:s0] =	ssyncadd.remote.s32 $0x1  }
0xbe: {  	_ =	sfence.sel $0xFFFF  }
0xbf: {  	[dreg:$0x0] =	wrdreg $0xFFFFFFFF;
	(pc) =	sbr.abs _section_cstart, $3  }
0xc0: {  	[dreg:$0x1] =	wrdreg $0xFFFFFFFF  }
0xc1: {  	_ =	task.clear_ibuf [dreg:s6], $0x2FFFF;
	_ =	strace $0x9FFFFFFF  }
0xc2: {  	(tm) =	ssettm $0x7FFFFFFF  }
0xc3: {  	_ =	shalt  }
tec
execute0_lowered:
.L_overlay_start_1:
0x0: {  	(tag) =	ssettag $0x1  }
0x1: {  	s0 =	srdreg.scid  }
0x2: {  	s20 =	stileid.u32;
	s5 =	rddreg [dreg:$0x0]  }
0x3: {  	s7 =	simm.s32 $0x1;
	s3 =	simm.s32 $0x0;
	s28 =	simm.s32 $0x2080  }
0x4: {  	s29 =	simm.s32 $0x2100;
	s30 =	simm.s32 $0x2180;
	s31 =	simm.s32 $0x2200  }
0x5: {  	s1 =	sand.u32 $0x1, s0;
	s6 =	sand.u32 $0x1, s20;
	[smem:$0x7FF] =	sst s3  }
0x6: {  	s10 =	sadd.s32 $0x8200, s5;
	s22 =	sadd.s32 $0xB200, s5;
	s2 =	sshll.u32 s1, $0x4  }
0x7: {  	p1 =	seq.s32 s6, $0x1;
	s9 =	sshll.u32 s6, $0xE;
	s1 =	ssub.s32 $0x2, s1  }
0x8: {  	s17 =	sshll.u32 s6, $0xA;
	s4 =	sor.u32 s20, s2;
	s2 =	rddreg [dreg:$0x1]  }
0x9: {  	_ =	strace $0x80000047;
	p0 =	seq.s32 s4, $0x0;
	s4 =	sshrl.u32 s4, $0x1  }
0xa: {  	[dreg:$0x3] =	wrdreg s22;
	p0 =	por !p0, !p1;
	s23 =	sshll.u32 s4, $0x4  }
0xb: {  	s13 =	sshrl.u32 s1, $0x1;
	p0 =	por !p0, !p0;
	s15 =	sadd.s32 s23, s5  }
0xc: {  	s1 =	ssub.s32 s1, s13;
	s7 =	simm.s32 @!p0 $0x0;
	s22 =	sadd.s32 $0x9B400, s15  }
0xd: {  	p0 =	sne.s32 s6, $0x0;
	s15 =	simm.s32 $0x6480;
	s7 =	ssub.s32 s4, s7  }
0xe: {  	s4 =	sshll.u32 s4, $0x5;
	[dreg:$0xb] =	wrdreg s22;
	s21 =	smul.u32 $0x60, s7  }
0xf: {  	s22 =	simm.s32 $0x2;
	s8 =	sshll.u32 s7, $0xF;
	s11 =	smul.u32 $0x30, s7  }
0x10: {  	s14 =	smul.u32 $0x1800, s7;
	s7 =	sshll.u32 s7, $0xB;
	s8 =	sor.u32 s9, s8  }
0x11: {  	v2 =	vmov s4;
	s4 =	simm.s32 $0x0;
	s8 =	sshrl.u32 s8, $0x3;
	s9 =	sshrl.u32 s21, $0x3  }
0x12: {  	s11 =	sshrl.u32 s11, $0x3;
	s24 =	sshrl.u32 s14, $0x3;
	s25 =	sadd.s32 $0x800, s14  }
0x13: {  	s26 =	sadd.s32 $0x1000, s14;
	s8 =	sadd.s32 s8, s5;
	s12 =	sadd.s32 s9, s5  }
0x14: {  	s5 =	sadd.s32 s11, s5;
	s9 =	sadd.s32 s10, s24;
	s11 =	sshrl.u32 s25, $0x3  }
0x15: {  	s13 =	sshrl.u32 s26, $0x3;
	s26 =	smax.u32 s1, $0x1;
	[dreg:$0x4] =	wrdreg s9  }
0x16: {  	s1 =	simm.s32 $0x2280;
	s14 =	sadd.s32 s10, s11;
	[dreg:$0xf] =	wrdreg s26  }
0x17: {  	s16 =	sadd.s32 s10, s13;
	s9 =	sshll.u32 s6, $0x4;
	[dreg:$0x5] =	wrdreg s14  }
0x18: {  	s18 =	sadd.s32 $0x8B400, s8;
	s19 =	sadd.s32 $0x8B200, s12;
	[dreg:$0x6] =	wrdreg s16  }
0x19: {  	s20 =	sadd.s32 $0x8B204, s12;
	s21 =	sadd.s32 $0x8B208, s12;
	[dreg:$0x7] =	wrdreg s18  }
0x1a: {  	s23 =	sadd.s32 $0x9B600, s5;
	s24 =	sadd.s32 $0x9B602, s5;
	[dreg:$0x8] =	wrdreg s19  }
0x1b: {  	s25 =	sadd.s32 $0x9B604, s5;
	s5 =	sor.u32 $0x20, s17;
	[dreg:$0x9] =	wrdreg s20  }
.Ltmp0:
0x1c: {  	s10 =	sor.u32 $0x1020, s17;
	[dreg:$0xa] =	wrdreg s21;
	(pc) =	sbr.rel .LBB2_1-.Ltmp0, $4  }
0x1d: {  	v3 =	vimm.f32 $1.000000000e+10;
	s26 =	simm.s32 $0x6520;
	s11 =	simm.s32 $0x2300;
	[dreg:$0xc] =	wrdreg s23  }
0x1e: {  	v4 =	vlaneseq.u32;
	vm0 =	vcmask $0x704;
	vm1 =	vmmov $0x1;
	s12 =	simm.s32 $0x6300;
	s13 =	simm.s32 $0x6380;
	[dreg:$0xd] =	wrdreg s24  }
0x1f: {  	v6 =	vor.u32 $0x80000000, v4;
	v7 =	vor.u32 $0x80000010, v4;
	v8 =	vor.u32 $0x10, v4;
	[dreg:$0xe] =	wrdreg s25;
	s18 =	sor.u32 $0x820, s17;
	s23 =	simm.s32 $0x800  }
0x20: {  	v0 =	vmov s17;
	v1 =	vmov s7;
	s24 =	simm.s32 $0x1000;
	s25 =	simm.s32 $0x2000;
	v5 =	vmov s9;
	s14 =	simm.s32 $0x6400  }
.LBB2_17:
0x21: {  	s4 =	sadd.s32 $0x1, s4;
	s0 =	rddreg [dreg:$0xf]  }
0x22: {  	p1 =	sne.s32 s4, s0  }
.Ltmp1:
0x23: {  	_ = 	snop;
	(pc) =	sbr.rel @!p1 .LBB2_18-.Ltmp1, $1  }
0x24: {  	_ =	sdelay $0x3  }
.LBB2_1:
0x25: {  	[dreg:$0x10] =	wrdreg s4  }
0x26: {  	s0 =	rddreg [dreg:$0x4]  }
0x27: {  	[tilespmem:s3], [sflag:$0x2] =	stream.linear.gather [hbm4b:s0+s3], $0x800, $0x38;
	[tilespmem:$0x65A0] =	vst v63  }
0x28: {  	_ =	swait.ge [sflag:s22], $0x800  }
0x29: {  	[sflag:s22] =	ssyncset.done $0x0  }
0x2a: {  	s20 =	rddreg [dreg:$0x5];
	[sflag:s22] =	ssyncadd.s32 $0xFFFFF800  }
0x2b: {  	[tilespmem:s23], [sflag:$0x2] =	stream.linear.gather [hbm4b:s20+s3], $0x800, $0x38;
	[tilespmem:$0x65A0] =	vst v63  }
0x2c: {  	_ =	swait.ge [sflag:s22], $0x800  }
0x2d: {  	[sflag:s22] =	ssyncset.done $0x0  }
0x2e: {  	s21 =	rddreg [dreg:$0x6];
	[sflag:s22] =	ssyncadd.s32 $0xFFFFF800  }
0x2f: {  	[tilespmem:s24], [sflag:$0x2] =	stream.linear.gather [hbm4b:s21+s3], $0x800, $0x38;
	[tilespmem:$0x65A0] =	vst v63  }
0x30: {  	_ =	swait.ge [sflag:s22], $0x800  }
0x31: {  	[sflag:s22] =	ssyncset.done $0x0  }
0x32: {  	[sflag:s22] =	ssyncadd.s32 $0xFFFFF800  }
0x33: {  	[tilespmem:$0x1800] =	vst v3  }
0x34: {  	[tilespmem:$0x1810] =	vst v3  }
0x35: {  	[tilespmem:$0x1820] =	vst v3  }
0x36: {  	[tilespmem:$0x1830] =	vst v3  }
0x37: {  	[tilespmem:$0x1840] =	vst v3  }
0x38: {  	[tilespmem:$0x1850] =	vst v3  }
0x39: {  	[tilespmem:$0x1860] =	vst v3  }
0x3a: {  	[tilespmem:$0x1870] =	vst v3  }
0x3b: {  	[tilespmem:$0x1880] =	vst v3  }
0x3c: {  	[tilespmem:$0x1890] =	vst v3  }
0x3d: {  	[tilespmem:$0x18A0] =	vst v3  }
0x3e: {  	[tilespmem:$0x18B0] =	vst v3  }
0x3f: {  	[tilespmem:$0x18C0] =	vst v3  }
0x40: {  	[tilespmem:$0x18D0] =	vst v3  }
0x41: {  	[tilespmem:$0x18E0] =	vst v3  }
0x42: {  	[tilespmem:$0x18F0] =	vst v3  }
0x43: {  	[tilespmem:$0x1900] =	vst v3  }
0x44: {  	[tilespmem:$0x1910] =	vst v3  }
0x45: {  	[tilespmem:$0x1920] =	vst v3  }
0x46: {  	[tilespmem:$0x1930] =	vst v3  }
0x47: {  	[tilespmem:$0x1940] =	vst v3  }
0x48: {  	[tilespmem:$0x1950] =	vst v3  }
0x49: {  	[tilespmem:$0x1960] =	vst v3  }
0x4a: {  	[tilespmem:$0x1970] =	vst v3  }
0x4b: {  	[tilespmem:$0x1980] =	vst v3  }
0x4c: {  	[tilespmem:$0x1990] =	vst v3  }
0x4d: {  	[tilespmem:$0x19A0] =	vst v3  }
0x4e: {  	[tilespmem:$0x19B0] =	vst v3  }
0x4f: {  	[tilespmem:$0x19C0] =	vst v3  }
0x50: {  	[tilespmem:$0x19D0] =	vst v3  }
0x51: {  	[tilespmem:$0x19E0] =	vst v3  }
0x52: {  	[tilespmem:$0x19F0] =	vst v3  }
0x53: {  	[tilespmem:$0x1A00] =	vst v3  }
0x54: {  	[tilespmem:$0x1A10] =	vst v3  }
0x55: {  	[tilespmem:$0x1A20] =	vst v3  }
0x56: {  	[tilespmem:$0x1A30] =	vst v3  }
0x57: {  	[tilespmem:$0x1A40] =	vst v3  }
0x58: {  	[tilespmem:$0x1A50] =	vst v3  }
0x59: {  	[tilespmem:$0x1A60] =	vst v3  }
0x5a: {  	[tilespmem:$0x1A70] =	vst v3  }
0x5b: {  	[tilespmem:$0x1A80] =	vst v3  }
0x5c: {  	[tilespmem:$0x1A90] =	vst v3  }
0x5d: {  	[tilespmem:$0x1AA0] =	vst v3  }
0x5e: {  	[tilespmem:$0x1AB0] =	vst v3  }
0x5f: {  	[tilespmem:$0x1AC0] =	vst v3  }
0x60: {  	[tilespmem:$0x1AD0] =	vst v3  }
0x61: {  	[tilespmem:$0x1AE0] =	vst v3  }
0x62: {  	[tilespmem:$0x1AF0] =	vst v3  }
0x63: {  	[tilespmem:$0x1B00] =	vst v3  }
0x64: {  	[tilespmem:$0x1B10] =	vst v3  }
0x65: {  	[tilespmem:$0x1B20] =	vst v3  }
0x66: {  	[tilespmem:$0x1B30] =	vst v3  }
0x67: {  	[tilespmem:$0x1B40] =	vst v3  }
0x68: {  	[tilespmem:$0x1B50] =	vst v3  }
0x69: {  	[tilespmem:$0x1B60] =	vst v3  }
0x6a: {  	[tilespmem:$0x1B70] =	vst v3  }
0x6b: {  	[tilespmem:$0x1B80] =	vst v3  }
0x6c: {  	[tilespmem:$0x1B90] =	vst v3  }
0x6d: {  	[tilespmem:$0x1BA0] =	vst v3  }
0x6e: {  	[tilespmem:$0x1BB0] =	vst v3  }
0x6f: {  	[tilespmem:$0x1BC0] =	vst v3  }
0x70: {  	[tilespmem:$0x1BD0] =	vst v3  }
0x71: {  	[tilespmem:$0x1BE0] =	vst v3  }
0x72: {  	s6 =	simm.s32 $0x0;
	s17 =	simm.s32 $0x0;
	[tilespmem:$0x1BF0] =	vst v3  }
.LBB2_2:
0x73: {  	v9 =	vmov s17  }
0x74: {  	v11 =	vmov s6;
	_ =	sdelay $0x3  }
0x75: {  	[tilespmem:v9+s25+$0x0] =	vst.idx.msk $0x1, v11  }
0x76: {  	v9 =	vld.idx.msk [tilespmem:v11+s3+$0x0], $0xffff  }
0x77: {  	v10 =	vld.idx.msk [tilespmem:v11+s23+$0x0], $0xffff  }
0x78: {  	v12 =	vld [tilespmem:s5+$0xFFFFFFE0]  }
0x79: {  	v13 =	vld [tilespmem:s18+$0xFFFFFFE0]  }
0x7a: {  	v11 =	vld.idx.msk [tilespmem:v11+s24+$0x0], $0xffff  }
0x7b: {  	v14 =	vld [tilespmem:s10+$0xFFFFFFE0];
	_ =	sdelay $0x2  }
0x7c: {  	v12 =	vsub.f32 v12, v9;
	v13 =	vsub.f32 v13, v10;
	_ =	sdelay $0x1  }
0x7d: {  	s4 =	simm.s32 $0x1820;
	v14 =	vsub.f32 v14, v11;
	v12 =	vmul.f32 v12, v12;
	v13 =	vmul.f32 v13, v13  }
0x7e: {  	v15 =	vld [tilespmem:s4+$0xFFFFFFE0]  }
0x7f: {  	v12 =	vadd.f32 v13, v12;
	v13 =	vmul.f32 v14, v14;
	_ =	sdelay $0x1  }
0x80: {  	v12 =	vadd.f32 v13, v12;
	_ =	sdelay $0x1  }
0x81: {  	v12 =	vmin.f32 v15, v12  }
0x82: {  	[tilespmem:s4+$0xFFFFFFE0] =	vst v12  }
0x83: {  	v13 =	vld [tilespmem:s5+$0xFFFFFFF0]  }
0x84: {  	v14 =	vld [tilespmem:s18+$0xFFFFFFF0];
	_ =	sdelay $0x1  }
0x85: {  	v15 =	vld [tilespmem:s10+$0xFFFFFFF0];
	_ =	sdelay $0x2  }
0x86: {  	v13 =	vsub.f32 v13, v9;
	v14 =	vsub.f32 v14, v10;
	_ =	sdelay $0x1  }
0x87: {  	v15 =	vsub.f32 v15, v11;
	v13 =	vmul.f32 v13, v13;
	v14 =	vmul.f32 v14, v14  }
0x88: {  	v16 =	vld [tilespmem:s4+$0xFFFFFFF0]  }
0x89: {  	v13 =	vadd.f32 v14, v13;
	v14 =	vmul.f32 v15, v15;
	_ =	sdelay $0x1  }
0x8a: {  	v13 =	vadd.f32 v14, v13;
	_ =	sdelay $0x1  }
0x8b: {  	v14 =	vmin.f32 v16, v13  }
0x8c: {  	[tilespmem:s4+$0xFFFFFFF0] =	vst v14  }
0x8d: {  	v13 =	vld [tilespmem:s5+$0x0]  }
0x8e: {  	v15 =	vld [tilespmem:s18+$0x0];
	_ =	sdelay $0x1  }
0x8f: {  	v16 =	vld [tilespmem:s10+$0x0];
	_ =	sdelay $0x2  }
0x90: {  	v13 =	vsub.f32 v13, v9;
	v15 =	vsub.f32 v15, v10;
	_ =	sdelay $0x1  }
0x91: {  	v16 =	vsub.f32 v16, v11;
	v13 =	vmul.f32 v13, v13;
	v15 =	vmul.f32 v15, v15  }
0x92: {  	v17 =	vld [tilespmem:s4+$0x0]  }
0x93: {  	v13 =	vadd.f32 v15, v13;
	v15 =	vmul.f32 v16, v16;
	_ =	sdelay $0x1  }
0x94: {  	v13 =	vadd.f32 v15, v13;
	_ =	sdelay $0x1  }
0x95: {  	v13 =	vmin.f32 v17, v13  }
0x96: {  	v15 =	vimm.f32 $-Inf;
	[tilespmem:s4+$0x0] =	vst v13  }
0x97: {  	vm2 =	vgt.f32 v12, v15;
	v17 =	vld [tilespmem:s5+$0x10]  }
0x98: {  	v12 =	vsel vm2, v12, v15;
	v15 =	vld [tilespmem:s18+$0x10]  }
0x99: {  	vm3 =	vgt.f32 v14, v12;
	v16 =	vld [tilespmem:s10+$0x10]  }
0x9a: {  	s6 =	simm.s32 $0x3;
	s7 =	simm.s32 $0x7;
	s8 =	simm.s32 $0x1860;
	v14 =	vsel vm3, v14, v12  }
0x9b: {  	s20 =	smov.u32 s10;
	s21 =	smov.u32 s18;
	s19 =	smov.u32 s5;
	v12 =	vimm.s32 $0x0;
	vm4 =	vgt.f32 v13, v14  }
.LBB2_3:
0x9c: {  	v17 =	vsub.f32 v17, v9;
	s20 =	sadd.s32 $0x40, s20;
	s21 =	sadd.s32 $0x40, s21;
	s19 =	sadd.s32 $0x40, s19  }
0x9d: {  	p1 =	sne.s32 s7, $0x3F;
	s16 =	smov.u32 s7;
	s7 =	sadd.s32 $0x4, s7;
	v15 =	vsub.f32 v15, v10  }
0x9e: {  	v17 =	vmul.f32 v17, v17;
	v16 =	vsub.f32 v16, v11  }
0x9f: {  	v15 =	vmul.f32 v15, v15;
	v18 =	vld [tilespmem:s4+$0x10]  }
0xa0: {  	v16 =	vmul.f32 v16, v16  }
0xa1: {  	v15 =	vadd.f32 v15, v17  }
0xa2: {  	s0 =	sadd.s32 $0xFFFFFFFD, s6  }
0xa3: {  	v12 =	vsel vm2, s0, v12;
	s0 =	sadd.s32 $0xFFFFFFFE, s6;
	v15 =	vadd.f32 v16, v15  }
0xa4: {  	v13 =	vsel vm4, v13, v14;
	v12 =	vsel vm3, s0, v12;
	s0 =	sadd.s32 $0xFFFFFFFF, s6  }
0xa5: {  	v12 =	vsel vm4, s0, v12;
	v14 =	vmin.f32 v18, v15  }
0xa6: {  	[tilespmem:s4+$0x10] =	vst v14;
	vm2 =	vgt.f32 v14, v13;
	s4 =	smov.u32 s8  }
0xa7: {  	v15 =	vld [tilespmem:s19+$0xFFFFFFE0];
	v13 =	vsel vm2, v14, v13;
	v12 =	vsel vm2, s6, v12;
	s6 =	smov.u32 s16  }
0xa8: {  	v14 =	vld [tilespmem:s21+$0xFFFFFFE0];
	_ =	sdelay $0x1  }
0xa9: {  	v16 =	vld [tilespmem:s20+$0xFFFFFFE0];
	_ =	sdelay $0x2  }
0xaa: {  	v15 =	vsub.f32 v15, v9;
	v14 =	vsub.f32 v14, v10;
	_ =	sdelay $0x1  }
0xab: {  	v15 =	vmul.f32 v15, v15;
	v14 =	vmul.f32 v14, v14;
	v16 =	vsub.f32 v16, v11  }
0xac: {  	v17 =	vld [tilespmem:s8+$0xFFFFFFE0]  }
0xad: {  	v14 =	vadd.f32 v14, v15;
	v15 =	vmul.f32 v16, v16;
	_ =	sdelay $0x1  }
0xae: {  	v14 =	vadd.f32 v15, v14;
	_ =	sdelay $0x1  }
0xaf: {  	v14 =	vmin.f32 v17, v14  }
0xb0: {  	[tilespmem:s8+$0xFFFFFFE0] =	vst v14;
	vm2 =	vgt.f32 v14, v13  }
0xb1: {  	v15 =	vld [tilespmem:s19+$0xFFFFFFF0]  }
0xb2: {  	v16 =	vld [tilespmem:s21+$0xFFFFFFF0];
	_ =	sdelay $0x1  }
0xb3: {  	v17 =	vld [tilespmem:s20+$0xFFFFFFF0];
	_ =	sdelay $0x1  }
0xb4: {  	v15 =	vsub.f32 v15, v9  }
0xb5: {  	v16 =	vsub.f32 v16, v10;
	_ =	sdelay $0x1  }
0xb6: {  	v15 =	vmul.f32 v15, v15;
	v16 =	vmul.f32 v16, v16;
	v17 =	vsub.f32 v17, v11  }
0xb7: {  	v18 =	vld [tilespmem:s8+$0xFFFFFFF0]  }
0xb8: {  	v15 =	vadd.f32 v16, v15;
	v16 =	vmul.f32 v17, v17;
	_ =	sdelay $0x1  }
0xb9: {  	v15 =	vadd.f32 v16, v15;
	_ =	sdelay $0x1  }
0xba: {  	v13 =	vsel vm2, v14, v13;
	v14 =	vmin.f32 v18, v15  }
0xbb: {  	[tilespmem:s8+$0xFFFFFFF0] =	vst v14;
	vm3 =	vgt.f32 v14, v13  }
0xbc: {  	v15 =	vld [tilespmem:s19+$0x0]  }
0xbd: {  	v16 =	vld [tilespmem:s21+$0x0];
	_ =	sdelay $0x1  }
0xbe: {  	v17 =	vld [tilespmem:s20+$0x0];
	_ =	sdelay $0x1  }
0xbf: {  	v15 =	vsub.f32 v15, v9  }
0xc0: {  	v16 =	vsub.f32 v16, v10;
	_ =	sdelay $0x1  }
0xc1: {  	v15 =	vmul.f32 v15, v15;
	v16 =	vmul.f32 v16, v16;
	v17 =	vsub.f32 v17, v11  }
0xc2: {  	v18 =	vld [tilespmem:s8+$0x0]  }
0xc3: {  	v15 =	vadd.f32 v16, v15;
	v16 =	vmul.f32 v17, v17;
	_ =	sdelay $0x1  }
0xc4: {  	v15 =	vadd.f32 v16, v15;
	_ =	sdelay $0x1  }
0xc5: {  	v14 =	vsel vm3, v14, v13;
	v13 =	vmin.f32 v18, v15  }
0xc6: {  	[tilespmem:s8+$0x0] =	vst v13;
	vm4 =	vgt.f32 v13, v14  }
.Ltmp2:
0xc7: {  	v17 =	vld [tilespmem:s19+$0x10];
	(pc) =	sbr.rel @p1 .LBB2_3-.Ltmp2, $3  }
0xc8: {  	v15 =	vld [tilespmem:s21+$0x10]  }
0xc9: {  	v16 =	vld [tilespmem:s20+$0x10];
	_ =	sdelay $0x1  }
0xca: {  	s8 =	sadd.s32 $0x40, s8  }
0xcb: {  	_ = 	snop  }
0xcc: {  	v9 =	vsub.f32 v17, v9;
	v10 =	vsub.f32 v15, v10;
	_ =	sdelay $0x1  }
0xcd: {  	v9 =	vmul.f32 v9, v9;
	v11 =	vsub.f32 v16, v11;
	v10 =	vmul.f32 v10, v10  }
0xce: {  	v61 =	vld [tilespmem:s4+$0x10]  }
0xcf: {  	v11 =	vmul.f32 v11, v11;
	v9 =	vadd.f32 v10, v9;
	_ =	sdelay $0x1  }
0xd0: {  	v9 =	vadd.f32 v11, v9;
	_ =	sdelay $0x1  }
0xd1: {  	v10 =	vsel vm4, v13, v14;
	v9 =	vmin.f32 v61, v9  }
0xd2: {  	vm5 =	vgt.f32 v9, v10  }
0xd3: {  	v10 =	vsel vm5, v9, v10  }
0xd4: {  	(xrf0) =	vmax.scan.msk.f32 $0xffff, v10;
	_ =	sdelay $0x1  }
0xd5: {  	s0 =	sadd.s32 $0xFFFFFFFD, s6  }
0xd6: {  	s20 =	sadd.s32 $0xFFFFFFFE, s6;
	v11 =	vsel vm2, s0, v12  }
0xd7: {  	s21 =	sadd.s32 $0xFFFFFFFF, s6;
	v11 =	vsel vm3, s20, v11  }
0xd8: {  	v11 =	vsel vm4, s21, v11  }
0xd9: {  	v11 =	vsel vm5, s6, v11;
	v62, _, _ =	vpop (xrf0)  }
0xda: {  	v11 =	vshll.u32 v11, $0x4;
	v63 =	vbroadcast v62, $0xF  }
0xdb: {  	v11 =	vadd.s32 v0, v11  }
0xdc: {  	vm2 =	veq.f32 v10, v63;
	v10 =	vxor.u32 v6, v11  }
0xdd: {  	v10 =	vnsel vm2, $0x80000800, v10  }
0xde: {  	(xrf0) =	vmin.scan.msk.u32 $0xffff, v10;
	_ =	sdelay $0x5  }
0xdf: {  	(v2sf) =	vpush v62, $0xF;
	v10, _, _ =	vpop (xrf0)  }
0xe0: {  	(v2sf) =	vpush v10, $0xF;
	_ =	sdelay $0xd  }
0xe1: {  	s0 =	spop (v2sf)  }
0xe2: {  	s7 =	spop (v2sf)  }
0xe3: {  	s6 =	sxor.u32 $0x80000000, s7  }
0xe4: {  	s7 =	scvt.s32.f32 s6  }
0xe5: {  	s8 =	sshll.u32 s17, $0x4  }
0xe6: {  	s16 =	stileid.u32;
	s8 =	sand.u32 $0x10, s8;
	v10 =	vmov s7  }
0xe7: {  	s7 =	sor.u32 s16, s8;
	v10 =	vnsel vm0, $0x0, v10  }
0xe8: {  	[tilespmem:s4+$0x10] =	vst v9;
	s19 =	sshll.u32 s7, $0x4;
	v9 =	vsel vm1, v63, v10  }
0xe9: {  	s7 =	sadd.s32 s19, s2;
	[tilespmem:$0x6520] =	vst v9  }
0xea: {  	[spmem:s7] =	stream.linear.scatter [tilespmem:s26], [sflag:$0x2], $0x10, $0x38;
	[tilespmem:$0x65A0] =	vst v63  }
0xeb: {  	_ =	swait.ge [sflag:s22], $0x10  }
0xec: {  	[sflag:s22] =	ssyncset.done $0x0  }
0xed: {  	s4 =	sxor.u32 $0x10, s19;
	[sflag:s22] =	ssyncadd.s32 $0xFFFFFFF0  }
0xee: {  	s4 =	sadd.s32 s4, s2;
	[bflag:$0x0] =	sbarrier.arrive $0xFFFF  }
0xef: {  	[tilespmem:s26], [sflag:$0x2] =	stream.linear.gather [spmem:s4], $0x10, $0x38;
	[tilespmem:$0x65A0] =	vst v63  }
0xf0: {  	_ =	swait.ge [sflag:s22], $0x10  }
0xf1: {  	[sflag:s22] =	ssyncset.done $0x0  }
0xf2: {  	[sflag:s22] =	ssyncadd.s32 $0xFFFFFFF0  }
0xf3: {  	v9 =	vld [tilespmem:$0x6520];
	_ =	sdelay $0x4  }
0xf4: {  	(v2sf) =	vpush v9, $0x0  }
0xf5: {  	(v2sf) =	vpush v9, $0x1;
	_ =	sdelay $0xd  }
0xf6: {  	s20 =	spop (v2sf)  }
0xf7: {  	s21 =	spop (v2sf)  }
0xf8: {  	s7 =	scvt.f32.s32 s21;
	_ =	sdelay $0x1  }
0xf9: {  	p1 =	seq.f32 s20, s0;
	p2 =	slt.s32 s6, s7;
	s8 =	smov.u32 s7  }
0xfa: {  	s17 =	sadd.s32 $0x1, s17;
	s8 =	smov.u32 @p2 s6  }
0xfb: {  	s6 =	smov.u32 @p1 s8;
	p1 =	sne.s32 s17, $0x20  }
.Ltmp3:
0xfc: {  	_ = 	snop;
	(pc) =	sbr.rel @p1 .LBB2_2-.Ltmp3, $3  }
0xfd: {  	_ = 	snop  }
0xfe: {  	p3 =	sgt.f32 s20, s0;
	_ =	sdelay $0x1  }
0xff: {  	s6 =	smov.u32 @p3 s7  }
0x100: {  	v9 =	vld [tilespmem:$0x2000];
	_ =	sdelay $0x6  }
0x101: {  	s4 =	simm.s32 $0x0  }
0x102: {  	v10 =	vld.idx.msk [tilespmem:v9+s4+$0x0], $0xffff;
	_ =	sdelay $0x4  }
0x103: {  	[tilespmem:$0x2080] =	vst v10  }
0x104: {  	v10 =	vld.idx.msk [tilespmem:v9+s23+$0x0], $0xffff;
	_ =	sdelay $0x3  }
0x105: {  	v11 =	vld [tilespmem:$0x2010]  }
0x106: {  	[tilespmem:$0x2100] =	vst v10  }
0x107: {  	v9 =	vld.idx.msk [tilespmem:v9+s24+$0x0], $0xffff;
	_ =	sdelay $0x4  }
0x108: {  	[tilespmem:$0x2180] =	vst v9  }
0x109: {  	v9 =	vld.idx.msk [tilespmem:v11+s4+$0x0], $0xffff;
	_ =	sdelay $0x4  }
0x10a: {  	[tilespmem:$0x2090] =	vst v9  }
0x10b: {  	v9 =	vld.idx.msk [tilespmem:v11+s23+$0x0], $0xffff;
	_ =	sdelay $0x4  }
0x10c: {  	[tilespmem:$0x2110] =	vst v9  }
0x10d: {  	v9 =	vld.idx.msk [tilespmem:v11+s24+$0x0], $0xffff;
	_ =	sdelay $0x4  }
0x10e: {  	s6 =	simm.s32 $0x0;
	[tilespmem:$0x2190] =	vst v9  }
.LBB2_6:
0x10f: {  	s0 =	sor.u32 s9, s6  }
0x110: {  	v11 =	vmov s0;
	_ =	sdelay $0x2  }
0x111: {  	s21 =	simm.s32 $0x800;
	v12 =	vld [tilespmem:s4+$0x0]  }
0x112: {  	v13 =	vld [tilespmem:s21+$0x0]  }
0x113: {  	v9 =	vld.idx.msk [tilespmem:v11+s28+$0x0], $0xffff  }
0x114: {  	s7 =	simm.s32 $0x1000;
	v10 =	vld.idx.msk [tilespmem:v11+s29+$0x0], $0xffff  }
0x115: {  	v14 =	vld [tilespmem:s7+$0x0]  }
0x116: {  	v11 =	vld.idx.msk [tilespmem:v11+s30+$0x0], $0xffff;
	_ =	sdelay $0x2  }
0x117: {  	v12 =	vsub.f32 v12, v9;
	v13 =	vsub.f32 v13, v10;
	_ =	sdelay $0x1  }
0x118: {  	v14 =	vsub.f32 v14, v11;
	v12 =	vmul.f32 v12, v12;
	v13 =	vmul.f32 v13, v13;
	_ =	sdelay $0x1  }
0x119: {  	v12 =	vadd.f32 v13, v12;
	v13 =	vmul.f32 v14, v14;
	_ =	sdelay $0x1  }
0x11a: {  	v12 =	vadd.f32 v13, v12;
	_ =	sdelay $0x1  }
0x11b: {  	vm2 =	vgt.f32 v12, $1.000000000e+00  }
0x11c: {  	vm2 =	vmneg vm2  }
0x11d: {  	p1 =	por $0x1, $0x1;
	s0 =	simm.s32 $0x0;
	v13 =	vmpcnt.ones.xlane vm2  }
0x11e: {  	s0 =	simm.s32 @!p1 $0x8;
	v12 =	vor.u32 s4, v4  }
0x11f: {  	s8 =	simm.s32 $0x10;
	[tilespmem:s0+$0x2200] =	vst.msk vm2, v12;
	(v2sf) =	vpush v13, $0x0  }
0x120: {  	s19 =	simm.s32 $0x810;
	v12 =	vld [tilespmem:s8+$0x0]  }
0x121: {  	s20 =	simm.s32 $0x20;
	s17 =	simm.s32 $0x0;
	s21 =	simm.s32 $0x10;
	v13 =	vld [tilespmem:s19+$0x0]  }
.LBB2_7:
0x122: {  	p1 =	sne.s32 s20, $0x7F0;
	s7 =	sadd.s32 $0x10, s7  }
0x123: {  	v14 =	vld [tilespmem:s7+$0x0];
	_ =	sdelay $0x2  }
0x124: {  	v12 =	vsub.f32 v12, v9;
	v13 =	vsub.f32 v13, v10;
	_ =	sdelay $0x1  }
0x125: {  	v12 =	vmul.f32 v12, v12;
	v13 =	vmul.f32 v13, v13;
	v14 =	vsub.f32 v14, v11;
	_ =	sdelay $0x1  }
0x126: {  	v12 =	vadd.f32 v13, v12;
	v13 =	vmul.f32 v14, v14;
	_ =	sdelay $0x1  }
0x127: {  	v12 =	vadd.f32 v13, v12;
	_ =	sdelay $0x1  }
0x128: {  	vm2 =	vgt.f32 v12, $1.000000000e+00;
	s0 =	spop (v2sf)  }
0x129: {  	vm2 =	vmneg vm2;
	s17 =	sadd.s32 s17, s0  }
.Ltmp4:
0x12a: {  	p2 =	slt.s32 s17, $0x8;
	v12 =	vmpcnt.ones.xlane vm2;
	s0 =	smov.u32 s17;
	(pc) =	sbr.rel @p1 .LBB2_7-.Ltmp4, $4  }
0x12b: {  	v13 =	vor.u32 s8, v4;
	s8 =	smov.u32 s20;
	s0 =	simm.s32 @!p2 $0x8  }
0x12c: {  	s21 =	sadd.s32 $0x10, s21;
	[tilespmem:s0+$0x2200] =	vst.msk vm2, v13;
	(v2sf) =	vpush v12, $0x0  }
0x12d: {  	s19 =	sadd.s32 $0x10, s19;
	v12 =	vld [tilespmem:s21+$0x0]  }
0x12e: {  	s20 =	sadd.s32 $0x10, s20;
	v13 =	vld [tilespmem:s19+$0x0]  }
0x12f: {  	s0 =	sadd.s32 $0x10, s7  }
0x130: {  	v14 =	vld [tilespmem:s0+$0x0];
	_ =	sdelay $0x2  }
0x131: {  	v9 =	vsub.f32 v12, v9;
	v10 =	vsub.f32 v13, v10;
	_ =	sdelay $0x1  }
0x132: {  	v9 =	vmul.f32 v9, v9;
	v10 =	vmul.f32 v10, v10;
	v11 =	vsub.f32 v14, v11;
	_ =	sdelay $0x1  }
0x133: {  	v9 =	vadd.f32 v10, v9;
	v10 =	vmul.f32 v11, v11;
	_ =	sdelay $0x1  }
0x134: {  	v9 =	vadd.f32 v10, v9;
	_ =	sdelay $0x1  }
0x135: {  	vm2 =	vgt.f32 v9, $1.000000000e+00  }
0x136: {  	vm2 =	vmneg vm2  }
0x137: {  	v9 =	vmpcnt.ones.xlane vm2;
	_ =	sdelay $0x1  }
0x138: {  	(v2sf) =	vpush v9, $0x0;
	_ =	sdelay $0x9  }
0x139: {  	s19 =	spop (v2sf)  }
0x13a: {  	s0 =	sadd.s32 s17, s19  }
0x13b: {  	p1 =	slt.s32 s0, $0x8;
	s7 =	smov.u32 s0  }
0x13c: {  	s7 =	simm.s32 @!p1 $0x8;
	v9 =	vor.u32 s8, v4  }
0x13d: {  	[tilespmem:s7+$0x2200] =	vst.msk vm2, v9  }
0x13e: {  	v9 =	vld [tilespmem:$0x2200];
	s20 =	spop (v2sf)  }
0x13f: {  	v10 =	vld.msk [tilespmem:s31+$0x0], $0xffff;
	s0 =	sadd.s32 s0, s20  }
0x140: {  	s21 =	sshll.u32 s6, $0x3;
	s6 =	sadd.s32 $0x1, s6;
	p1 =	slt.s32 s0, $0x8  }
0x141: {  	v11 =	vadd.s32 s21, v4;
	s0 =	simm.s32 @!p1 $0x8;
	p1 =	sne.s32 s6, $0x10  }
.Ltmp5:
0x142: {  	v63 =	vmov s0;
	(pc) =	sbr.rel @p1 .LBB2_6-.Ltmp5, $4  }
0x143: {  	vm2 =	vgt.s32 v63, v4  }
0x144: {  	v9 =	vsel vm2, v9, v10  }
0x145: {  	v9 =	vadd.s32 v1, v9  }
0x146: {  	[tilespmem:v11+s1+$0x0] =	vst.idx.msk $0xff, v9  }
0x147: {  	s0 =	simm.s32 $0x0  }
0x148: {  	v9 =	vor.u32 s0, v4  }
0x149: {  	s19 =	rddreg [dreg:$0x3];
	s4 =	simm.s32 $0x80;
	s20 =	simm.s32 $0x1;
	v10 =	vshrl.u32 v9, $0x3;
	v9 =	vshll.u32 v9, $0x7  }
0x14a: {  	[tilespmem:s11], [sflag:$0x1] =	stream.indirect.gather [hbm4b:s19+s4], $0x80, s1, s4, $0xb8;
	v10 =	vor.u32 v5, v10;
	[tilespmem:$0x65A0] =	vst v63  }
0x14b: {  	_ =	swait.ge [sflag:s20], $0x4000  }
0x14c: {  	[sflag:s20] =	ssyncset.done $0x0  }
0x14d: {  	[sflag:s20] =	ssyncadd.s32 $0xFFFFC000  }
0x14e: {  	v12 =	vld.idx.msk [tilespmem:v9+s11+$0x0], $0xffff  }
0x14f: {  	v11 =	vld.idx.msk [tilespmem:v10+s28+$0x0], $0xffff;
	_ =	sdelay $0x2  }
0x150: {  	v13 =	vor.u32 $0x1, v9;
	_ =	sdelay $0x1  }
0x151: {  	v11 =	vsub.f32 v12, v11;
	_ =	sdelay $0x1  }
0x152: {  	[tilespmem:v9+s11+$0x0] =	vst.idx.msk $0xffff, v11  }
0x153: {  	v12 =	vld.idx.msk [tilespmem:v13+s11+$0x0], $0xffff  }
0x154: {  	v14 =	vld.idx.msk [tilespmem:v10+s29+$0x0], $0xffff;
	_ =	sdelay $0x2  }
0x155: {  	v11 =	vor.u32 $0x2, v9;
	_ =	sdelay $0x1  }
0x156: {  	v9 =	vsub.f32 v12, v14;
	_ =	sdelay $0x1  }
0x157: {  	[tilespmem:v13+s11+$0x0] =	vst.idx.msk $0xffff, v9  }
0x158: {  	v12 =	vld.idx.msk [tilespmem:v11+s11+$0x0], $0xffff  }
0x159: {  	s21 =	simm.s32 $0x10;
	v13 =	vld.idx.msk [tilespmem:v10+s30+$0x0], $0xffff  }
0x15a: {  	v14 =	vor.u32 s21, v4  }
0x15b: {  	v9 =	vshrl.u32 v14, $0x3  }
0x15c: {  	s4 =	simm.s32 $0x20;
	v9 =	vor.u32 v5, v9;
	v10 =	vshll.u32 v14, $0x7  }
.LBB2_10:
0x15d: {  	p1 =	sne.s32 s4, $0x70;
	s0 =	smov.u32 s4;
	s4 =	sadd.s32 $0x10, s4  }
0x15e: {  	v12 =	vsub.f32 v12, v13;
	_ =	sdelay $0x1  }
0x15f: {  	[tilespmem:v11+s11+$0x0] =	vst.idx.msk $0xffff, v12  }
0x160: {  	v11 =	vld.idx.msk [tilespmem:v9+s28+$0x0], $0xffff  }
0x161: {  	v12 =	vld.idx.msk [tilespmem:v10+s11+$0x0], $0xffff;
	_ =	sdelay $0x3  }
0x162: {  	v13 =	vor.u32 $0x1, v10;
	_ =	sdelay $0x1  }
0x163: {  	v11 =	vsub.f32 v12, v11;
	_ =	sdelay $0x1  }
0x164: {  	[tilespmem:v10+s11+$0x0] =	vst.idx.msk $0xffff, v11  }
0x165: {  	v12 =	vld.idx.msk [tilespmem:v13+s11+$0x0], $0xffff  }
0x166: {  	v14 =	vld.idx.msk [tilespmem:v9+s29+$0x0], $0xffff;
	_ =	sdelay $0x3  }
0x167: {  	v11 =	vor.u32 $0x2, v10;
	_ =	sdelay $0x1  }
0x168: {  	v10 =	vsub.f32 v12, v14;
	_ =	sdelay $0x1  }
0x169: {  	[tilespmem:v13+s11+$0x0] =	vst.idx.msk $0xffff, v10  }
0x16a: {  	v12 =	vld.idx.msk [tilespmem:v11+s11+$0x0], $0xffff  }
.Ltmp6:
0x16b: {  	v13 =	vld.idx.msk [tilespmem:v9+s30+$0x0], $0xffff;
	(pc) =	sbr.rel @p1 .LBB2_10-.Ltmp6, $4  }
0x16c: {  	_ = 	snop  }
0x16d: {  	v10 =	vor.u32 s0, v4  }
0x16e: {  	v9 =	vshrl.u32 v10, $0x3  }
0x16f: {  	v10 =	vshll.u32 v10, $0x7;
	v9 =	vor.u32 v5, v9  }
0x170: {  	_ =	sdelay $0x1  }
0x171: {  	v12 =	vsub.f32 v12, v13;
	_ =	sdelay $0x1  }
0x172: {  	[tilespmem:v11+s11+$0x0] =	vst.idx.msk $0xffff, v12  }
0x173: {  	v11 =	vld.idx.msk [tilespmem:v9+s28+$0x0], $0xffff  }
0x174: {  	v12 =	vld.idx.msk [tilespmem:v10+s11+$0x0], $0xffff;
	_ =	sdelay $0x2  }
0x175: {  	v62 =	vor.u32 $0x1, v10;
	_ =	sdelay $0x1  }
0x176: {  	v11 =	vsub.f32 v12, v11;
	_ =	sdelay $0x1  }
0x177: {  	[tilespmem:v10+s11+$0x0] =	vst.idx.msk $0xffff, v11  }
0x178: {  	v11 =	vld.idx.msk [tilespmem:v62+s11+$0x0], $0xffff  }
0x179: {  	v63 =	vld.idx.msk [tilespmem:v9+s29+$0x0], $0xffff;
	_ =	sdelay $0x2  }
0x17a: {  	v10 =	vor.u32 $0x2, v10;
	_ =	sdelay $0x1  }
0x17b: {  	v11 =	vsub.f32 v11, v63;
	_ =	sdelay $0x1  }
0x17c: {  	[tilespmem:v62+s11+$0x0] =	vst.idx.msk $0xffff, v11  }
0x17d: {  	v11 =	vld.idx.msk [tilespmem:v10+s11+$0x0], $0xffff  }
0x17e: {  	v9 =	vld.idx.msk [tilespmem:v9+s30+$0x0], $0xffff;
	_ =	sdelay $0x4  }
0x17f: {  	v9 =	vsub.f32 v11, v9;
	_ =	sdelay $0x1  }
.Ltmp7:
0x180: {  	s0 =	rddreg [dreg:$0x7];
	[tilespmem:v10+s11+$0x0] =	vst.idx.msk $0xffff, v9;
	(pc) =	sbr.rel @p0 .LBB2_17-.Ltmp7, $4  }
0x181: {  	[hbm4b:s0+s3] =	stream.linear.scatter [tilespmem:s11], [sflag:$0x2], $0x4000, $0x38;
	[tilespmem:$0x65A0] =	vst v63  }
0x182: {  	_ =	swait.ge [sflag:s22], $0x4000  }
0x183: {  	[sflag:s22] =	ssyncset.done $0x0  }
0x184: {  	s4 =	rddreg [dreg:$0x10];
	[sflag:s22] =	ssyncadd.s32 $0xFFFFC000  }
0x185: {  	s0 =	simm.s32 $0x0;
	s4 =	rddreg [dreg:$0x8]  }
0x186: {  	[hbm4b:s4+s0] =	stream.linear.scatter [tilespmem:s28], [sflag:$0x2], $0x20, $0x38;
	[tilespmem:$0x65A0] =	vst v63  }
0x187: {  	_ =	swait.ge [sflag:s22], $0x20  }
0x188: {  	[sflag:s22] =	ssyncset.done $0x0  }
0x189: {  	s20 =	rddreg [dreg:$0x9];
	[sflag:s22] =	ssyncadd.s32 $0xFFFFFFE0  }
0x18a: {  	[hbm4b:s20+s0] =	stream.linear.scatter [tilespmem:s29], [sflag:$0x2], $0x20, $0x38;
	[tilespmem:$0x65A0] =	vst v63  }
0x18b: {  	_ =	swait.ge [sflag:s22], $0x20  }
0x18c: {  	[sflag:s22] =	ssyncset.done $0x0  }
0x18d: {  	s21 =	rddreg [dreg:$0xa];
	[sflag:s22] =	ssyncadd.s32 $0xFFFFFFE0  }
0x18e: {  	[hbm4b:s21+s0] =	stream.linear.scatter [tilespmem:s30], [sflag:$0x2], $0x20, $0x38;
	[tilespmem:$0x65A0] =	vst v63  }
0x18f: {  	v9 =	vmov s0;
	_ =	swait.ge [sflag:s22], $0x20  }
0x190: {  	[sflag:s22] =	ssyncset.done $0x0  }
0x191: {  	[sflag:s22] =	ssyncadd.s32 $0xFFFFFFE0  }
0x192: {  	[tilespmem:$0x1800] =	vst v3  }
0x193: {  	v10 =	vmov s0;
	[tilespmem:$0x1810] =	vst v3  }
0x194: {  	[tilespmem:v9+s12+$0x0] =	vst.idx.msk $0x1, v10  }
0x195: {  	v9 =	vld [tilespmem:$0x2110]  }
0x196: {  	v11 =	vld [tilespmem:$0x2090]  }
0x197: {  	v12 =	vld [tilespmem:$0x2100]  }
0x198: {  	v13 =	vld [tilespmem:$0x2080]  }
0x199: {  	v14 =	vld.idx.msk [tilespmem:v10+s28+$0x0], $0xffff  }
0x19a: {  	v15 =	vld.idx.msk [tilespmem:v10+s29+$0x0], $0xffff  }
0x19b: {  	v10 =	vld.idx.msk [tilespmem:v10+s30+$0x0], $0xffff  }
0x19c: {  	v16 =	vld [tilespmem:$0x2180]  }
0x19d: {  	v17 =	vld [tilespmem:$0x2190];
	_ =	sdelay $0x1  }
0x19e: {  	v13 =	vsub.f32 v13, v14;
	v12 =	vsub.f32 v12, v15  }
0x19f: {  	v11 =	vsub.f32 v11, v14;
	v9 =	vsub.f32 v9, v15  }
0x1a0: {  	v59 =	vsub.f32 v16, v10;
	v13 =	vmul.f32 v13, v13;
	v12 =	vmul.f32 v12, v12  }
0x1a1: {  	v60 =	vld [tilespmem:$0x1800];
	v10 =	vsub.f32 v17, v10;
	v11 =	vmul.f32 v11, v11  }
0x1a2: {  	v9 =	vmul.f32 v9, v9;
	v14 =	vmul.f32 v59, v59;
	v12 =	vadd.f32 v12, v13  }
0x1a3: {  	v61 =	vld [tilespmem:$0x1810]  }
0x1a4: {  	v10 =	vmul.f32 v10, v10;
	v9 =	vadd.f32 v9, v11;
	v11 =	vadd.f32 v14, v12;
	_ =	sdelay $0x1  }
0x1a5: {  	v9 =	vadd.f32 v10, v9;
	v10 =	vmin.f32 v60, v11  }
0x1a6: {  	vm2 =	vgt.f32 v10, $-Inf  }
0x1a7: {  	v9 =	vmin.f32 v61, v9;
	v11 =	vnsel vm2, $0xFF800000, v10  }
0x1a8: {  	vm2 =	vgt.f32 v9, v11  }
0x1a9: {  	v11 =	vsel vm2, v9, v11  }
0x1aa: {  	(xrf0) =	vmax.scan.msk.f32 $0xffff, v11;
	_ =	sdelay $0x5  }
0x1ab: {  	v62, _, _ =	vpop (xrf0)  }
0x1ac: {  	v12 =	vbroadcast v62, $0xF;
	_ =	sdelay $0x1  }
0x1ad: {  	v63 =	vsel vm2, v7, v6;
	vm2 =	veq.f32 v11, v12  }
0x1ae: {  	v11 =	vnsel vm2, $0x80000020, v63  }
0x1af: {  	(xrf0) =	vmin.scan.msk.u32 $0xffff, v11;
	_ =	sdelay $0x5  }
0x1b0: {  	[tilespmem:$0x1800] =	vst v10;
	v10, _, _ =	vpop (xrf0)  }
0x1b1: {  	s4 =	simm.s32 $0x1;
	[tilespmem:$0x1810] =	vst v9;
	(v2sf) =	vpush v10, $0xF  }
.LBB2_13:
0x1b2: {  	_ =	sdelay $0x9  }
0x1b3: {  	p1 =	sne.s32 s4, $0xF;
	s0 =	smov.u32 s4;
	s4 =	sadd.s32 $0x1, s4  }
0x1b4: {  	_ = 	snop  }
0x1b5: {  	v9 =	vmov s0;
	_ =	sdelay $0x1  }
0x1b6: {  	s0 =	spop (v2sf)  }
0x1b7: {  	s0 =	sxor.u32 $0x80000000, s0  }
0x1b8: {  	v10 =	vmov s0  }
0x1b9: {  	[tilespmem:v9+s12+$0x0] =	vst.idx.msk $0x1, v10  }
0x1ba: {  	v9 =	vld [tilespmem:$0x2110]  }
0x1bb: {  	v11 =	vld [tilespmem:$0x2090]  }
0x1bc: {  	v12 =	vld [tilespmem:$0x2100]  }
0x1bd: {  	v13 =	vld [tilespmem:$0x2080]  }
0x1be: {  	v14 =	vld.idx.msk [tilespmem:v10+s28+$0x0], $0xffff  }
0x1bf: {  	v15 =	vld.idx.msk [tilespmem:v10+s29+$0x0], $0xffff  }
0x1c0: {  	v10 =	vld.idx.msk [tilespmem:v10+s30+$0x0], $0xffff  }
0x1c1: {  	v16 =	vld [tilespmem:$0x2180]  }
0x1c2: {  	v17 =	vld [tilespmem:$0x2190];
	_ =	sdelay $0x1  }
0x1c3: {  	v13 =	vsub.f32 v13, v14;
	v11 =	vsub.f32 v11, v14  }
0x1c4: {  	v12 =	vsub.f32 v12, v15;
	v9 =	vsub.f32 v9, v15  }
0x1c5: {  	v13 =	vmul.f32 v13, v13;
	v11 =	vmul.f32 v11, v11;
	v14 =	vsub.f32 v16, v10  }
0x1c6: {  	v12 =	vmul.f32 v12, v12;
	v9 =	vmul.f32 v9, v9;
	v15 =	vld [tilespmem:$0x1800];
	v10 =	vsub.f32 v17, v10  }
0x1c7: {  	v14 =	vmul.f32 v14, v14  }
0x1c8: {  	v12 =	vadd.f32 v12, v13;
	v9 =	vadd.f32 v9, v11;
	v10 =	vmul.f32 v10, v10;
	v11 =	vld [tilespmem:$0x1810];
	_ =	sdelay $0x1  }
0x1c9: {  	v12 =	vadd.f32 v14, v12;
	v9 =	vadd.f32 v10, v9;
	_ =	sdelay $0x1  }
0x1ca: {  	v10 =	vmin.f32 v15, v12  }
0x1cb: {  	vm2 =	vgt.f32 v10, $-Inf;
	[tilespmem:$0x1800] =	vst v10;
	v9 =	vmin.f32 v11, v9  }
0x1cc: {  	v10 =	vnsel vm2, $0xFF800000, v10;
	[tilespmem:$0x1810] =	vst v9  }
0x1cd: {  	vm2 =	vgt.f32 v9, v10  }
0x1ce: {  	v9 =	vsel vm2, v9, v10  }
0x1cf: {  	(xrf0) =	vmax.scan.msk.f32 $0xffff, v9;
	_ =	sdelay $0x5  }
0x1d0: {  	v10, _, _ =	vpop (xrf0)  }
0x1d1: {  	v10 =	vbroadcast v10, $0xF  }
0x1d2: {  	v11 =	vsel vm2, v7, v6  }
0x1d3: {  	vm2 =	veq.f32 v9, v10  }
0x1d4: {  	v9 =	vnsel vm2, $0x80000020, v11  }
0x1d5: {  	(xrf0) =	vmin.scan.msk.u32 $0xffff, v9;
	_ =	sdelay $0x2  }
.Ltmp8:
0x1d6: {  	(pc) =	sbr.rel @p1 .LBB2_13-.Ltmp8, $3  }
0x1d7: {  	_ =	sdelay $0x1  }
0x1d8: {  	v9, _, _ =	vpop (xrf0)  }
0x1d9: {  	(v2sf) =	vpush v9, $0xF  }
0x1da: {  	v9 =	vld [tilespmem:$0x6300];
	_ =	sdelay $0x7  }
0x1db: {  	v10 =	vld.idx.msk [tilespmem:v9+s28+$0x0], $0xffff;
	_ =	sdelay $0x4  }
0x1dc: {  	[tilespmem:$0x6380] =	vst v10  }
0x1dd: {  	v10 =	vld.idx.msk [tilespmem:v9+s29+$0x0], $0xffff;
	_ =	sdelay $0x4  }
0x1de: {  	[tilespmem:$0x6400] =	vst v10  }
0x1df: {  	s0 =	simm.s32 $0x0;
	v9 =	vld.idx.msk [tilespmem:v9+s30+$0x0], $0xffff  }
0x1e0: {  	v10 =	vmov s0;
	_ =	sdelay $0x2  }
0x1e1: {  	v13 =	vld [tilespmem:$0x2100]  }
0x1e2: {  	[tilespmem:$0x6480] =	vst v9;
	v9 =	vld [tilespmem:$0x2080]  }
0x1e3: {  	v11 =	vld.idx.msk [tilespmem:v10+s13+$0x0], $0xffff  }
0x1e4: {  	v12 =	vld.idx.msk [tilespmem:v10+s14+$0x0], $0xffff  }
0x1e5: {  	v14 =	vld [tilespmem:$0x2180]  }
0x1e6: {  	v10 =	vld.idx.msk [tilespmem:v10+s15+$0x0], $0xffff;
	_ =	sdelay $0x2  }
0x1e7: {  	v9 =	vsub.f32 v9, v11;
	v13 =	vsub.f32 v13, v12;
	_ =	sdelay $0x1  }
0x1e8: {  	v14 =	vsub.f32 v14, v10;
	v9 =	vmul.f32 v9, v9;
	v13 =	vmul.f32 v13, v13;
	_ =	sdelay $0x1  }
0x1e9: {  	v9 =	vadd.f32 v13, v9;
	v13 =	vmul.f32 v14, v14;
	_ =	sdelay $0x1  }
0x1ea: {  	v9 =	vadd.f32 v13, v9;
	_ =	sdelay $0x1  }
0x1eb: {  	vm2 =	vgt.f32 v9, $1.000000000e+00  }
0x1ec: {  	vm2 =	vmneg vm2  }
0x1ed: {  	[tilespmem:s31+$0x0] =	vst.msk vm2, v4  }
0x1ee: {  	v9 =	vld [tilespmem:$0x2090]  }
0x1ef: {  	v13 =	vld [tilespmem:$0x2110];
	_ =	sdelay $0x1  }
0x1f0: {  	v14 =	vld [tilespmem:$0x2190];
	_ =	sdelay $0x2  }
0x1f1: {  	v9 =	vsub.f32 v9, v11;
	v11 =	vsub.f32 v13, v12;
	_ =	sdelay $0x1  }
0x1f2: {  	v10 =	vsub.f32 v14, v10;
	v9 =	vmul.f32 v9, v9;
	v11 =	vmul.f32 v11, v11;
	_ =	sdelay $0x1  }
0x1f3: {  	v10 =	vmul.f32 v10, v10;
	v9 =	vadd.f32 v11, v9;
	_ =	sdelay $0x1  }
0x1f4: {  	v11 =	vmpcnt.ones.xlane vm2;
	v9 =	vadd.f32 v10, v9;
	_ =	sdelay $0x1  }
0x1f5: {  	(v2sf) =	vpush v11, $0x0;
	vm2 =	vgt.f32 v9, $1.000000000e+00  }
0x1f6: {  	vm2 =	vmneg vm2  }
0x1f7: {  	v9 =	vmpcnt.ones.xlane vm2;
	_ =	sdelay $0x1  }
0x1f8: {  	(v2sf) =	vpush v9, $0x0;
	_ =	sdelay $0x9  }
0x1f9: {  	s4 =	spop (v2sf)  }
0x1fa: {  	s7 =	spop (v2sf)  }
0x1fb: {  	p1 =	slt.s32 s7, $0x8;
	s4 =	smov.u32 s7  }
0x1fc: {  	s4 =	simm.s32 @!p1 $0x8  }
0x1fd: {  	[tilespmem:s4+$0x2200] =	vst.msk vm2, v8  }
0x1fe: {  	s6 =	simm.s32 $0x1;
	s21 =	simm.s32 $0x8;
	v12 =	vld.msk [tilespmem:s31+$0x0], $0xffff;
	s8 =	spop (v2sf)  }
0x1ff: {  	v10 =	vadd.s32 s0, v4;
	v11 =	vmov s6;
	s6 =	simm.s32 $0x10;
	v9 =	vadd.s32 s21, v4;
	s4 =	simm.s32 $0x2;
	v13 =	vld [tilespmem:$0x2200];
	s8 =	sadd.s32 s7, s8  }
.LBB2_15:
0x200: {  	p1 =	sne.s32 s4, $0xF  }
0x201: {  	v14 =	vadd.s32 s6, v4;
	p2 =	slt.s32 s8, $0x8;
	s7 =	smov.u32 s4;
	s4 =	sadd.s32 $0x1, s4  }
0x202: {  	s8 =	simm.s32 @!p2 $0x8  }
0x203: {  	v15 =	vmov s8  }
0x204: {  	vm2 =	vgt.s32 v15, v4  }
0x205: {  	v12 =	vsel vm2, v13, v12  }
0x206: {  	v12 =	vadd.s32 v2, v12  }
0x207: {  	[tilespmem:v10+s1+$0x0] =	vst.idx.msk $0xff, v12;
	v10 =	vmov v9;
	v9 =	vmov v14  }
0x208: {  	v12 =	vld [tilespmem:$0x2080]  }
0x209: {  	v13 =	vld.idx.msk [tilespmem:v11+s13+$0x0], $0xffff  }
0x20a: {  	v14 =	vld.idx.msk [tilespmem:v11+s14+$0x0], $0xffff  }
0x20b: {  	v15 =	vld [tilespmem:$0x2100]  }
0x20c: {  	v11 =	vld.idx.msk [tilespmem:v11+s15+$0x0], $0xffff  }
0x20d: {  	v16 =	vld [tilespmem:$0x2180];
	_ =	sdelay $0x1  }
0x20e: {  	v12 =	vsub.f32 v12, v13  }
0x20f: {  	v15 =	vsub.f32 v15, v14;
	_ =	sdelay $0x1  }
0x210: {  	v12 =	vmul.f32 v12, v12;
	v15 =	vmul.f32 v15, v15;
	v16 =	vsub.f32 v16, v11;
	_ =	sdelay $0x1  }
0x211: {  	v12 =	vadd.f32 v15, v12;
	v15 =	vmul.f32 v16, v16;
	_ =	sdelay $0x1  }
0x212: {  	v12 =	vadd.f32 v15, v12;
	_ =	sdelay $0x1  }
0x213: {  	vm2 =	vgt.f32 v12, $1.000000000e+00  }
0x214: {  	vm2 =	vmneg vm2  }
0x215: {  	[tilespmem:s31+$0x0] =	vst.msk vm2, v4;
	v12 =	vmpcnt.ones.xlane vm2  }
0x216: {  	v15 =	vld [tilespmem:$0x2090]  }
0x217: {  	v16 =	vld [tilespmem:$0x2110]  }
0x218: {  	v17 =	vld [tilespmem:$0x2190];
	_ =	sdelay $0x2  }
0x219: {  	v13 =	vsub.f32 v15, v13  }
0x21a: {  	v14 =	vsub.f32 v16, v14  }
0x21b: {  	v13 =	vmul.f32 v13, v13;
	v11 =	vsub.f32 v17, v11  }
0x21c: {  	v14 =	vmul.f32 v14, v14  }
0x21d: {  	v11 =	vmul.f32 v11, v11  }
0x21e: {  	v13 =	vadd.f32 v14, v13;
	_ =	sdelay $0x1  }
0x21f: {  	v11 =	vadd.f32 v11, v13;
	_ =	sdelay $0x1  }
0x220: {  	vm2 =	vgt.f32 v11, $1.000000000e+00;
	(v2sf) =	vpush v12, $0x0  }
0x221: {  	vm2 =	vmneg vm2  }
0x222: {  	v11 =	vmpcnt.ones.xlane vm2;
	_ =	sdelay $0x1  }
0x223: {  	(v2sf) =	vpush v11, $0x0;
	_ =	sdelay $0xa  }
0x224: {  	s0 =	spop (v2sf)  }
.Ltmp9:
0x225: {  	p2 =	slt.s32 s0, $0x8;
	s8 =	smov.u32 s0;
	(pc) =	sbr.rel @p1 .LBB2_15-.Ltmp9, $4  }
0x226: {  	s8 =	simm.s32 @!p2 $0x8  }
0x227: {  	[tilespmem:s8+$0x2200] =	vst.msk vm2, v8  }
0x228: {  	v12 =	vld.msk [tilespmem:s31+$0x0], $0xffff;
	s8 =	spop (v2sf)  }
0x229: {  	s6 =	sadd.s32 $0x8, s6;
	v11 =	vmov s7;
	s8 =	sadd.s32 s0, s8;
	v13 =	vld [tilespmem:$0x2200]  }
0x22a: {  	p1 =	slt.s32 s8, $0x8  }
0x22b: {  	s8 =	simm.s32 @!p1 $0x8  }
0x22c: {  	v14 =	vmov s8  }
0x22d: {  	vm2 =	vgt.s32 v14, v4  }
0x22e: {  	v12 =	vsel vm2, v13, v12  }
0x22f: {  	v12 =	vadd.s32 v2, v12  }
0x230: {  	[tilespmem:v10+s1+$0x0] =	vst.idx.msk $0xff, v12  }
0x231: {  	v10 =	vld [tilespmem:$0x2080]  }
0x232: {  	v12 =	vld.idx.msk [tilespmem:v11+s13+$0x0], $0xffff  }
0x233: {  	v56 =	vld.idx.msk [tilespmem:v11+s14+$0x0], $0xffff  }
0x234: {  	v57 =	vld [tilespmem:$0x2100]  }
0x235: {  	v11 =	vld.idx.msk [tilespmem:v11+s15+$0x0], $0xffff  }
0x236: {  	v15 =	vld [tilespmem:$0x2180];
	_ =	sdelay $0x2  }
0x237: {  	v10 =	vsub.f32 v10, v12;
	v14 =	vsub.f32 v57, v56;
	_ =	sdelay $0x1  }
0x238: {  	v15 =	vsub.f32 v15, v11;
	v10 =	vmul.f32 v10, v10;
	v14 =	vmul.f32 v14, v14;
	_ =	sdelay $0x1  }
0x239: {  	v58 =	vmul.f32 v15, v15;
	v10 =	vadd.f32 v14, v10;
	_ =	sdelay $0x1  }
0x23a: {  	v10 =	vadd.f32 v58, v10;
	_ =	sdelay $0x1  }
0x23b: {  	vm2 =	vgt.f32 v10, $1.000000000e+00  }
0x23c: {  	vm2 =	vmneg vm2  }
0x23d: {  	[tilespmem:s31+$0x0] =	vst.msk vm2, v4  }
0x23e: {  	v10 =	vld [tilespmem:$0x2090]  }
0x23f: {  	v59 =	vld [tilespmem:$0x2110];
	_ =	sdelay $0x1  }
0x240: {  	v60 =	vld [tilespmem:$0x2190];
	_ =	sdelay $0x2  }
0x241: {  	v10 =	vsub.f32 v10, v12;
	v61 =	vsub.f32 v59, v56;
	_ =	sdelay $0x1  }
0x242: {  	v11 =	vsub.f32 v60, v11;
	v10 =	vmul.f32 v10, v10;
	v12 =	vmul.f32 v61, v61;
	_ =	sdelay $0x1  }
0x243: {  	v11 =	vmul.f32 v11, v11;
	v10 =	vadd.f32 v12, v10;
	_ =	sdelay $0x1  }
0x244: {  	v62 =	vmpcnt.ones.xlane vm2;
	v10 =	vadd.f32 v11, v10;
	_ =	sdelay $0x1  }
0x245: {  	(v2sf) =	vpush v62, $0x0;
	vm2 =	vgt.f32 v10, $1.000000000e+00  }
0x246: {  	vm2 =	vmneg vm2  }
0x247: {  	v10 =	vmpcnt.ones.xlane vm2;
	_ =	sdelay $0x1  }
0x248: {  	(v2sf) =	vpush v10, $0x0;
	_ =	sdelay $0xa  }
0x249: {  	s0 =	spop (v2sf)  }
0x24a: {  	p1 =	slt.s32 s0, $0x8;
	s4 =	smov.u32 s0  }
0x24b: {  	s4 =	simm.s32 @!p1 $0x8  }
0x24c: {  	[tilespmem:s4+$0x2200] =	vst.msk vm2, v8  }
0x24d: {  	v10 =	vld.msk [tilespmem:s31+$0x0], $0xffff;
	s16 =	spop (v2sf)  }
0x24e: {  	v11 =	vld [tilespmem:$0x2200];
	s0 =	sadd.s32 s0, s16  }
0x24f: {  	p1 =	slt.s32 s0, $0x8  }
0x250: {  	s0 =	simm.s32 @!p1 $0x8  }
0x251: {  	v63 =	vmov s0  }
0x252: {  	vm2 =	vgt.s32 v63, v4  }
0x253: {  	v10 =	vsel vm2, v11, v10  }
0x254: {  	v10 =	vadd.s32 v2, v10  }
0x255: {  	s17 =	rddreg [dreg:$0xb];
	[tilespmem:v9+s1+$0x0] =	vst.idx.msk $0xff, v10  }
0x256: {  	[hbm4b:s17+s3] =	stream.linear.scatter [tilespmem:s1], [sflag:$0x2], $0x80, $0x38;
	[tilespmem:$0x65A0] =	vst v63  }
0x257: {  	_ =	swait.ge [sflag:s22], $0x80  }
0x258: {  	[sflag:s22] =	ssyncset.done $0x0  }
0x259: {  	s19 =	rddreg [dreg:$0xc];
	[sflag:s22] =	ssyncadd.s32 $0xFFFFFF80  }
0x25a: {  	[hbm4b:s19+s3] =	stream.linear.scatter [tilespmem:s13], [sflag:$0x2], $0x10, $0x38;
	[tilespmem:$0x65A0] =	vst v63  }
0x25b: {  	_ =	swait.ge [sflag:s22], $0x10  }
0x25c: {  	[sflag:s22] =	ssyncset.done $0x0  }
0x25d: {  	s20 =	rddreg [dreg:$0xd];
	[sflag:s22] =	ssyncadd.s32 $0xFFFFFFF0  }
0x25e: {  	[hbm4b:s20+s3] =	stream.linear.scatter [tilespmem:s14], [sflag:$0x2], $0x10, $0x38;
	[tilespmem:$0x65A0] =	vst v63  }
0x25f: {  	_ =	swait.ge [sflag:s22], $0x10  }
0x260: {  	[sflag:s22] =	ssyncset.done $0x0  }
.Ltmp10:
0x261: {  	s21 =	rddreg [dreg:$0xe];
	[sflag:s22] =	ssyncadd.s32 $0xFFFFFFF0;
	(pc) =	sbr.rel .LBB2_17-.Ltmp10, $4  }
0x262: {  	[hbm4b:s21+s3] =	stream.linear.scatter [tilespmem:s15], [sflag:$0x2], $0x10, $0x38;
	[tilespmem:$0x65A0] =	vst v63  }
0x263: {  	_ =	swait.ge [sflag:s22], $0x10  }
0x264: {  	[sflag:s22] =	ssyncset.done $0x0  }
0x265: {  	s4 =	rddreg [dreg:$0x10];
	[sflag:s22] =	ssyncadd.s32 $0xFFFFFFF0  }
.LBB2_18:
0x266: {  	_ =	sfence.sel $0x180000  }
0x267: {  	[bflag:$0x0] =	sbarrier.arrive $0xFFFF  }
0x268: {  	_ =	strace $0x90000047  }
0x269: {  	s0 =	stileid.u32;
	[bflag:$0x2] =	sbarrier.arrive $0xFFFF  }
0x26a: {  	p0 =	sne.s32 s0, $0x0;
	s0 =	rddreg [dreg:$0x2]  }
0x26b: {  	s0 =	sadd.s32 @!p0 $0x100000, s0  }
0x26c: {  	[sflag:s0] =	ssyncadd.tile.s32 @!p0 $0x1;
	_ =	shalt  }
.Lfunc_end2:
_tile_overlayer_lowered:
.L_overlay_start_2:
0x26d: {  	(tag) =	ssettag $0x2  }
0x26e: {  	s0 =	rddreg [dreg:$0x0];
	s2 =	stileid.u32  }
0x26f: {  	s1 =	rddreg [dreg:$0x1];
	p0 =	sne.s32 s2, $0x0  }
0x270: {  	s3 =	rddreg [dreg:$0x2];
	[bflag:$0x3] =	sbarrier.arrive $0xFFFF;
	s2 =	simm.s32 @!p0 $0x1C02  }
0x271: {  	[timem:s3], [sflag:s2] =	dma.local @!p0 [hbm:s0], s1  }
0x272: {  	s0 =	simm.s32 @!p0 $0x2  }
0x273: {  	_ =	swait.ge @!p0 [sflag:s0], s1  }
0x274: {  	s1 =	ssub.s32 @!p0 $0x0, s1;
	[sflag:s0] =	ssyncset.done @!p0 $0x0  }
0x275: {  	[sflag:s0] =	ssyncadd.s32 @!p0 s1  }
0x276: {  	[bflag:$0x3] =	sbarrier.arrive $0xFFFF  }
0x277: {  	_ =	shalt  }

</sc_bundles>
